<compile_context>
chip_gen: v7x
topology: tpu7x:2x2x1
jax: 0.10.2.dev20260603
libtpu: 0.0.44.dev20260713+nightly
codegen_flags: <defaults>
</compile_context>

<pallas_src>
import functools

import jax
import jax.numpy as jnp
from jax import lax
from jax.experimental import pallas as pl
from jax.experimental.pallas import tpu as pltpu
from jax.experimental.pallas import tpu_sc as plsc

F32 = jnp.float32

NC = 2
NS = 16
NW = NC * NS
H = 64
NPAD = 10240
BT = 1024

_SC_PARAMS = pltpu.CompilerParams(use_tc_tiling_on_sc=False)


def _fill_tail(idx_ref, start, count, base):
    def body(t, carry):
        idx_ref[pl.ds(start + t * 16, 16)] = base + t * 16 + lax.iota(
            jnp.int32, 16)
        return carry

    lax.fori_loop(0, count // 16, body, 0)


def _zero_rows(rows_ref, nr, F):
    z16 = jnp.zeros((16,), F32)

    def body(r, carry):
        for cc in range(F // 16):
            rows_ref[r, pl.ds(cc * 16, 16)] = z16
        return carry

    lax.fori_loop(0, nr, body, 0)


def _make_deg_kernel(N, E):
    EW = E // NW
    EWP = -(-EW // 128) * 128
    NCH = EWP // 128
    mesh = plsc.VectorSubcoreMesh(core_axis_name="c", subcore_axis_name="s")

    @functools.partial(
        pl.kernel,
        out_type=jax.ShapeDtypeStruct((NC * NPAD,), F32),
        mesh=mesh,
        scratch_types=[
            pltpu.VMEM((EWP,), jnp.int32),
            pltpu.VMEM((128,), F32),
            pltpu.VMEM((2048,), F32),
            pltpu.VMEM_SHARED((NPAD,), F32),
            pltpu.SemaphoreType.DMA,
        ],
        compiler_params=_SC_PARAMS,
    )
    def deg_kernel(ei_hbm, ones_hbm, out_hbm, dst_v, ones_v, zbuf, acc, sem):
        c = lax.axis_index("c")
        s = lax.axis_index("s")
        wid = s * NC + c
        pltpu.sync_copy(ei_hbm.at[1, pl.ds(wid * EW, EW)],
                        dst_v.at[pl.ds(0, EW)])
        pltpu.sync_copy(ones_hbm, ones_v)
        _fill_tail(dst_v, EW, EWP - EW, N)

        @pl.when(s == 0)
        def _():
            def zrow(r, carry):
                zbuf[pl.ds(r * 16, 16)] = jnp.zeros((16,), F32)
                return carry

            lax.fori_loop(0, 128, zrow, 0)
            for t in range(NPAD // 2048):
                pltpu.sync_copy(zbuf, acc.at[pl.ds(t * 2048, 2048)])

        plsc.subcore_barrier()

        def body(j, carry):
            pltpu.sync_copy(ones_v, acc.at[dst_v.at[pl.ds(j * 128, 128)]],
                            add=True)
            return carry

        lax.fori_loop(0, NCH, body, 0)
        plsc.subcore_barrier()

        @pl.when(s == 0)
        def _():
            pltpu.sync_copy(acc, out_hbm.at[pl.ds(c * NPAD, NPAD)])

    return deg_kernel


def _agg_pipeline(table, hbm_tab, src_v, dst_v, rows_a, rows_b, acc,
                  sem_a, sem_b, n_halves):
    def idx_a(j):
        return src_v.at[pl.ds((2 * j) * H, H)]

    def idx_b(j):
        return src_v.at[pl.ds((2 * j + 1) * H, H)]

    pltpu.async_copy(table.at[idx_a(0)], rows_a, sem_a)

    def body(j, carry):
        pltpu.make_async_copy(table.at[idx_a(j)], rows_a, sem_a).wait()
        pltpu.async_copy(table.at[idx_b(j)], rows_b, sem_b)
        pltpu.sync_copy(rows_a, acc.at[dst_v.at[pl.ds((2 * j) * H, H)]],
                        add=True)
        pltpu.make_async_copy(table.at[idx_b(j)], rows_b, sem_b).wait()

        @pl.when(j + 1 < n_halves // 2)
        def _():
            pltpu.async_copy(table.at[idx_a(j + 1)], rows_a, sem_a)

        pltpu.sync_copy(rows_b, acc.at[dst_v.at[pl.ds((2 * j + 1) * H, H)]],
                        add=True)
        return carry

    lax.fori_loop(0, n_halves // 2, body, 0)


def _make_agg_kernel(N, E, F):
    EW = E // NW
    EWP = -(-EW // 128) * 128
    NROW = NPAD // NS
    TR = NPAD // NS
    mesh = plsc.VectorSubcoreMesh(core_axis_name="c", subcore_axis_name="s")

    @functools.partial(
        pl.kernel,
        out_type=jax.ShapeDtypeStruct((NC * NPAD, F), F32),
        mesh=mesh,
        scratch_types=[
            pltpu.VMEM((EWP,), jnp.int32),
            pltpu.VMEM((EWP,), jnp.int32),
            pltpu.VMEM((H, F), F32),
            pltpu.VMEM((H, F), F32),
            pltpu.VMEM_SHARED((NPAD, F), F32),
            pltpu.VMEM_SHARED((NPAD, F), F32),
            pltpu.SemaphoreType.DMA,
            pltpu.SemaphoreType.DMA,
        ],
        compiler_params=_SC_PARAMS,
    )
    def agg_kernel(g_hbm, ei_hbm, out_hbm,
                   src_v, dst_v, rows_a, rows_b, acc, table, sem_a, sem_b):
        c = lax.axis_index("c")
        s = lax.axis_index("s")
        wid = s * NC + c
        pltpu.sync_copy(g_hbm.at[pl.ds(s * TR, TR)],
                        table.at[pl.ds(s * TR, TR)])
        pltpu.sync_copy(ei_hbm.at[0, pl.ds(wid * EW, EW)],
                        src_v.at[pl.ds(0, EW)])
        pltpu.sync_copy(ei_hbm.at[1, pl.ds(wid * EW, EW)],
                        dst_v.at[pl.ds(0, EW)])
        _fill_tail(src_v, EW, EWP - EW, 0)
        _fill_tail(dst_v, EW, EWP - EW, N)

        _zero_rows(rows_a, H, F)
        for t in range(NROW // H):
            pltpu.sync_copy(rows_a, acc.at[pl.ds(s * NROW + t * H, H)])
        plsc.subcore_barrier()

        _agg_pipeline(table, g_hbm, src_v, dst_v, rows_a, rows_b, acc,
                      sem_a, sem_b, EWP // H)
        plsc.subcore_barrier()
        pltpu.sync_copy(acc.at[pl.ds(s * NROW, NROW)],
                        out_hbm.at[pl.ds(c * NPAD + s * NROW, NROW)])

    return agg_kernel


def _make_agg_split_kernel(N, E, HF):
    EW = E // NW
    EW2 = 2 * EW
    EWP2 = -(-EW2 // 128) * 128
    NROW = NPAD // NS
    TR = NPAD // NS
    mesh = plsc.VectorSubcoreMesh(core_axis_name="c", subcore_axis_name="s")

    @functools.partial(
        pl.kernel,
        out_type=jax.ShapeDtypeStruct((NC * NPAD, HF), F32),
        mesh=mesh,
        scratch_types=[
            pltpu.VMEM((EWP2,), jnp.int32),
            pltpu.VMEM((EWP2,), jnp.int32),
            pltpu.VMEM((H, HF), F32),
            pltpu.VMEM((H, HF), F32),
            pltpu.VMEM_SHARED((NPAD, HF), F32),
            pltpu.VMEM_SHARED((NPAD, HF), F32),
            pltpu.SemaphoreType.DMA,
            pltpu.SemaphoreType.DMA,
        ],
        compiler_params=_SC_PARAMS,
    )
    def agg_kernel(ga_hbm, gb_hbm, ei_hbm, out_hbm,
                   src_v, dst_v, rows_a, rows_b, acc, table, sem_a, sem_b):
        c = lax.axis_index("c")
        s = lax.axis_index("s")

        @pl.when(c == 0)
        def _():
            pltpu.sync_copy(ga_hbm.at[pl.ds(s * TR, TR)],
                            table.at[pl.ds(s * TR, TR)])

        @pl.when(c == 1)
        def _():
            pltpu.sync_copy(gb_hbm.at[pl.ds(s * TR, TR)],
                            table.at[pl.ds(s * TR, TR)])

        pltpu.sync_copy(ei_hbm.at[0, pl.ds(s * EW2, EW2)],
                        src_v.at[pl.ds(0, EW2)])
        pltpu.sync_copy(ei_hbm.at[1, pl.ds(s * EW2, EW2)],
                        dst_v.at[pl.ds(0, EW2)])
        _fill_tail(src_v, EW2, EWP2 - EW2, 0)
        _fill_tail(dst_v, EW2, EWP2 - EW2, N)

        _zero_rows(rows_a, H, HF)
        for t in range(NROW // H):
            pltpu.sync_copy(rows_a, acc.at[pl.ds(s * NROW + t * H, H)])
        plsc.subcore_barrier()

        @pl.when(c == 0)
        def _():
            _agg_pipeline(table, ga_hbm, src_v, dst_v, rows_a, rows_b, acc,
                          sem_a, sem_b, EWP2 // H)

        @pl.when(c == 1)
        def _():
            _agg_pipeline(table, gb_hbm, src_v, dst_v, rows_a, rows_b, acc,
                          sem_a, sem_b, EWP2 // H)

        plsc.subcore_barrier()
        pltpu.sync_copy(acc.at[pl.ds(s * NROW, NROW)],
                        out_hbm.at[pl.ds(c * NPAD + s * NROW, NROW)])

    return agg_kernel



def _g1_body(x_ref, degp_ref, w_ref, ga_ref, gb_ref, dis_ref):
    deg = degp_ref[:, 0:1] + degp_ref[:, 1:2] + 1.0
    dis = lax.rsqrt(deg)
    dis_ref[...] = dis
    g = jnp.dot(x_ref[...] * dis, w_ref[...], preferred_element_type=F32)
    ga_ref[...] = g[:, :64]
    gb_ref[...] = g[:, 64:]


def _layer12_body(aggA_ref, aggB_ref, ga_ref, gb_ref, dis_ref, b_ref, w_ref,
                  o_ref):
    dis = dis_ref[...]
    ha = jnp.maximum((aggA_ref[...] + ga_ref[...]) * dis + b_ref[:, :64], 0.0)
    hb = jnp.maximum((aggB_ref[...] + gb_ref[...]) * dis + b_ref[:, 64:], 0.0)
    o_ref[...] = (jnp.dot(ha * dis, w_ref[:64], preferred_element_type=F32) +
                  jnp.dot(hb * dis, w_ref[64:], preferred_element_type=F32))


def _layer_body(p0_ref, p1_ref, g_ref, dis_ref, b_ref, w_ref, o_ref):
    a = p0_ref[...] + p1_ref[...] + g_ref[...]
    h = jnp.maximum(a * dis_ref[...] + b_ref[...], 0.0)
    o_ref[...] = jnp.dot(h * dis_ref[...], w_ref[...],
                         preferred_element_type=F32)


def _make_final_body(NG, NB, FH):
    def final_body(p0_ref, p1_ref, g_ref, dis_ref, b_ref, batch_ref, wc_ref,
                   bc_ref, o_ref, acc_ref):
        i = pl.program_id(0)

        @pl.when(i == 0)
        def _():
            acc_ref[...] = jnp.zeros_like(acc_ref)

        a = p0_ref[...] + p1_ref[...] + g_ref[...]
        h = jnp.maximum(a * dis_ref[...] + b_ref[...], 0.0)
        b = batch_ref[0, 0, :]
        onehot = (b[None, :] ==
                  lax.broadcasted_iota(jnp.int32, (NG, BT), 0)).astype(F32)
        hx = jnp.concatenate([h, jnp.ones((BT, 1), F32)], axis=1)
        acc_ref[...] += jnp.dot(onehot, hx, preferred_element_type=F32)

        @pl.when(i == NB - 1)
        def _():
            sums = acc_ref[:, :FH]
            cnt = jnp.maximum(acc_ref[:, FH:FH + 1], 1.0)
            pooled = sums / cnt
            logits = jnp.dot(pooled, wc_ref[...], preferred_element_type=F32) \
                + bc_ref[...]
            m = jnp.max(logits, axis=1, keepdims=True)
            lse = jnp.log(jnp.sum(jnp.exp(logits - m), axis=1,
                                  keepdims=True)) + m
            o_ref[...] = logits - lse

    return final_body



def kernel(x, edge_index, batch, W1, b1, W2, b2, W3, b3, Wc, bc):
    N, F_IN = x.shape
    E = edge_index.shape[1]
    NG = 64
    NB = NPAD // BT

    ei = edge_index.astype(jnp.int32)
    xp = jnp.pad(x, ((0, NPAD - N), (0, 0)))
    batchp = jnp.pad(batch.astype(jnp.int32), (0, NPAD - N),
                     constant_values=NG)
    batch3 = batchp.reshape(NB, 1, BT)
    ones_k = jnp.ones((128,), F32)

    degp = _make_deg_kernel(N, E)(ei, ones_k)
    degpT = degp.reshape(NC, NPAD).T

    g1a, g1b, dis = pl.pallas_call(
        _g1_body,
        grid=(NB,),
        in_specs=[pl.BlockSpec((BT, F_IN), lambda i: (i, 0)),
                  pl.BlockSpec((BT, 2), lambda i: (i, 0)),
                  pl.BlockSpec((F_IN, 128), lambda i: (0, 0))],
        out_specs=[pl.BlockSpec((BT, 64), lambda i: (i, 0)),
                   pl.BlockSpec((BT, 64), lambda i: (i, 0)),
                   pl.BlockSpec((BT, 1), lambda i: (i, 0))],
        out_shape=[jax.ShapeDtypeStruct((NPAD, 64), F32),
                   jax.ShapeDtypeStruct((NPAD, 64), F32),
                   jax.ShapeDtypeStruct((NPAD, 1), F32)],
    )(xp, degpT, W1)

    agg1 = _make_agg_split_kernel(N, E, 64)(g1a, g1b, ei)
    g2 = pl.pallas_call(
        _layer12_body,
        grid=(NB,),
        in_specs=[pl.BlockSpec((BT, 64), lambda i: (i, 0)),
                  pl.BlockSpec((BT, 64), lambda i: (NB + i, 0)),
                  pl.BlockSpec((BT, 64), lambda i: (i, 0)),
                  pl.BlockSpec((BT, 64), lambda i: (i, 0)),
                  pl.BlockSpec((BT, 1), lambda i: (i, 0)),
                  pl.BlockSpec((1, 128), lambda i: (0, 0)),
                  pl.BlockSpec((128, 64), lambda i: (0, 0))],
        out_specs=pl.BlockSpec((BT, 64), lambda i: (i, 0)),
        out_shape=jax.ShapeDtypeStruct((NPAD, 64), F32),
    )(agg1, agg1, g1a, g1b, dis, b1.reshape(1, -1), W2)

    agg2 = _make_agg_kernel(N, E, 64)(g2, ei)
    g3 = pl.pallas_call(
        _layer_body,
        grid=(NB,),
        in_specs=[pl.BlockSpec((BT, 64), lambda i: (i, 0)),
                  pl.BlockSpec((BT, 64), lambda i: (NB + i, 0)),
                  pl.BlockSpec((BT, 64), lambda i: (i, 0)),
                  pl.BlockSpec((BT, 1), lambda i: (i, 0)),
                  pl.BlockSpec((1, 64), lambda i: (0, 0)),
                  pl.BlockSpec((64, 32), lambda i: (0, 0))],
        out_specs=pl.BlockSpec((BT, 32), lambda i: (i, 0)),
        out_shape=jax.ShapeDtypeStruct((NPAD, 32), F32),
    )(agg2, agg2, g2, dis, b2.reshape(1, -1), W3)

    agg3 = _make_agg_kernel(N, E, 32)(g3, ei)

    out = pl.pallas_call(
        _make_final_body(NG, NB, 32),
        grid=(NB,),
        in_specs=[pl.BlockSpec((BT, 32), lambda i: (i, 0)),
                  pl.BlockSpec((BT, 32), lambda i: (NB + i, 0)),
                  pl.BlockSpec((BT, 32), lambda i: (i, 0)),
                  pl.BlockSpec((BT, 1), lambda i: (i, 0)),
                  pl.BlockSpec((1, 32), lambda i: (0, 0)),
                  pl.BlockSpec((1, 1, BT), lambda i: (i, 0, 0)),
                  pl.BlockSpec((32, 10), lambda i: (0, 0)),
                  pl.BlockSpec((1, 10), lambda i: (0, 0))],
        out_specs=pl.BlockSpec((NG, 10), lambda i: (0, 0)),
        out_shape=jax.ShapeDtypeStruct((NG, 10), F32),
        scratch_shapes=[pltpu.VMEM((NG, 33), F32)],
    )(agg3, agg3, g3, dis, b3.reshape(1, -1), batch3, Wc, bc.reshape(1, -1))

    return out

# --- scband reference (transcript-rebuilt; emitter-appended) ---
"""Pipeline reference for scband-graph-classifier-52020643889633 (READ-ONLY COPY).

The authoritative reference and input builder live on the scoring server;
editing this copy changes nothing except your own understanding.
"""

import jax, jax.numpy as jnp
import numpy as np

N = 10000
E = 320000
F_IN = 128
NUM_CLASSES = 10
NUM_GRAPHS = 64
# hidden_channels = [128, 128, 64, 32]


def setup_inputs(seed: int = 0) -> dict:
    key = jax.random.key(seed)
    ks = jax.random.split(key, 12)
    x = jax.random.normal(ks[0], (N, F_IN), dtype=jnp.float32)
    edge_index = jax.random.randint(ks[1], (2, E), 0, N)
    batch = jnp.sort(jax.random.randint(ks[2], (N,), 0, NUM_GRAPHS))
    s = 0.05
    W1 = jax.random.normal(ks[3], (128, 128), jnp.float32) * s
    b1 = jnp.zeros((128,), jnp.float32)
    W2 = jax.random.normal(ks[4], (128, 64), jnp.float32) * s
    b2 = jnp.zeros((64,), jnp.float32)
    W3 = jax.random.normal(ks[5], (64, 32), jnp.float32) * s
    b3 = jnp.zeros((32,), jnp.float32)
    Wc = jax.random.normal(ks[6], (32, NUM_CLASSES), jnp.float32) * s
    bc = jnp.zeros((NUM_CLASSES,), jnp.float32)
    return {"x": x, "edge_index": edge_index, "batch": batch,
            "W1": W1, "b1": b1, "W2": W2, "b2": b2, "W3": W3, "b3": b3,
            "Wc": Wc, "bc": bc}


def gcn_conv(x, W, b, src, dst):
    # PyG GCNConv: h = X W; gcn_norm with self-loops; aggregate to dst; add bias
    h = x @ W
    sl = jnp.arange(N, dtype=src.dtype)
    src2 = jnp.concatenate([src, sl])
    dst2 = jnp.concatenate([dst, sl])
    deg = jax.ops.segment_sum(jnp.ones(src2.shape[0], h.dtype), dst2, num_segments=N)
    dis = jnp.where(deg > 0, jax.lax.rsqrt(jnp.maximum(deg, 1e-12)), 0.0)
    norm = dis[src2] * dis[dst2]
    msg = h[src2] * norm[:, None]
    out = jax.ops.segment_sum(msg, dst2, num_segments=N)
    return out + b


def reference(x, edge_index, batch, W1, b1, W2, b2, W3, b3, Wc, bc):
    src = edge_index[0]
    dst = edge_index[1]
    h = jax.nn.relu(gcn_conv(x, W1, b1, src, dst))
    # dropout is identity in eval mode
    h = jax.nn.relu(gcn_conv(h, W2, b2, src, dst))
    h = jax.nn.relu(gcn_conv(h, W3, b3, src, dst))
    # global_mean_pool
    sums = jax.ops.segment_sum(h, batch, num_segments=NUM_GRAPHS)
    counts = jax.ops.segment_sum(jnp.ones((N,), h.dtype), batch, num_segments=NUM_GRAPHS)
    pooled = sums / jnp.maximum(counts, 1.0)[:, None]
    logits = pooled @ Wc + bc
    return jax.nn.log_softmax(logits, axis=1)

if __name__ == "__main__":
    import jax
    _d = setup_inputs()
    print(jax.jit(kernel)(*tuple(_d.values())))

</pallas_src>

<mosaic_0001>
#map = affine_map<(d0, d1) -> (0, 0)>
module attributes {stable_mosaic.version = 14 : i64} {
  func.func @agg_kernel(%arg0: i32, %arg1: i32, %arg2: memref<10240x32xf32, #tpu.memory_space<hbm>>, %arg3: memref<2x320000xi32, #tpu.memory_space<hbm>>, %arg4: memref<20480x32xf32, #tpu.memory_space<hbm>>, %arg5: memref<10112xi32, #tpu.memory_space<vmem>>, %arg6: memref<10112xi32, #tpu.memory_space<vmem>>, %arg7: memref<64x32xf32, #tpu.memory_space<vmem>>, %arg8: memref<64x32xf32, #tpu.memory_space<vmem>>, %arg9: memref<10240x32xf32, #tpu.memory_space<vmem_shared>>, %arg10: memref<10240x32xf32, #tpu.memory_space<vmem_shared>>, %arg11: memref<!tpu.dma_semaphore, #tpu.memory_space<semaphore_mem>>, %arg12: memref<!tpu.dma_semaphore, #tpu.memory_space<semaphore_mem>>) attributes {dimension_semantics = [#tpu.dimension_semantics<core_parallel>, #tpu.dimension_semantics<subcore_parallel>], iteration_bounds = array<i64: 2, 16>, scalar_prefetch = 0 : i64, scratch_operands = 8 : i64, tpu.core_type = #tpu.core_type<sc_vector_subcore>, window_params = [{transform_indices = #map}, {transform_indices = #map}, {transform_indices = #map}]} {
    %mul3A = arith.constant 2 : i32
    %mul3A_0 = arith.muli %arg1, %mul3A : i32
    %add3A = arith.addi %mul3A_0, %arg0 : i32
    %mul3A_1 = arith.constant 640 : i32
    %mul3A_2 = arith.muli %arg1, %mul3A_1 : i32
    %mul3A_3 = arith.constant 640 : i32
    %mul3A_4 = arith.muli %arg1, %mul3A_3 : i32
    "tpu.region"() ({
      %run_scoped3A_86 = tpu.sem_alloc : memref<!tpu.dma_semaphore, #tpu.memory_space<semaphore_mem>>
      %dma_start3A_87 = arith.constant 0 : i32
      %dma_start3A_88 = tpu.memref_slice %arg10[%mul3A_4, %dma_start3A_87] : memref<10240x32xf32, #tpu.memory_space<vmem_shared>> -> memref<640x32xf32, #tpu.memory_space<vmem_shared>>
      %dma_start3A_89 = arith.constant 0 : i32
      %dma_start3A_90 = tpu.memref_slice %arg2[%mul3A_2, %dma_start3A_89] : memref<10240x32xf32, #tpu.memory_space<hbm>> -> memref<640x32xf32, #tpu.memory_space<hbm>>
      tpu.enqueue_dma source(%dma_start3A_90 : memref<640x32xf32, #tpu.memory_space<hbm>>) target(%dma_start3A_88 : memref<640x32xf32, #tpu.memory_space<vmem_shared>>) target_semaphore(%run_scoped3A_86 : memref<!tpu.dma_semaphore, #tpu.memory_space<semaphore_mem>>)
      %dma_wait3A = arith.constant 0 : i32
      %dma_wait3A_91 = tpu.memref_slice %arg10[%mul3A_4, %dma_wait3A] : memref<10240x32xf32, #tpu.memory_space<vmem_shared>> -> memref<640x32xf32, #tpu.memory_space<vmem_shared>>
      %dma_wait3A_92 = arith.constant 0 : i32
      %dma_wait3A_93 = tpu.memref_slice %arg2[%mul3A_2, %dma_wait3A_92] : memref<10240x32xf32, #tpu.memory_space<hbm>> -> memref<640x32xf32, #tpu.memory_space<hbm>>
      tpu.wait_dma2 semaphore(%run_scoped3A_86 : memref<!tpu.dma_semaphore, #tpu.memory_space<semaphore_mem>>) src(%dma_wait3A_93 : memref<640x32xf32, #tpu.memory_space<hbm>>) dst(%dma_wait3A_91 : memref<640x32xf32, #tpu.memory_space<vmem_shared>>)
      tpu.yield
    }) : () -> ()
    %mul3A_5 = arith.constant 10000 : i32
    %mul3A_6 = arith.muli %add3A, %mul3A_5 : i32
    %run_scoped3A = arith.constant 0 : i32
    "tpu.region"() ({
      %run_scoped3A_86 = tpu.sem_alloc : memref<!tpu.dma_semaphore, #tpu.memory_space<semaphore_mem>>
      %dma_start3A_87 = arith.constant 0 : i32
      %dma_start3A_88 = tpu.memref_slice %arg5[%dma_start3A_87] : memref<10112xi32, #tpu.memory_space<vmem>> -> memref<10000xi32, #tpu.memory_space<vmem>>
      %dma_start3A_89 = tpu.memref_slice %arg3[%run_scoped3A, %mul3A_6] : memref<2x320000xi32, #tpu.memory_space<hbm>> -> memref<1x10000xi32, #tpu.memory_space<hbm>>
      %dma_start3A_90 = tpu.memref_squeeze %dma_start3A_89 : memref<1x10000xi32, #tpu.memory_space<hbm>> -> memref<10000xi32, #tpu.memory_space<hbm>>
      %dma_start3A_91 = arith.constant 0 : i32
      %dma_start3A_92 = tpu.memref_slice %arg5[%dma_start3A_91] : memref<10112xi32, #tpu.memory_space<vmem>> -> memref<10000xi32, #tpu.memory_space<vmem>>
      %dma_start3A_93 = tpu.memref_slice %arg3[%run_scoped3A, %mul3A_6] : memref<2x320000xi32, #tpu.memory_space<hbm>> -> memref<1x10000xi32, #tpu.memory_space<hbm>>
      %dma_start3A_94 = tpu.memref_squeeze %dma_start3A_93 : memref<1x10000xi32, #tpu.memory_space<hbm>> -> memref<10000xi32, #tpu.memory_space<hbm>>
      tpu.enqueue_dma source(%dma_start3A_94 : memref<10000xi32, #tpu.memory_space<hbm>>) target(%dma_start3A_92 : memref<10000xi32, #tpu.memory_space<vmem>>) target_semaphore(%run_scoped3A_86 : memref<!tpu.dma_semaphore, #tpu.memory_space<semaphore_mem>>)
      %dma_wait3A = arith.constant 0 : i32
      %dma_wait3A_95 = tpu.memref_slice %arg5[%dma_wait3A] : memref<10112xi32, #tpu.memory_space<vmem>> -> memref<10000xi32, #tpu.memory_space<vmem>>
      %dma_wait3A_96 = tpu.memref_slice %arg3[%run_scoped3A, %mul3A_6] : memref<2x320000xi32, #tpu.memory_space<hbm>> -> memref<1x10000xi32, #tpu.memory_space<hbm>>
      %dma_wait3A_97 = tpu.memref_squeeze %dma_wait3A_96 : memref<1x10000xi32, #tpu.memory_space<hbm>> -> memref<10000xi32, #tpu.memory_space<hbm>>
      %dma_wait3A_98 = arith.constant 0 : i32
      %dma_wait3A_99 = tpu.memref_slice %arg5[%dma_wait3A_98] : memref<10112xi32, #tpu.memory_space<vmem>> -> memref<10000xi32, #tpu.memory_space<vmem>>
      %dma_wait3A_100 = tpu.memref_slice %arg3[%run_scoped3A, %mul3A_6] : memref<2x320000xi32, #tpu.memory_space<hbm>> -> memref<1x10000xi32, #tpu.memory_space<hbm>>
      %dma_wait3A_101 = tpu.memref_squeeze %dma_wait3A_100 : memref<1x10000xi32, #tpu.memory_space<hbm>> -> memref<10000xi32, #tpu.memory_space<hbm>>
      tpu.wait_dma2 semaphore(%run_scoped3A_86 : memref<!tpu.dma_semaphore, #tpu.memory_space<semaphore_mem>>) src(%dma_wait3A_101 : memref<10000xi32, #tpu.memory_space<hbm>>) dst(%dma_wait3A_99 : memref<10000xi32, #tpu.memory_space<vmem>>)
      tpu.yield
    }) : () -> ()
    %mul3A_7 = arith.constant 10000 : i32
    %mul3A_8 = arith.muli %add3A, %mul3A_7 : i32
    %run_scoped3A_9 = arith.constant 1 : i32
    "tpu.region"() ({
      %run_scoped3A_86 = tpu.sem_alloc : memref<!tpu.dma_semaphore, #tpu.memory_space<semaphore_mem>>
      %dma_start3A_87 = arith.constant 0 : i32
      %dma_start3A_88 = tpu.memref_slice %arg6[%dma_start3A_87] : memref<10112xi32, #tpu.memory_space<vmem>> -> memref<10000xi32, #tpu.memory_space<vmem>>
      %dma_start3A_89 = tpu.memref_slice %arg3[%run_scoped3A_9, %mul3A_8] : memref<2x320000xi32, #tpu.memory_space<hbm>> -> memref<1x10000xi32, #tpu.memory_space<hbm>>
      %dma_start3A_90 = tpu.memref_squeeze %dma_start3A_89 : memref<1x10000xi32, #tpu.memory_space<hbm>> -> memref<10000xi32, #tpu.memory_space<hbm>>
      %dma_start3A_91 = arith.constant 0 : i32
      %dma_start3A_92 = tpu.memref_slice %arg6[%dma_start3A_91] : memref<10112xi32, #tpu.memory_space<vmem>> -> memref<10000xi32, #tpu.memory_space<vmem>>
      %dma_start3A_93 = tpu.memref_slice %arg3[%run_scoped3A_9, %mul3A_8] : memref<2x320000xi32, #tpu.memory_space<hbm>> -> memref<1x10000xi32, #tpu.memory_space<hbm>>
      %dma_start3A_94 = tpu.memref_squeeze %dma_start3A_93 : memref<1x10000xi32, #tpu.memory_space<hbm>> -> memref<10000xi32, #tpu.memory_space<hbm>>
      tpu.enqueue_dma source(%dma_start3A_94 : memref<10000xi32, #tpu.memory_space<hbm>>) target(%dma_start3A_92 : memref<10000xi32, #tpu.memory_space<vmem>>) target_semaphore(%run_scoped3A_86 : memref<!tpu.dma_semaphore, #tpu.memory_space<semaphore_mem>>)
      %dma_wait3A = arith.constant 0 : i32
      %dma_wait3A_95 = tpu.memref_slice %arg6[%dma_wait3A] : memref<10112xi32, #tpu.memory_space<vmem>> -> memref<10000xi32, #tpu.memory_space<vmem>>
      %dma_wait3A_96 = tpu.memref_slice %arg3[%run_scoped3A_9, %mul3A_8] : memref<2x320000xi32, #tpu.memory_space<hbm>> -> memref<1x10000xi32, #tpu.memory_space<hbm>>
      %dma_wait3A_97 = tpu.memref_squeeze %dma_wait3A_96 : memref<1x10000xi32, #tpu.memory_space<hbm>> -> memref<10000xi32, #tpu.memory_space<hbm>>
      %dma_wait3A_98 = arith.constant 0 : i32
      %dma_wait3A_99 = tpu.memref_slice %arg6[%dma_wait3A_98] : memref<10112xi32, #tpu.memory_space<vmem>> -> memref<10000xi32, #tpu.memory_space<vmem>>
      %dma_wait3A_100 = tpu.memref_slice %arg3[%run_scoped3A_9, %mul3A_8] : memref<2x320000xi32, #tpu.memory_space<hbm>> -> memref<1x10000xi32, #tpu.memory_space<hbm>>
      %dma_wait3A_101 = tpu.memref_squeeze %dma_wait3A_100 : memref<1x10000xi32, #tpu.memory_space<hbm>> -> memref<10000xi32, #tpu.memory_space<hbm>>
      tpu.wait_dma2 semaphore(%run_scoped3A_86 : memref<!tpu.dma_semaphore, #tpu.memory_space<semaphore_mem>>) src(%dma_wait3A_101 : memref<10000xi32, #tpu.memory_space<hbm>>) dst(%dma_wait3A_99 : memref<10000xi32, #tpu.memory_space<vmem>>)
      tpu.yield
    }) : () -> ()
    %scan3A = arith.constant 0 : i32
    %scan3A_10 = arith.constant 0 : i32
    %scan3A_11 = arith.constant 7 : i32
    %scan3A_12 = arith.addi %scan3A_10, %scan3A_11 : i32
    %scan3A_13 = arith.constant 1 : i32
    scf.for %scan3A_86 = %scan3A_10 to %scan3A_12 step %scan3A_13  : i32 {
      %mul3A_87 = arith.constant 16 : i32
      %mul3A_88 = arith.muli %scan3A_86, %mul3A_87 : i32
      %add3A_89 = arith.constant 0 : i32
      %add3A_90 = arith.addi %add3A_89, %mul3A_88 : i32
      %iota3A = tpu.iota {dimensions = array<i32: 0>} : vector<16xi32>
      %add3A_91 = vector.broadcast %add3A_90 : i32 to vector<16xi32>
      %add3A_92 = arith.addi %add3A_91, %iota3A : vector<16xi32>
      %mul3A_93 = arith.constant 16 : i32
      %mul3A_94 = arith.muli %scan3A_86, %mul3A_93 : i32
      %add3A_95 = arith.constant 10000 : i32
      %add3A_96 = arith.addi %add3A_95, %mul3A_94 : i32
      %swap3A = arith.index_cast %add3A_96 : i32 to index
      %swap3A_97 = tpu.vector_load %arg5[%swap3A] {strides = array<i32>} : memref<10112xi32, #tpu.memory_space<vmem>>, vector<16xi32>,
      %swap3A_98 = vector.shape_cast %swap3A_97 : vector<16xi32> to vector<16xi32>
      %swap3A_99 = vector.shape_cast %add3A_92 : vector<16xi32> to vector<16xi32>
      tpu.vector_store %arg5[%swap3A], %swap3A_99 {strides = array<i32>} : memref<10112xi32, #tpu.memory_space<vmem>>, vector<16xi32>,
    }
    %scan3A_14 = arith.constant 7 : i32
    %scan3A_15 = arith.constant 0 : i32
    %scan3A_16 = arith.constant 0 : i32
    %scan3A_17 = arith.constant 7 : i32
    %scan3A_18 = arith.addi %scan3A_16, %scan3A_17 : i32
    %scan3A_19 = arith.constant 1 : i32
    scf.for %scan3A_86 = %scan3A_16 to %scan3A_18 step %scan3A_19  : i32 {
      %mul3A_87 = arith.constant 16 : i32
      %mul3A_88 = arith.muli %scan3A_86, %mul3A_87 : i32
      %add3A_89 = arith.constant 10000 : i32
      %add3A_90 = arith.addi %add3A_89, %mul3A_88 : i32
      %iota3A = tpu.iota {dimensions = array<i32: 0>} : vector<16xi32>
      %add3A_91 = vector.broadcast %add3A_90 : i32 to vector<16xi32>
      %add3A_92 = arith.addi %add3A_91, %iota3A : vector<16xi32>
      %mul3A_93 = arith.constant 16 : i32
      %mul3A_94 = arith.muli %scan3A_86, %mul3A_93 : i32
      %add3A_95 = arith.constant 10000 : i32
      %add3A_96 = arith.addi %add3A_95, %mul3A_94 : i32
      %swap3A = arith.index_cast %add3A_96 : i32 to index
      %swap3A_97 = tpu.vector_load %arg6[%swap3A] {strides = array<i32>} : memref<10112xi32, #tpu.memory_space<vmem>>, vector<16xi32>,
      %swap3A_98 = vector.shape_cast %swap3A_97 : vector<16xi32> to vector<16xi32>
      %swap3A_99 = vector.shape_cast %add3A_92 : vector<16xi32> to vector<16xi32>
      tpu.vector_store %arg6[%swap3A], %swap3A_99 {strides = array<i32>} : memref<10112xi32, #tpu.memory_space<vmem>>, vector<16xi32>,
    }
    %scan3A_20 = arith.constant 7 : i32
    %broadcast_in_dim3A = arith.constant 0.000000e+00 : f32
    %broadcast_in_dim3A_21 = vector.broadcast %broadcast_in_dim3A : f32 to vector<16xf32>
    %scan3A_22 = arith.constant 0 : i32
    %scan3A_23 = arith.constant 0 : i32
    %scan3A_24 = arith.constant 64 : i32
    %scan3A_25 = arith.addi %scan3A_23, %scan3A_24 : i32
    %scan3A_26 = arith.constant 1 : i32
    scf.for %scan3A_86 = %scan3A_23 to %scan3A_25 step %scan3A_26  : i32 {
      %swap3A = arith.index_cast %scan3A_86 : i32 to index
      %swap3A_87 = arith.constant 0 : index
      %swap3A_88 = tpu.vector_load %arg7[%swap3A, %swap3A_87] {strides = array<i32>} : memref<64x32xf32, #tpu.memory_space<vmem>>, vector<1x16xf32>,
      %swap3A_89 = vector.shape_cast %swap3A_88 : vector<1x16xf32> to vector<16xf32>
      %swap3A_90 = vector.shape_cast %broadcast_in_dim3A_21 : vector<16xf32> to vector<1x16xf32>
      tpu.vector_store %arg7[%swap3A, %swap3A_87], %swap3A_90 {strides = array<i32>} : memref<64x32xf32, #tpu.memory_space<vmem>>, vector<1x16xf32>,
      %swap3A_91 = arith.index_cast %scan3A_86 : i32 to index
      %swap3A_92 = arith.constant 16 : index
      %swap3A_93 = tpu.vector_load %arg7[%swap3A_91, %swap3A_92] {strides = array<i32>} : memref<64x32xf32, #tpu.memory_space<vmem>>, vector<1x16xf32>,
      %swap3A_94 = vector.shape_cast %swap3A_93 : vector<1x16xf32> to vector<16xf32>
      %swap3A_95 = vector.shape_cast %broadcast_in_dim3A_21 : vector<16xf32> to vector<1x16xf32>
      tpu.vector_store %arg7[%swap3A_91, %swap3A_92], %swap3A_95 {strides = array<i32>} : memref<64x32xf32, #tpu.memory_space<vmem>>, vector<1x16xf32>,
    }
    %scan3A_27 = arith.constant 64 : i32
    %mul3A_28 = arith.constant 640 : i32
    %mul3A_29 = arith.muli %arg1, %mul3A_28 : i32
    %add3A_30 = arith.constant 0 : i32
    %add3A_31 = arith.addi %mul3A_29, %add3A_30 : i32
    "tpu.region"() ({
      %run_scoped3A_86 = tpu.sem_alloc : memref<!tpu.dma_semaphore, #tpu.memory_space<semaphore_mem>>
      %dma_start3A_87 = arith.constant 0 : i32
      %dma_start3A_88 = tpu.memref_slice %arg9[%add3A_31, %dma_start3A_87] : memref<10240x32xf32, #tpu.memory_space<vmem_shared>> -> memref<64x32xf32, #tpu.memory_space<vmem_shared>>
      %dma_start3A_89 = arith.constant 0 : i32
      %dma_start3A_90 = tpu.memref_slice %arg9[%add3A_31, %dma_start3A_89] : memref<10240x32xf32, #tpu.memory_space<vmem_shared>> -> memref<64x32xf32, #tpu.memory_space<vmem_shared>>
      tpu.enqueue_dma source(%arg7 : memref<64x32xf32, #tpu.memory_space<vmem>>) target(%dma_start3A_90 : memref<64x32xf32, #tpu.memory_space<vmem_shared>>) target_semaphore(%run_scoped3A_86 : memref<!tpu.dma_semaphore, #tpu.memory_space<semaphore_mem>>)
      %dma_wait3A = arith.constant 0 : i32
      %dma_wait3A_91 = tpu.memref_slice %arg9[%add3A_31, %dma_wait3A] : memref<10240x32xf32, #tpu.memory_space<vmem_shared>> -> memref<64x32xf32, #tpu.memory_space<vmem_shared>>
      %dma_wait3A_92 = arith.constant 0 : i32
      %dma_wait3A_93 = tpu.memref_slice %arg9[%add3A_31, %dma_wait3A_92] : memref<10240x32xf32, #tpu.memory_space<vmem_shared>> -> memref<64x32xf32, #tpu.memory_space<vmem_shared>>
      tpu.wait_dma2 semaphore(%run_scoped3A_86 : memref<!tpu.dma_semaphore, #tpu.memory_space<semaphore_mem>>) src(%arg7 : memref<64x32xf32, #tpu.memory_space<vmem>>) dst(%dma_wait3A_93 : memref<64x32xf32, #tpu.memory_space<vmem_shared>>)
      tpu.yield
    }) : () -> ()
    %mul3A_32 = arith.constant 640 : i32
    %mul3A_33 = arith.muli %arg1, %mul3A_32 : i32
    %add3A_34 = arith.constant 64 : i32
    %add3A_35 = arith.addi %mul3A_33, %add3A_34 : i32
    "tpu.region"() ({
      %run_scoped3A_86 = tpu.sem_alloc : memref<!tpu.dma_semaphore, #tpu.memory_space<semaphore_mem>>
      %dma_start3A_87 = arith.constant 0 : i32
      %dma_start3A_88 = tpu.memref_slice %arg9[%add3A_35, %dma_start3A_87] : memref<10240x32xf32, #tpu.memory_space<vmem_shared>> -> memref<64x32xf32, #tpu.memory_space<vmem_shared>>
      %dma_start3A_89 = arith.constant 0 : i32
      %dma_start3A_90 = tpu.memref_slice %arg9[%add3A_35, %dma_start3A_89] : memref<10240x32xf32, #tpu.memory_space<vmem_shared>> -> memref<64x32xf32, #tpu.memory_space<vmem_shared>>
      tpu.enqueue_dma source(%arg7 : memref<64x32xf32, #tpu.memory_space<vmem>>) target(%dma_start3A_90 : memref<64x32xf32, #tpu.memory_space<vmem_shared>>) target_semaphore(%run_scoped3A_86 : memref<!tpu.dma_semaphore, #tpu.memory_space<semaphore_mem>>)
      %dma_wait3A = arith.constant 0 : i32
      %dma_wait3A_91 = tpu.memref_slice %arg9[%add3A_35, %dma_wait3A] : memref<10240x32xf32, #tpu.memory_space<vmem_shared>> -> memref<64x32xf32, #tpu.memory_space<vmem_shared>>
      %dma_wait3A_92 = arith.constant 0 : i32
      %dma_wait3A_93 = tpu.memref_slice %arg9[%add3A_35, %dma_wait3A_92] : memref<10240x32xf32, #tpu.memory_space<vmem_shared>> -> memref<64x32xf32, #tpu.memory_space<vmem_shared>>
      tpu.wait_dma2 semaphore(%run_scoped3A_86 : memref<!tpu.dma_semaphore, #tpu.memory_space<semaphore_mem>>) src(%arg7 : memref<64x32xf32, #tpu.memory_space<vmem>>) dst(%dma_wait3A_93 : memref<64x32xf32, #tpu.memory_space<vmem_shared>>)
      tpu.yield
    }) : () -> ()
    %mul3A_36 = arith.constant 640 : i32
    %mul3A_37 = arith.muli %arg1, %mul3A_36 : i32
    %add3A_38 = arith.constant 128 : i32
    %add3A_39 = arith.addi %mul3A_37, %add3A_38 : i32
    "tpu.region"() ({
      %run_scoped3A_86 = tpu.sem_alloc : memref<!tpu.dma_semaphore, #tpu.memory_space<semaphore_mem>>
      %dma_start3A_87 = arith.constant 0 : i32
      %dma_start3A_88 = tpu.memref_slice %arg9[%add3A_39, %dma_start3A_87] : memref<10240x32xf32, #tpu.memory_space<vmem_shared>> -> memref<64x32xf32, #tpu.memory_space<vmem_shared>>
      %dma_start3A_89 = arith.constant 0 : i32
      %dma_start3A_90 = tpu.memref_slice %arg9[%add3A_39, %dma_start3A_89] : memref<10240x32xf32, #tpu.memory_space<vmem_shared>> -> memref<64x32xf32, #tpu.memory_space<vmem_shared>>
      tpu.enqueue_dma source(%arg7 : memref<64x32xf32, #tpu.memory_space<vmem>>) target(%dma_start3A_90 : memref<64x32xf32, #tpu.memory_space<vmem_shared>>) target_semaphore(%run_scoped3A_86 : memref<!tpu.dma_semaphore, #tpu.memory_space<semaphore_mem>>)
      %dma_wait3A = arith.constant 0 : i32
      %dma_wait3A_91 = tpu.memref_slice %arg9[%add3A_39, %dma_wait3A] : memref<10240x32xf32, #tpu.memory_space<vmem_shared>> -> memref<64x32xf32, #tpu.memory_space<vmem_shared>>
      %dma_wait3A_92 = arith.constant 0 : i32
      %dma_wait3A_93 = tpu.memref_slice %arg9[%add3A_39, %dma_wait3A_92] : memref<10240x32xf32, #tpu.memory_space<vmem_shared>> -> memref<64x32xf32, #tpu.memory_space<vmem_shared>>
      tpu.wait_dma2 semaphore(%run_scoped3A_86 : memref<!tpu.dma_semaphore, #tpu.memory_space<semaphore_mem>>) src(%arg7 : memref<64x32xf32, #tpu.memory_space<vmem>>) dst(%dma_wait3A_93 : memref<64x32xf32, #tpu.memory_space<vmem_shared>>)
      tpu.yield
    }) : () -> ()
    %mul3A_40 = arith.constant 640 : i32
    %mul3A_41 = arith.muli %arg1, %mul3A_40 : i32
    %add3A_42 = arith.constant 192 : i32
    %add3A_43 = arith.addi %mul3A_41, %add3A_42 : i32
    "tpu.region"() ({
      %run_scoped3A_86 = tpu.sem_alloc : memref<!tpu.dma_semaphore, #tpu.memory_space<semaphore_mem>>
      %dma_start3A_87 = arith.constant 0 : i32
      %dma_start3A_88 = tpu.memref_slice %arg9[%add3A_43, %dma_start3A_87] : memref<10240x32xf32, #tpu.memory_space<vmem_shared>> -> memref<64x32xf32, #tpu.memory_space<vmem_shared>>
      %dma_start3A_89 = arith.constant 0 : i32
      %dma_start3A_90 = tpu.memref_slice %arg9[%add3A_43, %dma_start3A_89] : memref<10240x32xf32, #tpu.memory_space<vmem_shared>> -> memref<64x32xf32, #tpu.memory_space<vmem_shared>>
      tpu.enqueue_dma source(%arg7 : memref<64x32xf32, #tpu.memory_space<vmem>>) target(%dma_start3A_90 : memref<64x32xf32, #tpu.memory_space<vmem_shared>>) target_semaphore(%run_scoped3A_86 : memref<!tpu.dma_semaphore, #tpu.memory_space<semaphore_mem>>)
      %dma_wait3A = arith.constant 0 : i32
      %dma_wait3A_91 = tpu.memref_slice %arg9[%add3A_43, %dma_wait3A] : memref<10240x32xf32, #tpu.memory_space<vmem_shared>> -> memref<64x32xf32, #tpu.memory_space<vmem_shared>>
      %dma_wait3A_92 = arith.constant 0 : i32
      %dma_wait3A_93 = tpu.memref_slice %arg9[%add3A_43, %dma_wait3A_92] : memref<10240x32xf32, #tpu.memory_space<vmem_shared>> -> memref<64x32xf32, #tpu.memory_space<vmem_shared>>
      tpu.wait_dma2 semaphore(%run_scoped3A_86 : memref<!tpu.dma_semaphore, #tpu.memory_space<semaphore_mem>>) src(%arg7 : memref<64x32xf32, #tpu.memory_space<vmem>>) dst(%dma_wait3A_93 : memref<64x32xf32, #tpu.memory_space<vmem_shared>>)
      tpu.yield
    }) : () -> ()
    %mul3A_44 = arith.constant 640 : i32
    %mul3A_45 = arith.muli %arg1, %mul3A_44 : i32
    %add3A_46 = arith.constant 256 : i32
    %add3A_47 = arith.addi %mul3A_45, %add3A_46 : i32
    "tpu.region"() ({
      %run_scoped3A_86 = tpu.sem_alloc : memref<!tpu.dma_semaphore, #tpu.memory_space<semaphore_mem>>
      %dma_start3A_87 = arith.constant 0 : i32
      %dma_start3A_88 = tpu.memref_slice %arg9[%add3A_47, %dma_start3A_87] : memref<10240x32xf32, #tpu.memory_space<vmem_shared>> -> memref<64x32xf32, #tpu.memory_space<vmem_shared>>
      %dma_start3A_89 = arith.constant 0 : i32
      %dma_start3A_90 = tpu.memref_slice %arg9[%add3A_47, %dma_start3A_89] : memref<10240x32xf32, #tpu.memory_space<vmem_shared>> -> memref<64x32xf32, #tpu.memory_space<vmem_shared>>
      tpu.enqueue_dma source(%arg7 : memref<64x32xf32, #tpu.memory_space<vmem>>) target(%dma_start3A_90 : memref<64x32xf32, #tpu.memory_space<vmem_shared>>) target_semaphore(%run_scoped3A_86 : memref<!tpu.dma_semaphore, #tpu.memory_space<semaphore_mem>>)
      %dma_wait3A = arith.constant 0 : i32
      %dma_wait3A_91 = tpu.memref_slice %arg9[%add3A_47, %dma_wait3A] : memref<10240x32xf32, #tpu.memory_space<vmem_shared>> -> memref<64x32xf32, #tpu.memory_space<vmem_shared>>
      %dma_wait3A_92 = arith.constant 0 : i32
      %dma_wait3A_93 = tpu.memref_slice %arg9[%add3A_47, %dma_wait3A_92] : memref<10240x32xf32, #tpu.memory_space<vmem_shared>> -> memref<64x32xf32, #tpu.memory_space<vmem_shared>>
      tpu.wait_dma2 semaphore(%run_scoped3A_86 : memref<!tpu.dma_semaphore, #tpu.memory_space<semaphore_mem>>) src(%arg7 : memref<64x32xf32, #tpu.memory_space<vmem>>) dst(%dma_wait3A_93 : memref<64x32xf32, #tpu.memory_space<vmem_shared>>)
      tpu.yield
    }) : () -> ()
    %mul3A_48 = arith.constant 640 : i32
    %mul3A_49 = arith.muli %arg1, %mul3A_48 : i32
    %add3A_50 = arith.constant 320 : i32
    %add3A_51 = arith.addi %mul3A_49, %add3A_50 : i32
    "tpu.region"() ({
      %run_scoped3A_86 = tpu.sem_alloc : memref<!tpu.dma_semaphore, #tpu.memory_space<semaphore_mem>>
      %dma_start3A_87 = arith.constant 0 : i32
      %dma_start3A_88 = tpu.memref_slice %arg9[%add3A_51, %dma_start3A_87] : memref<10240x32xf32, #tpu.memory_space<vmem_shared>> -> memref<64x32xf32, #tpu.memory_space<vmem_shared>>
      %dma_start3A_89 = arith.constant 0 : i32
      %dma_start3A_90 = tpu.memref_slice %arg9[%add3A_51, %dma_start3A_89] : memref<10240x32xf32, #tpu.memory_space<vmem_shared>> -> memref<64x32xf32, #tpu.memory_space<vmem_shared>>
      tpu.enqueue_dma source(%arg7 : memref<64x32xf32, #tpu.memory_space<vmem>>) target(%dma_start3A_90 : memref<64x32xf32, #tpu.memory_space<vmem_shared>>) target_semaphore(%run_scoped3A_86 : memref<!tpu.dma_semaphore, #tpu.memory_space<semaphore_mem>>)
      %dma_wait3A = arith.constant 0 : i32
      %dma_wait3A_91 = tpu.memref_slice %arg9[%add3A_51, %dma_wait3A] : memref<10240x32xf32, #tpu.memory_space<vmem_shared>> -> memref<64x32xf32, #tpu.memory_space<vmem_shared>>
      %dma_wait3A_92 = arith.constant 0 : i32
      %dma_wait3A_93 = tpu.memref_slice %arg9[%add3A_51, %dma_wait3A_92] : memref<10240x32xf32, #tpu.memory_space<vmem_shared>> -> memref<64x32xf32, #tpu.memory_space<vmem_shared>>
      tpu.wait_dma2 semaphore(%run_scoped3A_86 : memref<!tpu.dma_semaphore, #tpu.memory_space<semaphore_mem>>) src(%arg7 : memref<64x32xf32, #tpu.memory_space<vmem>>) dst(%dma_wait3A_93 : memref<64x32xf32, #tpu.memory_space<vmem_shared>>)
      tpu.yield
    }) : () -> ()
    %mul3A_52 = arith.constant 640 : i32
    %mul3A_53 = arith.muli %arg1, %mul3A_52 : i32
    %add3A_54 = arith.constant 384 : i32
    %add3A_55 = arith.addi %mul3A_53, %add3A_54 : i32
    "tpu.region"() ({
      %run_scoped3A_86 = tpu.sem_alloc : memref<!tpu.dma_semaphore, #tpu.memory_space<semaphore_mem>>
      %dma_start3A_87 = arith.constant 0 : i32
      %dma_start3A_88 = tpu.memref_slice %arg9[%add3A_55, %dma_start3A_87] : memref<10240x32xf32, #tpu.memory_space<vmem_shared>> -> memref<64x32xf32, #tpu.memory_space<vmem_shared>>
      %dma_start3A_89 = arith.constant 0 : i32
      %dma_start3A_90 = tpu.memref_slice %arg9[%add3A_55, %dma_start3A_89] : memref<10240x32xf32, #tpu.memory_space<vmem_shared>> -> memref<64x32xf32, #tpu.memory_space<vmem_shared>>
      tpu.enqueue_dma source(%arg7 : memref<64x32xf32, #tpu.memory_space<vmem>>) target(%dma_start3A_90 : memref<64x32xf32, #tpu.memory_space<vmem_shared>>) target_semaphore(%run_scoped3A_86 : memref<!tpu.dma_semaphore, #tpu.memory_space<semaphore_mem>>)
      %dma_wait3A = arith.constant 0 : i32
      %dma_wait3A_91 = tpu.memref_slice %arg9[%add3A_55, %dma_wait3A] : memref<10240x32xf32, #tpu.memory_space<vmem_shared>> -> memref<64x32xf32, #tpu.memory_space<vmem_shared>>
      %dma_wait3A_92 = arith.constant 0 : i32
      %dma_wait3A_93 = tpu.memref_slice %arg9[%add3A_55, %dma_wait3A_92] : memref<10240x32xf32, #tpu.memory_space<vmem_shared>> -> memref<64x32xf32, #tpu.memory_space<vmem_shared>>
      tpu.wait_dma2 semaphore(%run_scoped3A_86 : memref<!tpu.dma_semaphore, #tpu.memory_space<semaphore_mem>>) src(%arg7 : memref<64x32xf32, #tpu.memory_space<vmem>>) dst(%dma_wait3A_93 : memref<64x32xf32, #tpu.memory_space<vmem_shared>>)
      tpu.yield
    }) : () -> ()
    %mul3A_56 = arith.constant 640 : i32
    %mul3A_57 = arith.muli %arg1, %mul3A_56 : i32
    %add3A_58 = arith.constant 448 : i32
    %add3A_59 = arith.addi %mul3A_57, %add3A_58 : i32
    "tpu.region"() ({
      %run_scoped3A_86 = tpu.sem_alloc : memref<!tpu.dma_semaphore, #tpu.memory_space<semaphore_mem>>
      %dma_start3A_87 = arith.constant 0 : i32
      %dma_start3A_88 = tpu.memref_slice %arg9[%add3A_59, %dma_start3A_87] : memref<10240x32xf32, #tpu.memory_space<vmem_shared>> -> memref<64x32xf32, #tpu.memory_space<vmem_shared>>
      %dma_start3A_89 = arith.constant 0 : i32
      %dma_start3A_90 = tpu.memref_slice %arg9[%add3A_59, %dma_start3A_89] : memref<10240x32xf32, #tpu.memory_space<vmem_shared>> -> memref<64x32xf32, #tpu.memory_space<vmem_shared>>
      tpu.enqueue_dma source(%arg7 : memref<64x32xf32, #tpu.memory_space<vmem>>) target(%dma_start3A_90 : memref<64x32xf32, #tpu.memory_space<vmem_shared>>) target_semaphore(%run_scoped3A_86 : memref<!tpu.dma_semaphore, #tpu.memory_space<semaphore_mem>>)
      %dma_wait3A = arith.constant 0 : i32
      %dma_wait3A_91 = tpu.memref_slice %arg9[%add3A_59, %dma_wait3A] : memref<10240x32xf32, #tpu.memory_space<vmem_shared>> -> memref<64x32xf32, #tpu.memory_space<vmem_shared>>
      %dma_wait3A_92 = arith.constant 0 : i32
      %dma_wait3A_93 = tpu.memref_slice %arg9[%add3A_59, %dma_wait3A_92] : memref<10240x32xf32, #tpu.memory_space<vmem_shared>> -> memref<64x32xf32, #tpu.memory_space<vmem_shared>>
      tpu.wait_dma2 semaphore(%run_scoped3A_86 : memref<!tpu.dma_semaphore, #tpu.memory_space<semaphore_mem>>) src(%arg7 : memref<64x32xf32, #tpu.memory_space<vmem>>) dst(%dma_wait3A_93 : memref<64x32xf32, #tpu.memory_space<vmem_shared>>)
      tpu.yield
    }) : () -> ()
    %mul3A_60 = arith.constant 640 : i32
    %mul3A_61 = arith.muli %arg1, %mul3A_60 : i32
    %add3A_62 = arith.constant 512 : i32
    %add3A_63 = arith.addi %mul3A_61, %add3A_62 : i32
    "tpu.region"() ({
      %run_scoped3A_86 = tpu.sem_alloc : memref<!tpu.dma_semaphore, #tpu.memory_space<semaphore_mem>>
      %dma_start3A_87 = arith.constant 0 : i32
      %dma_start3A_88 = tpu.memref_slice %arg9[%add3A_63, %dma_start3A_87] : memref<10240x32xf32, #tpu.memory_space<vmem_shared>> -> memref<64x32xf32, #tpu.memory_space<vmem_shared>>
      %dma_start3A_89 = arith.constant 0 : i32
      %dma_start3A_90 = tpu.memref_slice %arg9[%add3A_63, %dma_start3A_89] : memref<10240x32xf32, #tpu.memory_space<vmem_shared>> -> memref<64x32xf32, #tpu.memory_space<vmem_shared>>
      tpu.enqueue_dma source(%arg7 : memref<64x32xf32, #tpu.memory_space<vmem>>) target(%dma_start3A_90 : memref<64x32xf32, #tpu.memory_space<vmem_shared>>) target_semaphore(%run_scoped3A_86 : memref<!tpu.dma_semaphore, #tpu.memory_space<semaphore_mem>>)
      %dma_wait3A = arith.constant 0 : i32
      %dma_wait3A_91 = tpu.memref_slice %arg9[%add3A_63, %dma_wait3A] : memref<10240x32xf32, #tpu.memory_space<vmem_shared>> -> memref<64x32xf32, #tpu.memory_space<vmem_shared>>
      %dma_wait3A_92 = arith.constant 0 : i32
      %dma_wait3A_93 = tpu.memref_slice %arg9[%add3A_63, %dma_wait3A_92] : memref<10240x32xf32, #tpu.memory_space<vmem_shared>> -> memref<64x32xf32, #tpu.memory_space<vmem_shared>>
      tpu.wait_dma2 semaphore(%run_scoped3A_86 : memref<!tpu.dma_semaphore, #tpu.memory_space<semaphore_mem>>) src(%arg7 : memref<64x32xf32, #tpu.memory_space<vmem>>) dst(%dma_wait3A_93 : memref<64x32xf32, #tpu.memory_space<vmem_shared>>)
      tpu.yield
    }) : () -> ()
    %mul3A_64 = arith.constant 640 : i32
    %mul3A_65 = arith.muli %arg1, %mul3A_64 : i32
    %add3A_66 = arith.constant 576 : i32
    %add3A_67 = arith.addi %mul3A_65, %add3A_66 : i32
    "tpu.region"() ({
      %run_scoped3A_86 = tpu.sem_alloc : memref<!tpu.dma_semaphore, #tpu.memory_space<semaphore_mem>>
      %dma_start3A_87 = arith.constant 0 : i32
      %dma_start3A_88 = tpu.memref_slice %arg9[%add3A_67, %dma_start3A_87] : memref<10240x32xf32, #tpu.memory_space<vmem_shared>> -> memref<64x32xf32, #tpu.memory_space<vmem_shared>>
      %dma_start3A_89 = arith.constant 0 : i32
      %dma_start3A_90 = tpu.memref_slice %arg9[%add3A_67, %dma_start3A_89] : memref<10240x32xf32, #tpu.memory_space<vmem_shared>> -> memref<64x32xf32, #tpu.memory_space<vmem_shared>>
      tpu.enqueue_dma source(%arg7 : memref<64x32xf32, #tpu.memory_space<vmem>>) target(%dma_start3A_90 : memref<64x32xf32, #tpu.memory_space<vmem_shared>>) target_semaphore(%run_scoped3A_86 : memref<!tpu.dma_semaphore, #tpu.memory_space<semaphore_mem>>)
      %dma_wait3A = arith.constant 0 : i32
      %dma_wait3A_91 = tpu.memref_slice %arg9[%add3A_67, %dma_wait3A] : memref<10240x32xf32, #tpu.memory_space<vmem_shared>> -> memref<64x32xf32, #tpu.memory_space<vmem_shared>>
      %dma_wait3A_92 = arith.constant 0 : i32
      %dma_wait3A_93 = tpu.memref_slice %arg9[%add3A_67, %dma_wait3A_92] : memref<10240x32xf32, #tpu.memory_space<vmem_shared>> -> memref<64x32xf32, #tpu.memory_space<vmem_shared>>
      tpu.wait_dma2 semaphore(%run_scoped3A_86 : memref<!tpu.dma_semaphore, #tpu.memory_space<semaphore_mem>>) src(%arg7 : memref<64x32xf32, #tpu.memory_space<vmem>>) dst(%dma_wait3A_93 : memref<64x32xf32, #tpu.memory_space<vmem_shared>>)
      tpu.yield
    }) : () -> ()
    %barrier3A = arith.constant 0 : index
    tpu.barrier barrier_id(%barrier3A)
    %dma_start3A = arith.constant 0 : i32
    %dma_start3A_68 = tpu.memref_slice %arg5[%dma_start3A] : memref<10112xi32, #tpu.memory_space<vmem>> -> memref<64xi32, #tpu.memory_space<vmem>>
    %dma_start3A_69 = arith.constant 0 : i32
    %dma_start3A_70 = arith.constant 0 : i32
    %dma_start3A_71 = tpu.memref_slice %arg10[%dma_start3A_69, %dma_start3A_70] : memref<10240x32xf32, #tpu.memory_space<vmem_shared>> -> memref<10240x32xf32, #tpu.memory_space<vmem_shared>>
    tpu.enqueue_indirect_dma source(%dma_start3A_71 : memref<10240x32xf32, #tpu.memory_space<vmem_shared>>) target(%arg7 : memref<64x32xf32, #tpu.memory_space<vmem>>) offsets(%dma_start3A_68 : memref<64xi32, #tpu.memory_space<vmem>>) semaphore(%arg11 : memref<!tpu.dma_semaphore, #tpu.memory_space<semaphore_mem>>)
    %scan3A_72 = arith.constant 0 : i32
    %scan3A_73 = arith.constant 0 : i32
    %scan3A_74 = arith.constant 79 : i32
    %scan3A_75 = arith.addi %scan3A_73, %scan3A_74 : i32
    %scan3A_76 = arith.constant 1 : i32
    scf.for %scan3A_86 = %scan3A_73 to %scan3A_75 step %scan3A_76  : i32 {
      %mul3A_87 = arith.constant 2 : i32
      %mul3A_88 = arith.muli %mul3A_87, %scan3A_86 : i32
      %mul3A_89 = arith.constant 64 : i32
      %mul3A_90 = arith.muli %mul3A_88, %mul3A_89 : i32
      %dma_wait3A = tpu.memref_slice %arg5[%mul3A_90] : memref<10112xi32, #tpu.memory_space<vmem>> -> memref<64xi32, #tpu.memory_space<vmem>>
      %dma_wait3A_91 = arith.constant 0 : i32
      %dma_wait3A_92 = arith.constant 0 : i32
      %dma_wait3A_93 = tpu.memref_slice %arg10[%dma_wait3A_91, %dma_wait3A_92] : memref<10240x32xf32, #tpu.memory_space<vmem_shared>> -> memref<10240x32xf32, #tpu.memory_space<vmem_shared>>
      tpu.wait_indirect_dma semaphore(%arg11 : memref<!tpu.dma_semaphore, #tpu.memory_space<semaphore_mem>>) src(%dma_wait3A_93 : memref<10240x32xf32, #tpu.memory_space<vmem_shared>>) dst(%arg7 : memref<64x32xf32, #tpu.memory_space<vmem>>)
      %mul3A_94 = arith.constant 2 : i32
      %mul3A_95 = arith.muli %mul3A_94, %scan3A_86 : i32
      %add3A_96 = arith.constant 1 : i32
      %add3A_97 = arith.addi %mul3A_95, %add3A_96 : i32
      %mul3A_98 = arith.constant 64 : i32
      %mul3A_99 = arith.muli %add3A_97, %mul3A_98 : i32
      %dma_start3A_100 = tpu.memref_slice %arg5[%mul3A_99] : memref<10112xi32, #tpu.memory_space<vmem>> -> memref<64xi32, #tpu.memory_space<vmem>>
      %dma_start3A_101 = arith.constant 0 : i32
      %dma_start3A_102 = arith.constant 0 : i32
      %dma_start3A_103 = tpu.memref_slice %arg10[%dma_start3A_101, %dma_start3A_102] : memref<10240x32xf32, #tpu.memory_space<vmem_shared>> -> memref<10240x32xf32, #tpu.memory_space<vmem_shared>>
      tpu.enqueue_indirect_dma source(%dma_start3A_103 : memref<10240x32xf32, #tpu.memory_space<vmem_shared>>) target(%arg8 : memref<64x32xf32, #tpu.memory_space<vmem>>) offsets(%dma_start3A_100 : memref<64xi32, #tpu.memory_space<vmem>>) semaphore(%arg12 : memref<!tpu.dma_semaphore, #tpu.memory_space<semaphore_mem>>)
      %mul3A_104 = arith.constant 2 : i32
      %mul3A_105 = arith.muli %mul3A_104, %scan3A_86 : i32
      %mul3A_106 = arith.constant 64 : i32
      %mul3A_107 = arith.muli %mul3A_105, %mul3A_106 : i32
      "tpu.region"() ({
        %run_scoped3A_128 = tpu.sem_alloc : memref<!tpu.dma_semaphore, #tpu.memory_space<semaphore_mem>>
        %dma_start3A_129 = tpu.memref_slice %arg6[%mul3A_107] : memref<10112xi32, #tpu.memory_space<vmem>> -> memref<64xi32, #tpu.memory_space<vmem>>
        %dma_start3A_130 = arith.constant 0 : i32
        %dma_start3A_131 = arith.constant 0 : i32
        %dma_start3A_132 = tpu.memref_slice %arg9[%dma_start3A_130, %dma_start3A_131] : memref<10240x32xf32, #tpu.memory_space<vmem_shared>> -> memref<10240x32xf32, #tpu.memory_space<vmem_shared>>
        tpu.enqueue_indirect_dma source(%arg7 : memref<64x32xf32, #tpu.memory_space<vmem>>) target(%dma_start3A_132 : memref<10240x32xf32, #tpu.memory_space<vmem_shared>>) offsets(%dma_start3A_129 : memref<64xi32, #tpu.memory_space<vmem>>) semaphore(%run_scoped3A_128 : memref<!tpu.dma_semaphore, #tpu.memory_space<semaphore_mem>>) {add = true}
        %dma_wait3A_133 = tpu.memref_slice %arg6[%mul3A_107] : memref<10112xi32, #tpu.memory_space<vmem>> -> memref<64xi32, #tpu.memory_space<vmem>>
        %dma_wait3A_134 = arith.constant 0 : i32
        %dma_wait3A_135 = arith.constant 0 : i32
        %dma_wait3A_136 = tpu.memref_slice %arg9[%dma_wait3A_134, %dma_wait3A_135] : memref<10240x32xf32, #tpu.memory_space<vmem_shared>> -> memref<10240x32xf32, #tpu.memory_space<vmem_shared>>
        tpu.wait_indirect_dma semaphore(%run_scoped3A_128 : memref<!tpu.dma_semaphore, #tpu.memory_space<semaphore_mem>>) src(%arg7 : memref<64x32xf32, #tpu.memory_space<vmem>>) dst(%dma_wait3A_136 : memref<10240x32xf32, #tpu.memory_space<vmem_shared>>)
        tpu.yield
      }) : () -> ()
      %mul3A_108 = arith.constant 2 : i32
      %mul3A_109 = arith.muli %mul3A_108, %scan3A_86 : i32
      %add3A_110 = arith.constant 1 : i32
      %add3A_111 = arith.addi %mul3A_109, %add3A_110 : i32
      %mul3A_112 = arith.constant 64 : i32
      %mul3A_113 = arith.muli %add3A_111, %mul3A_112 : i32
      %dma_wait3A_114 = tpu.memref_slice %arg5[%mul3A_113] : memref<10112xi32, #tpu.memory_space<vmem>> -> memref<64xi32, #tpu.memory_space<vmem>>
      %dma_wait3A_115 = arith.constant 0 : i32
      %dma_wait3A_116 = arith.constant 0 : i32
      %dma_wait3A_117 = tpu.memref_slice %arg10[%dma_wait3A_115, %dma_wait3A_116] : memref<10240x32xf32, #tpu.memory_space<vmem_shared>> -> memref<10240x32xf32, #tpu.memory_space<vmem_shared>>
      tpu.wait_indirect_dma semaphore(%arg12 : memref<!tpu.dma_semaphore, #tpu.memory_space<semaphore_mem>>) src(%dma_wait3A_117 : memref<10240x32xf32, #tpu.memory_space<vmem_shared>>) dst(%arg8 : memref<64x32xf32, #tpu.memory_space<vmem>>)
      %add3A_118 = arith.constant 1 : i32
      %add3A_119 = arith.addi %scan3A_86, %add3A_118 : i32
      %lt3A = arith.constant 79 : i32
      %lt3A_120 = arith.cmpi slt, %add3A_119, %lt3A : i32
      %convert_element_type3A = arith.extui %lt3A_120 : i1 to i32
      %cond3A = arith.constant 0 : i32
      %cond3A_121 = arith.cmpi ne, %convert_element_type3A, %cond3A : i32
      scf.if %cond3A_121 {
        %add3A_128 = arith.constant 1 : i32
        %add3A_129 = arith.addi %scan3A_86, %add3A_128 : i32
        %mul3A_130 = arith.constant 2 : i32
        %mul3A_131 = arith.muli %mul3A_130, %add3A_129 : i32
        %mul3A_132 = arith.constant 64 : i32
        %mul3A_133 = arith.muli %mul3A_131, %mul3A_132 : i32
        %dma_start3A_134 = tpu.memref_slice %arg5[%mul3A_133] : memref<10112xi32, #tpu.memory_space<vmem>> -> memref<64xi32, #tpu.memory_space<vmem>>
        %dma_start3A_135 = arith.constant 0 : i32
        %dma_start3A_136 = arith.constant 0 : i32
        %dma_start3A_137 = tpu.memref_slice %arg10[%dma_start3A_135, %dma_start3A_136] : memref<10240x32xf32, #tpu.memory_space<vmem_shared>> -> memref<10240x32xf32, #tpu.memory_space<vmem_shared>>
        tpu.enqueue_indirect_dma source(%dma_start3A_137 : memref<10240x32xf32, #tpu.memory_space<vmem_shared>>) target(%arg7 : memref<64x32xf32, #tpu.memory_space<vmem>>) offsets(%dma_start3A_134 : memref<64xi32, #tpu.memory_space<vmem>>) semaphore(%arg11 : memref<!tpu.dma_semaphore, #tpu.memory_space<semaphore_mem>>)
      } else {
      }
      %mul3A_122 = arith.constant 2 : i32
      %mul3A_123 = arith.muli %mul3A_122, %scan3A_86 : i32
      %add3A_124 = arith.constant 1 : i32
      %add3A_125 = arith.addi %mul3A_123, %add3A_124 : i32
      %mul3A_126 = arith.constant 64 : i32
      %mul3A_127 = arith.muli %add3A_125, %mul3A_126 : i32
      "tpu.region"() ({
        %run_scoped3A_128 = tpu.sem_alloc : memref<!tpu.dma_semaphore, #tpu.memory_space<semaphore_mem>>
        %dma_start3A_129 = tpu.memref_slice %arg6[%mul3A_127] : memref<10112xi32, #tpu.memory_space<vmem>> -> memref<64xi32, #tpu.memory_space<vmem>>
        %dma_start3A_130 = arith.constant 0 : i32
        %dma_start3A_131 = arith.constant 0 : i32
        %dma_start3A_132 = tpu.memref_slice %arg9[%dma_start3A_130, %dma_start3A_131] : memref<10240x32xf32, #tpu.memory_space<vmem_shared>> -> memref<10240x32xf32, #tpu.memory_space<vmem_shared>>
        tpu.enqueue_indirect_dma source(%arg8 : memref<64x32xf32, #tpu.memory_space<vmem>>) target(%dma_start3A_132 : memref<10240x32xf32, #tpu.memory_space<vmem_shared>>) offsets(%dma_start3A_129 : memref<64xi32, #tpu.memory_space<vmem>>) semaphore(%run_scoped3A_128 : memref<!tpu.dma_semaphore, #tpu.memory_space<semaphore_mem>>) {add = true}
        %dma_wait3A_133 = tpu.memref_slice %arg6[%mul3A_127] : memref<10112xi32, #tpu.memory_space<vmem>> -> memref<64xi32, #tpu.memory_space<vmem>>
        %dma_wait3A_134 = arith.constant 0 : i32
        %dma_wait3A_135 = arith.constant 0 : i32
        %dma_wait3A_136 = tpu.memref_slice %arg9[%dma_wait3A_134, %dma_wait3A_135] : memref<10240x32xf32, #tpu.memory_space<vmem_shared>> -> memref<10240x32xf32, #tpu.memory_space<vmem_shared>>
        tpu.wait_indirect_dma semaphore(%run_scoped3A_128 : memref<!tpu.dma_semaphore, #tpu.memory_space<semaphore_mem>>) src(%arg8 : memref<64x32xf32, #tpu.memory_space<vmem>>) dst(%dma_wait3A_136 : memref<10240x32xf32, #tpu.memory_space<vmem_shared>>)
        tpu.yield
      }) : () -> ()
    }
    %scan3A_77 = arith.constant 79 : i32
    %barrier3A_78 = arith.constant 0 : index
    tpu.barrier barrier_id(%barrier3A_78)
    %mul3A_79 = arith.constant 640 : i32
    %mul3A_80 = arith.muli %arg1, %mul3A_79 : i32
    %mul3A_81 = arith.constant 10240 : i32
    %mul3A_82 = arith.muli %arg0, %mul3A_81 : i32
    %mul3A_83 = arith.constant 640 : i32
    %mul3A_84 = arith.muli %arg1, %mul3A_83 : i32
    %add3A_85 = arith.addi %mul3A_82, %mul3A_84 : i32
    "tpu.region"() ({
      %run_scoped3A_86 = tpu.sem_alloc : memref<!tpu.dma_semaphore, #tpu.memory_space<semaphore_mem>>
      %dma_start3A_87 = arith.constant 0 : i32
      %dma_start3A_88 = tpu.memref_slice %arg4[%add3A_85, %dma_start3A_87] : memref<20480x32xf32, #tpu.memory_space<hbm>> -> memref<640x32xf32, #tpu.memory_space<hbm>>
      %dma_start3A_89 = arith.constant 0 : i32
      %dma_start3A_90 = tpu.memref_slice %arg9[%mul3A_80, %dma_start3A_89] : memref<10240x32xf32, #tpu.memory_space<vmem_shared>> -> memref<640x32xf32, #tpu.memory_space<vmem_shared>>
      tpu.enqueue_dma source(%dma_start3A_90 : memref<640x32xf32, #tpu.memory_space<vmem_shared>>) target(%dma_start3A_88 : memref<640x32xf32, #tpu.memory_space<hbm>>) target_semaphore(%run_scoped3A_86 : memref<!tpu.dma_semaphore, #tpu.memory_space<semaphore_mem>>)
      %dma_wait3A = arith.constant 0 : i32
      %dma_wait3A_91 = tpu.memref_slice %arg4[%add3A_85, %dma_wait3A] : memref<20480x32xf32, #tpu.memory_space<hbm>> -> memref<640x32xf32, #tpu.memory_space<hbm>>
      %dma_wait3A_92 = arith.constant 0 : i32
      %dma_wait3A_93 = tpu.memref_slice %arg9[%mul3A_80, %dma_wait3A_92] : memref<10240x32xf32, #tpu.memory_space<vmem_shared>> -> memref<640x32xf32, #tpu.memory_space<vmem_shared>>
      tpu.wait_dma2 semaphore(%run_scoped3A_86 : memref<!tpu.dma_semaphore, #tpu.memory_space<semaphore_mem>>) src(%dma_wait3A_93 : memref<640x32xf32, #tpu.memory_space<vmem_shared>>) dst(%dma_wait3A_91 : memref<640x32xf32, #tpu.memory_space<hbm>>)
      tpu.yield
    }) : () -> ()
    return
  }
}

#map = affine_map<(d0, d1) -> (0, 0)>
#map1 = affine_map<(d0, d1) -> (0)>
module attributes {stable_mosaic.version = 14 : i64} {
  func.func @deg_kernel(%arg0: i32, %arg1: i32, %arg2: memref<2x320000xi32, #tpu.memory_space<hbm>>, %arg3: memref<128xf32, #tpu.memory_space<hbm>>, %arg4: memref<20480xf32, #tpu.memory_space<hbm>>, %arg5: memref<10112xi32, #tpu.memory_space<vmem>>, %arg6: memref<128xf32, #tpu.memory_space<vmem>>, %arg7: memref<2048xf32, #tpu.memory_space<vmem>>, %arg8: memref<10240xf32, #tpu.memory_space<vmem_shared>>, %arg9: memref<!tpu.dma_semaphore, #tpu.memory_space<semaphore_mem>>) attributes {dimension_semantics = [#tpu.dimension_semantics<core_parallel>, #tpu.dimension_semantics<subcore_parallel>], iteration_bounds = array<i64: 2, 16>, scalar_prefetch = 0 : i64, scratch_operands = 5 : i64, tpu.core_type = #tpu.core_type<sc_vector_subcore>, window_params = [{transform_indices = #map}, {transform_indices = #map1}, {transform_indices = #map1}]} {
    %mul3A = arith.constant 2 : i32
    %mul3A_0 = arith.muli %arg1, %mul3A : i32
    %add3A = arith.addi %mul3A_0, %arg0 : i32
    %mul3A_1 = arith.constant 10000 : i32
    %mul3A_2 = arith.muli %add3A, %mul3A_1 : i32
    %run_scoped3A = arith.constant 1 : i32
    "tpu.region"() ({
      %run_scoped3A_22 = tpu.sem_alloc : memref<!tpu.dma_semaphore, #tpu.memory_space<semaphore_mem>>
      %dma_start3A = arith.constant 0 : i32
      %dma_start3A_23 = tpu.memref_slice %arg5[%dma_start3A] : memref<10112xi32, #tpu.memory_space<vmem>> -> memref<10000xi32, #tpu.memory_space<vmem>>
      %dma_start3A_24 = tpu.memref_slice %arg2[%run_scoped3A, %mul3A_2] : memref<2x320000xi32, #tpu.memory_space<hbm>> -> memref<1x10000xi32, #tpu.memory_space<hbm>>
      %dma_start3A_25 = tpu.memref_squeeze %dma_start3A_24 : memref<1x10000xi32, #tpu.memory_space<hbm>> -> memref<10000xi32, #tpu.memory_space<hbm>>
      %dma_start3A_26 = arith.constant 0 : i32
      %dma_start3A_27 = tpu.memref_slice %arg5[%dma_start3A_26] : memref<10112xi32, #tpu.memory_space<vmem>> -> memref<10000xi32, #tpu.memory_space<vmem>>
      %dma_start3A_28 = tpu.memref_slice %arg2[%run_scoped3A, %mul3A_2] : memref<2x320000xi32, #tpu.memory_space<hbm>> -> memref<1x10000xi32, #tpu.memory_space<hbm>>
      %dma_start3A_29 = tpu.memref_squeeze %dma_start3A_28 : memref<1x10000xi32, #tpu.memory_space<hbm>> -> memref<10000xi32, #tpu.memory_space<hbm>>
      tpu.enqueue_dma source(%dma_start3A_29 : memref<10000xi32, #tpu.memory_space<hbm>>) target(%dma_start3A_27 : memref<10000xi32, #tpu.memory_space<vmem>>) target_semaphore(%run_scoped3A_22 : memref<!tpu.dma_semaphore, #tpu.memory_space<semaphore_mem>>)
      %dma_wait3A = arith.constant 0 : i32
      %dma_wait3A_30 = tpu.memref_slice %arg5[%dma_wait3A] : memref<10112xi32, #tpu.memory_space<vmem>> -> memref<10000xi32, #tpu.memory_space<vmem>>
      %dma_wait3A_31 = tpu.memref_slice %arg2[%run_scoped3A, %mul3A_2] : memref<2x320000xi32, #tpu.memory_space<hbm>> -> memref<1x10000xi32, #tpu.memory_space<hbm>>
      %dma_wait3A_32 = tpu.memref_squeeze %dma_wait3A_31 : memref<1x10000xi32, #tpu.memory_space<hbm>> -> memref<10000xi32, #tpu.memory_space<hbm>>
      %dma_wait3A_33 = arith.constant 0 : i32
      %dma_wait3A_34 = tpu.memref_slice %arg5[%dma_wait3A_33] : memref<10112xi32, #tpu.memory_space<vmem>> -> memref<10000xi32, #tpu.memory_space<vmem>>
      %dma_wait3A_35 = tpu.memref_slice %arg2[%run_scoped3A, %mul3A_2] : memref<2x320000xi32, #tpu.memory_space<hbm>> -> memref<1x10000xi32, #tpu.memory_space<hbm>>
      %dma_wait3A_36 = tpu.memref_squeeze %dma_wait3A_35 : memref<1x10000xi32, #tpu.memory_space<hbm>> -> memref<10000xi32, #tpu.memory_space<hbm>>
      tpu.wait_dma2 semaphore(%run_scoped3A_22 : memref<!tpu.dma_semaphore, #tpu.memory_space<semaphore_mem>>) src(%dma_wait3A_36 : memref<10000xi32, #tpu.memory_space<hbm>>) dst(%dma_wait3A_34 : memref<10000xi32, #tpu.memory_space<vmem>>)
      tpu.yield
    }) : () -> ()
    "tpu.region"() ({
      %run_scoped3A_22 = tpu.sem_alloc : memref<!tpu.dma_semaphore, #tpu.memory_space<semaphore_mem>>
      tpu.enqueue_dma source(%arg3 : memref<128xf32, #tpu.memory_space<hbm>>) target(%arg6 : memref<128xf32, #tpu.memory_space<vmem>>) target_semaphore(%run_scoped3A_22 : memref<!tpu.dma_semaphore, #tpu.memory_space<semaphore_mem>>)
      tpu.wait_dma2 semaphore(%run_scoped3A_22 : memref<!tpu.dma_semaphore, #tpu.memory_space<semaphore_mem>>) src(%arg3 : memref<128xf32, #tpu.memory_space<hbm>>) dst(%arg6 : memref<128xf32, #tpu.memory_space<vmem>>)
      tpu.yield
    }) : () -> ()
    %scan3A = arith.constant 0 : i32
    %scan3A_3 = arith.constant 0 : i32
    %scan3A_4 = arith.constant 7 : i32
    %scan3A_5 = arith.addi %scan3A_3, %scan3A_4 : i32
    %scan3A_6 = arith.constant 1 : i32
    scf.for %scan3A_22 = %scan3A_3 to %scan3A_5 step %scan3A_6  : i32 {
      %mul3A_23 = arith.constant 16 : i32
      %mul3A_24 = arith.muli %scan3A_22, %mul3A_23 : i32
      %add3A_25 = arith.constant 10000 : i32
      %add3A_26 = arith.addi %add3A_25, %mul3A_24 : i32
      %iota3A = tpu.iota {dimensions = array<i32: 0>} : vector<16xi32>
      %add3A_27 = vector.broadcast %add3A_26 : i32 to vector<16xi32>
      %add3A_28 = arith.addi %add3A_27, %iota3A : vector<16xi32>
      %mul3A_29 = arith.constant 16 : i32
      %mul3A_30 = arith.muli %scan3A_22, %mul3A_29 : i32
      %add3A_31 = arith.constant 10000 : i32
      %add3A_32 = arith.addi %add3A_31, %mul3A_30 : i32
      %swap3A = arith.index_cast %add3A_32 : i32 to index
      %swap3A_33 = tpu.vector_load %arg5[%swap3A] {strides = array<i32>} : memref<10112xi32, #tpu.memory_space<vmem>>, vector<16xi32>,
      %swap3A_34 = vector.shape_cast %swap3A_33 : vector<16xi32> to vector<16xi32>
      %swap3A_35 = vector.shape_cast %add3A_28 : vector<16xi32> to vector<16xi32>
      tpu.vector_store %arg5[%swap3A], %swap3A_35 {strides = array<i32>} : memref<10112xi32, #tpu.memory_space<vmem>>, vector<16xi32>,
    }
    %scan3A_7 = arith.constant 7 : i32
    %eq3A = arith.constant 0 : i32
    %eq3A_8 = arith.cmpi eq, %arg1, %eq3A : i32
    %convert_element_type3A = arith.extui %eq3A_8 : i1 to i32
    %cond3A = arith.constant 0 : i32
    %cond3A_9 = arith.cmpi ne, %convert_element_type3A, %cond3A : i32
    scf.if %cond3A_9 {
      %scan3A_22 = arith.constant 0 : i32
      %scan3A_23 = arith.constant 0 : i32
      %scan3A_24 = arith.constant 128 : i32
      %scan3A_25 = arith.addi %scan3A_23, %scan3A_24 : i32
      %scan3A_26 = arith.constant 1 : i32
      scf.for %scan3A_28 = %scan3A_23 to %scan3A_25 step %scan3A_26  : i32 {
        %broadcast_in_dim3A = arith.constant 0.000000e+00 : f32
        %broadcast_in_dim3A_29 = vector.broadcast %broadcast_in_dim3A : f32 to vector<16xf32>
        %mul3A_30 = arith.constant 16 : i32
        %mul3A_31 = arith.muli %scan3A_28, %mul3A_30 : i32
        %swap3A = arith.index_cast %mul3A_31 : i32 to index
        %swap3A_32 = tpu.vector_load %arg7[%swap3A] {strides = array<i32>} : memref<2048xf32, #tpu.memory_space<vmem>>, vector<16xf32>,
        %swap3A_33 = vector.shape_cast %swap3A_32 : vector<16xf32> to vector<16xf32>
        %swap3A_34 = vector.shape_cast %broadcast_in_dim3A_29 : vector<16xf32> to vector<16xf32>
        tpu.vector_store %arg7[%swap3A], %swap3A_34 {strides = array<i32>} : memref<2048xf32, #tpu.memory_space<vmem>>, vector<16xf32>,
      }
      %scan3A_27 = arith.constant 128 : i32
      "tpu.region"() ({
        %run_scoped3A_28 = tpu.sem_alloc : memref<!tpu.dma_semaphore, #tpu.memory_space<semaphore_mem>>
        %dma_start3A = arith.constant 0 : i32
        %dma_start3A_29 = tpu.memref_slice %arg8[%dma_start3A] : memref<10240xf32, #tpu.memory_space<vmem_shared>> -> memref<2048xf32, #tpu.memory_space<vmem_shared>>
        %dma_start3A_30 = arith.constant 0 : i32
        %dma_start3A_31 = tpu.memref_slice %arg8[%dma_start3A_30] : memref<10240xf32, #tpu.memory_space<vmem_shared>> -> memref<2048xf32, #tpu.memory_space<vmem_shared>>
        tpu.enqueue_dma source(%arg7 : memref<2048xf32, #tpu.memory_space<vmem>>) target(%dma_start3A_31 : memref<2048xf32, #tpu.memory_space<vmem_shared>>) target_semaphore(%run_scoped3A_28 : memref<!tpu.dma_semaphore, #tpu.memory_space<semaphore_mem>>)
        %dma_wait3A = arith.constant 0 : i32
        %dma_wait3A_32 = tpu.memref_slice %arg8[%dma_wait3A] : memref<10240xf32, #tpu.memory_space<vmem_shared>> -> memref<2048xf32, #tpu.memory_space<vmem_shared>>
        %dma_wait3A_33 = arith.constant 0 : i32
        %dma_wait3A_34 = tpu.memref_slice %arg8[%dma_wait3A_33] : memref<10240xf32, #tpu.memory_space<vmem_shared>> -> memref<2048xf32, #tpu.memory_space<vmem_shared>>
        tpu.wait_dma2 semaphore(%run_scoped3A_28 : memref<!tpu.dma_semaphore, #tpu.memory_space<semaphore_mem>>) src(%arg7 : memref<2048xf32, #tpu.memory_space<vmem>>) dst(%dma_wait3A_34 : memref<2048xf32, #tpu.memory_space<vmem_shared>>)
        tpu.yield
      }) : () -> ()
      "tpu.region"() ({
        %run_scoped3A_28 = tpu.sem_alloc : memref<!tpu.dma_semaphore, #tpu.memory_space<semaphore_mem>>
        %dma_start3A = arith.constant 2048 : i32
        %dma_start3A_29 = tpu.memref_slice %arg8[%dma_start3A] : memref<10240xf32, #tpu.memory_space<vmem_shared>> -> memref<2048xf32, #tpu.memory_space<vmem_shared>>
        %dma_start3A_30 = arith.constant 2048 : i32
        %dma_start3A_31 = tpu.memref_slice %arg8[%dma_start3A_30] : memref<10240xf32, #tpu.memory_space<vmem_shared>> -> memref<2048xf32, #tpu.memory_space<vmem_shared>>
        tpu.enqueue_dma source(%arg7 : memref<2048xf32, #tpu.memory_space<vmem>>) target(%dma_start3A_31 : memref<2048xf32, #tpu.memory_space<vmem_shared>>) target_semaphore(%run_scoped3A_28 : memref<!tpu.dma_semaphore, #tpu.memory_space<semaphore_mem>>)
        %dma_wait3A = arith.constant 2048 : i32
        %dma_wait3A_32 = tpu.memref_slice %arg8[%dma_wait3A] : memref<10240xf32, #tpu.memory_space<vmem_shared>> -> memref<2048xf32, #tpu.memory_space<vmem_shared>>
        %dma_wait3A_33 = arith.constant 2048 : i32
        %dma_wait3A_34 = tpu.memref_slice %arg8[%dma_wait3A_33] : memref<10240xf32, #tpu.memory_space<vmem_shared>> -> memref<2048xf32, #tpu.memory_space<vmem_shared>>
        tpu.wait_dma2 semaphore(%run_scoped3A_28 : memref<!tpu.dma_semaphore, #tpu.memory_space<semaphore_mem>>) src(%arg7 : memref<2048xf32, #tpu.memory_space<vmem>>) dst(%dma_wait3A_34 : memref<2048xf32, #tpu.memory_space<vmem_shared>>)
        tpu.yield
      }) : () -> ()
      "tpu.region"() ({
        %run_scoped3A_28 = tpu.sem_alloc : memref<!tpu.dma_semaphore, #tpu.memory_space<semaphore_mem>>
        %dma_start3A = arith.constant 4096 : i32
        %dma_start3A_29 = tpu.memref_slice %arg8[%dma_start3A] : memref<10240xf32, #tpu.memory_space<vmem_shared>> -> memref<2048xf32, #tpu.memory_space<vmem_shared>>
        %dma_start3A_30 = arith.constant 4096 : i32
        %dma_start3A_31 = tpu.memref_slice %arg8[%dma_start3A_30] : memref<10240xf32, #tpu.memory_space<vmem_shared>> -> memref<2048xf32, #tpu.memory_space<vmem_shared>>
        tpu.enqueue_dma source(%arg7 : memref<2048xf32, #tpu.memory_space<vmem>>) target(%dma_start3A_31 : memref<2048xf32, #tpu.memory_space<vmem_shared>>) target_semaphore(%run_scoped3A_28 : memref<!tpu.dma_semaphore, #tpu.memory_space<semaphore_mem>>)
        %dma_wait3A = arith.constant 4096 : i32
        %dma_wait3A_32 = tpu.memref_slice %arg8[%dma_wait3A] : memref<10240xf32, #tpu.memory_space<vmem_shared>> -> memref<2048xf32, #tpu.memory_space<vmem_shared>>
        %dma_wait3A_33 = arith.constant 4096 : i32
        %dma_wait3A_34 = tpu.memref_slice %arg8[%dma_wait3A_33] : memref<10240xf32, #tpu.memory_space<vmem_shared>> -> memref<2048xf32, #tpu.memory_space<vmem_shared>>
        tpu.wait_dma2 semaphore(%run_scoped3A_28 : memref<!tpu.dma_semaphore, #tpu.memory_space<semaphore_mem>>) src(%arg7 : memref<2048xf32, #tpu.memory_space<vmem>>) dst(%dma_wait3A_34 : memref<2048xf32, #tpu.memory_space<vmem_shared>>)
        tpu.yield
      }) : () -> ()
      "tpu.region"() ({
        %run_scoped3A_28 = tpu.sem_alloc : memref<!tpu.dma_semaphore, #tpu.memory_space<semaphore_mem>>
        %dma_start3A = arith.constant 6144 : i32
        %dma_start3A_29 = tpu.memref_slice %arg8[%dma_start3A] : memref<10240xf32, #tpu.memory_space<vmem_shared>> -> memref<2048xf32, #tpu.memory_space<vmem_shared>>
        %dma_start3A_30 = arith.constant 6144 : i32
        %dma_start3A_31 = tpu.memref_slice %arg8[%dma_start3A_30] : memref<10240xf32, #tpu.memory_space<vmem_shared>> -> memref<2048xf32, #tpu.memory_space<vmem_shared>>
        tpu.enqueue_dma source(%arg7 : memref<2048xf32, #tpu.memory_space<vmem>>) target(%dma_start3A_31 : memref<2048xf32, #tpu.memory_space<vmem_shared>>) target_semaphore(%run_scoped3A_28 : memref<!tpu.dma_semaphore, #tpu.memory_space<semaphore_mem>>)
        %dma_wait3A = arith.constant 6144 : i32
        %dma_wait3A_32 = tpu.memref_slice %arg8[%dma_wait3A] : memref<10240xf32, #tpu.memory_space<vmem_shared>> -> memref<2048xf32, #tpu.memory_space<vmem_shared>>
        %dma_wait3A_33 = arith.constant 6144 : i32
        %dma_wait3A_34 = tpu.memref_slice %arg8[%dma_wait3A_33] : memref<10240xf32, #tpu.memory_space<vmem_shared>> -> memref<2048xf32, #tpu.memory_space<vmem_shared>>
        tpu.wait_dma2 semaphore(%run_scoped3A_28 : memref<!tpu.dma_semaphore, #tpu.memory_space<semaphore_mem>>) src(%arg7 : memref<2048xf32, #tpu.memory_space<vmem>>) dst(%dma_wait3A_34 : memref<2048xf32, #tpu.memory_space<vmem_shared>>)
        tpu.yield
      }) : () -> ()
      "tpu.region"() ({
        %run_scoped3A_28 = tpu.sem_alloc : memref<!tpu.dma_semaphore, #tpu.memory_space<semaphore_mem>>
        %dma_start3A = arith.constant 8192 : i32
        %dma_start3A_29 = tpu.memref_slice %arg8[%dma_start3A] : memref<10240xf32, #tpu.memory_space<vmem_shared>> -> memref<2048xf32, #tpu.memory_space<vmem_shared>>
        %dma_start3A_30 = arith.constant 8192 : i32
        %dma_start3A_31 = tpu.memref_slice %arg8[%dma_start3A_30] : memref<10240xf32, #tpu.memory_space<vmem_shared>> -> memref<2048xf32, #tpu.memory_space<vmem_shared>>
        tpu.enqueue_dma source(%arg7 : memref<2048xf32, #tpu.memory_space<vmem>>) target(%dma_start3A_31 : memref<2048xf32, #tpu.memory_space<vmem_shared>>) target_semaphore(%run_scoped3A_28 : memref<!tpu.dma_semaphore, #tpu.memory_space<semaphore_mem>>)
        %dma_wait3A = arith.constant 8192 : i32
        %dma_wait3A_32 = tpu.memref_slice %arg8[%dma_wait3A] : memref<10240xf32, #tpu.memory_space<vmem_shared>> -> memref<2048xf32, #tpu.memory_space<vmem_shared>>
        %dma_wait3A_33 = arith.constant 8192 : i32
        %dma_wait3A_34 = tpu.memref_slice %arg8[%dma_wait3A_33] : memref<10240xf32, #tpu.memory_space<vmem_shared>> -> memref<2048xf32, #tpu.memory_space<vmem_shared>>
        tpu.wait_dma2 semaphore(%run_scoped3A_28 : memref<!tpu.dma_semaphore, #tpu.memory_space<semaphore_mem>>) src(%arg7 : memref<2048xf32, #tpu.memory_space<vmem>>) dst(%dma_wait3A_34 : memref<2048xf32, #tpu.memory_space<vmem_shared>>)
        tpu.yield
      }) : () -> ()
    } else {
    }
    %barrier3A = arith.constant 0 : index
    tpu.barrier barrier_id(%barrier3A)
    %scan3A_10 = arith.constant 0 : i32
    %scan3A_11 = arith.constant 0 : i32
    %scan3A_12 = arith.constant 79 : i32
    %scan3A_13 = arith.addi %scan3A_11, %scan3A_12 : i32
    %scan3A_14 = arith.constant 1 : i32
    scf.for %scan3A_22 = %scan3A_11 to %scan3A_13 step %scan3A_14  : i32 {
      %mul3A_23 = arith.constant 128 : i32
      %mul3A_24 = arith.muli %scan3A_22, %mul3A_23 : i32
      "tpu.region"() ({
        %run_scoped3A_25 = tpu.sem_alloc : memref<!tpu.dma_semaphore, #tpu.memory_space<semaphore_mem>>
        %dma_start3A = tpu.memref_slice %arg5[%mul3A_24] : memref<10112xi32, #tpu.memory_space<vmem>> -> memref<128xi32, #tpu.memory_space<vmem>>
        %dma_start3A_26 = arith.constant 0 : i32
        %dma_start3A_27 = tpu.memref_slice %arg8[%dma_start3A_26] : memref<10240xf32, #tpu.memory_space<vmem_shared>> -> memref<10240xf32, #tpu.memory_space<vmem_shared>>
        tpu.enqueue_indirect_dma source(%arg6 : memref<128xf32, #tpu.memory_space<vmem>>) target(%dma_start3A_27 : memref<10240xf32, #tpu.memory_space<vmem_shared>>) offsets(%dma_start3A : memref<128xi32, #tpu.memory_space<vmem>>) semaphore(%run_scoped3A_25 : memref<!tpu.dma_semaphore, #tpu.memory_space<semaphore_mem>>) {add = true}
        %dma_wait3A = tpu.memref_slice %arg5[%mul3A_24] : memref<10112xi32, #tpu.memory_space<vmem>> -> memref<128xi32, #tpu.memory_space<vmem>>
        %dma_wait3A_28 = arith.constant 0 : i32
        %dma_wait3A_29 = tpu.memref_slice %arg8[%dma_wait3A_28] : memref<10240xf32, #tpu.memory_space<vmem_shared>> -> memref<10240xf32, #tpu.memory_space<vmem_shared>>
        tpu.wait_indirect_dma semaphore(%run_scoped3A_25 : memref<!tpu.dma_semaphore, #tpu.memory_space<semaphore_mem>>) src(%arg6 : memref<128xf32, #tpu.memory_space<vmem>>) dst(%dma_wait3A_29 : memref<10240xf32, #tpu.memory_space<vmem_shared>>)
        tpu.yield
      }) : () -> ()
    }
    %scan3A_15 = arith.constant 79 : i32
    %barrier3A_16 = arith.constant 0 : index
    tpu.barrier barrier_id(%barrier3A_16)
    %eq3A_17 = arith.constant 0 : i32
    %eq3A_18 = arith.cmpi eq, %arg1, %eq3A_17 : i32
    %convert_element_type3A_19 = arith.extui %eq3A_18 : i1 to i32
    %cond3A_20 = arith.constant 0 : i32
    %cond3A_21 = arith.cmpi ne, %convert_element_type3A_19, %cond3A_20 : i32
    scf.if %cond3A_21 {
      %mul3A_22 = arith.constant 10240 : i32
      %mul3A_23 = arith.muli %arg0, %mul3A_22 : i32
      "tpu.region"() ({
        %run_scoped3A_24 = tpu.sem_alloc : memref<!tpu.dma_semaphore, #tpu.memory_space<semaphore_mem>>
        %dma_start3A = tpu.memref_slice %arg4[%mul3A_23] : memref<20480xf32, #tpu.memory_space<hbm>> -> memref<10240xf32, #tpu.memory_space<hbm>>
        tpu.enqueue_dma source(%arg8 : memref<10240xf32, #tpu.memory_space<vmem_shared>>) target(%dma_start3A : memref<10240xf32, #tpu.memory_space<hbm>>) target_semaphore(%run_scoped3A_24 : memref<!tpu.dma_semaphore, #tpu.memory_space<semaphore_mem>>)
        %dma_wait3A = tpu.memref_slice %arg4[%mul3A_23] : memref<20480xf32, #tpu.memory_space<hbm>> -> memref<10240xf32, #tpu.memory_space<hbm>>
        tpu.wait_dma2 semaphore(%run_scoped3A_24 : memref<!tpu.dma_semaphore, #tpu.memory_space<semaphore_mem>>) src(%arg8 : memref<10240xf32, #tpu.memory_space<vmem_shared>>) dst(%dma_wait3A : memref<10240xf32, #tpu.memory_space<hbm>>)
        tpu.yield
      }) : () -> ()
    } else {
    }
    return
  }
}

#map = affine_map<(d0, d1) -> (0, 0)>
module attributes {stable_mosaic.version = 14 : i64} {
  func.func @agg_kernel(%arg0: i32, %arg1: i32, %arg2: memref<10240x64xf32, #tpu.memory_space<hbm>>, %arg3: memref<2x320000xi32, #tpu.memory_space<hbm>>, %arg4: memref<20480x64xf32, #tpu.memory_space<hbm>>, %arg5: memref<10112xi32, #tpu.memory_space<vmem>>, %arg6: memref<10112xi32, #tpu.memory_space<vmem>>, %arg7: memref<64x64xf32, #tpu.memory_space<vmem>>, %arg8: memref<64x64xf32, #tpu.memory_space<vmem>>, %arg9: memref<10240x64xf32, #tpu.memory_space<vmem_shared>>, %arg10: memref<10240x64xf32, #tpu.memory_space<vmem_shared>>, %arg11: memref<!tpu.dma_semaphore, #tpu.memory_space<semaphore_mem>>, %arg12: memref<!tpu.dma_semaphore, #tpu.memory_space<semaphore_mem>>) attributes {dimension_semantics = [#tpu.dimension_semantics<core_parallel>, #tpu.dimension_semantics<subcore_parallel>], iteration_bounds = array<i64: 2, 16>, scalar_prefetch = 0 : i64, scratch_operands = 8 : i64, tpu.core_type = #tpu.core_type<sc_vector_subcore>, window_params = [{transform_indices = #map}, {transform_indices = #map}, {transform_indices = #map}]} {
    %mul3A = arith.constant 2 : i32
    %mul3A_0 = arith.muli %arg1, %mul3A : i32
    %add3A = arith.addi %mul3A_0, %arg0 : i32
    %mul3A_1 = arith.constant 640 : i32
    %mul3A_2 = arith.muli %arg1, %mul3A_1 : i32
    %mul3A_3 = arith.constant 640 : i32
    %mul3A_4 = arith.muli %arg1, %mul3A_3 : i32
    "tpu.region"() ({
      %run_scoped3A_86 = tpu.sem_alloc : memref<!tpu.dma_semaphore, #tpu.memory_space<semaphore_mem>>
      %dma_start3A_87 = arith.constant 0 : i32
      %dma_start3A_88 = tpu.memref_slice %arg10[%mul3A_4, %dma_start3A_87] : memref<10240x64xf32, #tpu.memory_space<vmem_shared>> -> memref<640x64xf32, #tpu.memory_space<vmem_shared>>
      %dma_start3A_89 = arith.constant 0 : i32
      %dma_start3A_90 = tpu.memref_slice %arg2[%mul3A_2, %dma_start3A_89] : memref<10240x64xf32, #tpu.memory_space<hbm>> -> memref<640x64xf32, #tpu.memory_space<hbm>>
      tpu.enqueue_dma source(%dma_start3A_90 : memref<640x64xf32, #tpu.memory_space<hbm>>) target(%dma_start3A_88 : memref<640x64xf32, #tpu.memory_space<vmem_shared>>) target_semaphore(%run_scoped3A_86 : memref<!tpu.dma_semaphore, #tpu.memory_space<semaphore_mem>>)
      %dma_wait3A = arith.constant 0 : i32
      %dma_wait3A_91 = tpu.memref_slice %arg10[%mul3A_4, %dma_wait3A] : memref<10240x64xf32, #tpu.memory_space<vmem_shared>> -> memref<640x64xf32, #tpu.memory_space<vmem_shared>>
      %dma_wait3A_92 = arith.constant 0 : i32
      %dma_wait3A_93 = tpu.memref_slice %arg2[%mul3A_2, %dma_wait3A_92] : memref<10240x64xf32, #tpu.memory_space<hbm>> -> memref<640x64xf32, #tpu.memory_space<hbm>>
      tpu.wait_dma2 semaphore(%run_scoped3A_86 : memref<!tpu.dma_semaphore, #tpu.memory_space<semaphore_mem>>) src(%dma_wait3A_93 : memref<640x64xf32, #tpu.memory_space<hbm>>) dst(%dma_wait3A_91 : memref<640x64xf32, #tpu.memory_space<vmem_shared>>)
      tpu.yield
    }) : () -> ()
    %mul3A_5 = arith.constant 10000 : i32
    %mul3A_6 = arith.muli %add3A, %mul3A_5 : i32
    %run_scoped3A = arith.constant 0 : i32
    "tpu.region"() ({
      %run_scoped3A_86 = tpu.sem_alloc : memref<!tpu.dma_semaphore, #tpu.memory_space<semaphore_mem>>
      %dma_start3A_87 = arith.constant 0 : i32
      %dma_start3A_88 = tpu.memref_slice %arg5[%dma_start3A_87] : memref<10112xi32, #tpu.memory_space<vmem>> -> memref<10000xi32, #tpu.memory_space<vmem>>
      %dma_start3A_89 = tpu.memref_slice %arg3[%run_scoped3A, %mul3A_6] : memref<2x320000xi32, #tpu.memory_space<hbm>> -> memref<1x10000xi32, #tpu.memory_space<hbm>>
      %dma_start3A_90 = tpu.memref_squeeze %dma_start3A_89 : memref<1x10000xi32, #tpu.memory_space<hbm>> -> memref<10000xi32, #tpu.memory_space<hbm>>
      %dma_start3A_91 = arith.constant 0 : i32
      %dma_start3A_92 = tpu.memref_slice %arg5[%dma_start3A_91] : memref<10112xi32, #tpu.memory_space<vmem>> -> memref<10000xi32, #tpu.memory_space<vmem>>
      %dma_start3A_93 = tpu.memref_slice %arg3[%run_scoped3A, %mul3A_6] : memref<2x320000xi32, #tpu.memory_space<hbm>> -> memref<1x10000xi32, #tpu.memory_space<hbm>>
      %dma_start3A_94 = tpu.memref_squeeze %dma_start3A_93 : memref<1x10000xi32, #tpu.memory_space<hbm>> -> memref<10000xi32, #tpu.memory_space<hbm>>
      tpu.enqueue_dma source(%dma_start3A_94 : memref<10000xi32, #tpu.memory_space<hbm>>) target(%dma_start3A_92 : memref<10000xi32, #tpu.memory_space<vmem>>) target_semaphore(%run_scoped3A_86 : memref<!tpu.dma_semaphore, #tpu.memory_space<semaphore_mem>>)
      %dma_wait3A = arith.constant 0 : i32
      %dma_wait3A_95 = tpu.memref_slice %arg5[%dma_wait3A] : memref<10112xi32, #tpu.memory_space<vmem>> -> memref<10000xi32, #tpu.memory_space<vmem>>
      %dma_wait3A_96 = tpu.memref_slice %arg3[%run_scoped3A, %mul3A_6] : memref<2x320000xi32, #tpu.memory_space<hbm>> -> memref<1x10000xi32, #tpu.memory_space<hbm>>
      %dma_wait3A_97 = tpu.memref_squeeze %dma_wait3A_96 : memref<1x10000xi32, #tpu.memory_space<hbm>> -> memref<10000xi32, #tpu.memory_space<hbm>>
      %dma_wait3A_98 = arith.constant 0 : i32
      %dma_wait3A_99 = tpu.memref_slice %arg5[%dma_wait3A_98] : memref<10112xi32, #tpu.memory_space<vmem>> -> memref<10000xi32, #tpu.memory_space<vmem>>
      %dma_wait3A_100 = tpu.memref_slice %arg3[%run_scoped3A, %mul3A_6] : memref<2x320000xi32, #tpu.memory_space<hbm>> -> memref<1x10000xi32, #tpu.memory_space<hbm>>
      %dma_wait3A_101 = tpu.memref_squeeze %dma_wait3A_100 : memref<1x10000xi32, #tpu.memory_space<hbm>> -> memref<10000xi32, #tpu.memory_space<hbm>>
      tpu.wait_dma2 semaphore(%run_scoped3A_86 : memref<!tpu.dma_semaphore, #tpu.memory_space<semaphore_mem>>) src(%dma_wait3A_101 : memref<10000xi32, #tpu.memory_space<hbm>>) dst(%dma_wait3A_99 : memref<10000xi32, #tpu.memory_space<vmem>>)
      tpu.yield
    }) : () -> ()
    %mul3A_7 = arith.constant 10000 : i32
    %mul3A_8 = arith.muli %add3A, %mul3A_7 : i32
    %run_scoped3A_9 = arith.constant 1 : i32
    "tpu.region"() ({
      %run_scoped3A_86 = tpu.sem_alloc : memref<!tpu.dma_semaphore, #tpu.memory_space<semaphore_mem>>
      %dma_start3A_87 = arith.constant 0 : i32
      %dma_start3A_88 = tpu.memref_slice %arg6[%dma_start3A_87] : memref<10112xi32, #tpu.memory_space<vmem>> -> memref<10000xi32, #tpu.memory_space<vmem>>
      %dma_start3A_89 = tpu.memref_slice %arg3[%run_scoped3A_9, %mul3A_8] : memref<2x320000xi32, #tpu.memory_space<hbm>> -> memref<1x10000xi32, #tpu.memory_space<hbm>>
      %dma_start3A_90 = tpu.memref_squeeze %dma_start3A_89 : memref<1x10000xi32, #tpu.memory_space<hbm>> -> memref<10000xi32, #tpu.memory_space<hbm>>
      %dma_start3A_91 = arith.constant 0 : i32
      %dma_start3A_92 = tpu.memref_slice %arg6[%dma_start3A_91] : memref<10112xi32, #tpu.memory_space<vmem>> -> memref<10000xi32, #tpu.memory_space<vmem>>
      %dma_start3A_93 = tpu.memref_slice %arg3[%run_scoped3A_9, %mul3A_8] : memref<2x320000xi32, #tpu.memory_space<hbm>> -> memref<1x10000xi32, #tpu.memory_space<hbm>>
      %dma_start3A_94 = tpu.memref_squeeze %dma_start3A_93 : memref<1x10000xi32, #tpu.memory_space<hbm>> -> memref<10000xi32, #tpu.memory_space<hbm>>
      tpu.enqueue_dma source(%dma_start3A_94 : memref<10000xi32, #tpu.memory_space<hbm>>) target(%dma_start3A_92 : memref<10000xi32, #tpu.memory_space<vmem>>) target_semaphore(%run_scoped3A_86 : memref<!tpu.dma_semaphore, #tpu.memory_space<semaphore_mem>>)
      %dma_wait3A = arith.constant 0 : i32
      %dma_wait3A_95 = tpu.memref_slice %arg6[%dma_wait3A] : memref<10112xi32, #tpu.memory_space<vmem>> -> memref<10000xi32, #tpu.memory_space<vmem>>
      %dma_wait3A_96 = tpu.memref_slice %arg3[%run_scoped3A_9, %mul3A_8] : memref<2x320000xi32, #tpu.memory_space<hbm>> -> memref<1x10000xi32, #tpu.memory_space<hbm>>
      %dma_wait3A_97 = tpu.memref_squeeze %dma_wait3A_96 : memref<1x10000xi32, #tpu.memory_space<hbm>> -> memref<10000xi32, #tpu.memory_space<hbm>>
      %dma_wait3A_98 = arith.constant 0 : i32
      %dma_wait3A_99 = tpu.memref_slice %arg6[%dma_wait3A_98] : memref<10112xi32, #tpu.memory_space<vmem>> -> memref<10000xi32, #tpu.memory_space<vmem>>
      %dma_wait3A_100 = tpu.memref_slice %arg3[%run_scoped3A_9, %mul3A_8] : memref<2x320000xi32, #tpu.memory_space<hbm>> -> memref<1x10000xi32, #tpu.memory_space<hbm>>
      %dma_wait3A_101 = tpu.memref_squeeze %dma_wait3A_100 : memref<1x10000xi32, #tpu.memory_space<hbm>> -> memref<10000xi32, #tpu.memory_space<hbm>>
      tpu.wait_dma2 semaphore(%run_scoped3A_86 : memref<!tpu.dma_semaphore, #tpu.memory_space<semaphore_mem>>) src(%dma_wait3A_101 : memref<10000xi32, #tpu.memory_space<hbm>>) dst(%dma_wait3A_99 : memref<10000xi32, #tpu.memory_space<vmem>>)
      tpu.yield
    }) : () -> ()
    %scan3A = arith.constant 0 : i32
    %scan3A_10 = arith.constant 0 : i32
    %scan3A_11 = arith.constant 7 : i32
    %scan3A_12 = arith.addi %scan3A_10, %scan3A_11 : i32
    %scan3A_13 = arith.constant 1 : i32
    scf.for %scan3A_86 = %scan3A_10 to %scan3A_12 step %scan3A_13  : i32 {
      %mul3A_87 = arith.constant 16 : i32
      %mul3A_88 = arith.muli %scan3A_86, %mul3A_87 : i32
      %add3A_89 = arith.constant 0 : i32
      %add3A_90 = arith.addi %add3A_89, %mul3A_88 : i32
      %iota3A = tpu.iota {dimensions = array<i32: 0>} : vector<16xi32>
      %add3A_91 = vector.broadcast %add3A_90 : i32 to vector<16xi32>
      %add3A_92 = arith.addi %add3A_91, %iota3A : vector<16xi32>
      %mul3A_93 = arith.constant 16 : i32
      %mul3A_94 = arith.muli %scan3A_86, %mul3A_93 : i32
      %add3A_95 = arith.constant 10000 : i32
      %add3A_96 = arith.addi %add3A_95, %mul3A_94 : i32
      %swap3A = arith.index_cast %add3A_96 : i32 to index
      %swap3A_97 = tpu.vector_load %arg5[%swap3A] {strides = array<i32>} : memref<10112xi32, #tpu.memory_space<vmem>>, vector<16xi32>,
      %swap3A_98 = vector.shape_cast %swap3A_97 : vector<16xi32> to vector<16xi32>
      %swap3A_99 = vector.shape_cast %add3A_92 : vector<16xi32> to vector<16xi32>
      tpu.vector_store %arg5[%swap3A], %swap3A_99 {strides = array<i32>} : memref<10112xi32, #tpu.memory_space<vmem>>, vector<16xi32>,
    }
    %scan3A_14 = arith.constant 7 : i32
    %scan3A_15 = arith.constant 0 : i32
    %scan3A_16 = arith.constant 0 : i32
    %scan3A_17 = arith.constant 7 : i32
    %scan3A_18 = arith.addi %scan3A_16, %scan3A_17 : i32
    %scan3A_19 = arith.constant 1 : i32
    scf.for %scan3A_86 = %scan3A_16 to %scan3A_18 step %scan3A_19  : i32 {
      %mul3A_87 = arith.constant 16 : i32
      %mul3A_88 = arith.muli %scan3A_86, %mul3A_87 : i32
      %add3A_89 = arith.constant 10000 : i32
      %add3A_90 = arith.addi %add3A_89, %mul3A_88 : i32
      %iota3A = tpu.iota {dimensions = array<i32: 0>} : vector<16xi32>
      %add3A_91 = vector.broadcast %add3A_90 : i32 to vector<16xi32>
      %add3A_92 = arith.addi %add3A_91, %iota3A : vector<16xi32>
      %mul3A_93 = arith.constant 16 : i32
      %mul3A_94 = arith.muli %scan3A_86, %mul3A_93 : i32
      %add3A_95 = arith.constant 10000 : i32
      %add3A_96 = arith.addi %add3A_95, %mul3A_94 : i32
      %swap3A = arith.index_cast %add3A_96 : i32 to index
      %swap3A_97 = tpu.vector_load %arg6[%swap3A] {strides = array<i32>} : memref<10112xi32, #tpu.memory_space<vmem>>, vector<16xi32>,
      %swap3A_98 = vector.shape_cast %swap3A_97 : vector<16xi32> to vector<16xi32>
      %swap3A_99 = vector.shape_cast %add3A_92 : vector<16xi32> to vector<16xi32>
      tpu.vector_store %arg6[%swap3A], %swap3A_99 {strides = array<i32>} : memref<10112xi32, #tpu.memory_space<vmem>>, vector<16xi32>,
    }
    %scan3A_20 = arith.constant 7 : i32
    %broadcast_in_dim3A = arith.constant 0.000000e+00 : f32
    %broadcast_in_dim3A_21 = vector.broadcast %broadcast_in_dim3A : f32 to vector<16xf32>
    %scan3A_22 = arith.constant 0 : i32
    %scan3A_23 = arith.constant 0 : i32
    %scan3A_24 = arith.constant 64 : i32
    %scan3A_25 = arith.addi %scan3A_23, %scan3A_24 : i32
    %scan3A_26 = arith.constant 1 : i32
    scf.for %scan3A_86 = %scan3A_23 to %scan3A_25 step %scan3A_26  : i32 {
      %swap3A = arith.index_cast %scan3A_86 : i32 to index
      %swap3A_87 = arith.constant 0 : index
      %swap3A_88 = tpu.vector_load %arg7[%swap3A, %swap3A_87] {strides = array<i32>} : memref<64x64xf32, #tpu.memory_space<vmem>>, vector<1x16xf32>,
      %swap3A_89 = vector.shape_cast %swap3A_88 : vector<1x16xf32> to vector<16xf32>
      %swap3A_90 = vector.shape_cast %broadcast_in_dim3A_21 : vector<16xf32> to vector<1x16xf32>
      tpu.vector_store %arg7[%swap3A, %swap3A_87], %swap3A_90 {strides = array<i32>} : memref<64x64xf32, #tpu.memory_space<vmem>>, vector<1x16xf32>,
      %swap3A_91 = arith.index_cast %scan3A_86 : i32 to index
      %swap3A_92 = arith.constant 16 : index
      %swap3A_93 = tpu.vector_load %arg7[%swap3A_91, %swap3A_92] {strides = array<i32>} : memref<64x64xf32, #tpu.memory_space<vmem>>, vector<1x16xf32>,
      %swap3A_94 = vector.shape_cast %swap3A_93 : vector<1x16xf32> to vector<16xf32>
      %swap3A_95 = vector.shape_cast %broadcast_in_dim3A_21 : vector<16xf32> to vector<1x16xf32>
      tpu.vector_store %arg7[%swap3A_91, %swap3A_92], %swap3A_95 {strides = array<i32>} : memref<64x64xf32, #tpu.memory_space<vmem>>, vector<1x16xf32>,
      %swap3A_96 = arith.index_cast %scan3A_86 : i32 to index
      %swap3A_97 = arith.constant 32 : index
      %swap3A_98 = tpu.vector_load %arg7[%swap3A_96, %swap3A_97] {strides = array<i32>} : memref<64x64xf32, #tpu.memory_space<vmem>>, vector<1x16xf32>,
      %swap3A_99 = vector.shape_cast %swap3A_98 : vector<1x16xf32> to vector<16xf32>
      %swap3A_100 = vector.shape_cast %broadcast_in_dim3A_21 : vector<16xf32> to vector<1x16xf32>
      tpu.vector_store %arg7[%swap3A_96, %swap3A_97], %swap3A_100 {strides = array<i32>} : memref<64x64xf32, #tpu.memory_space<vmem>>, vector<1x16xf32>,
      %swap3A_101 = arith.index_cast %scan3A_86 : i32 to index
      %swap3A_102 = arith.constant 48 : index
      %swap3A_103 = tpu.vector_load %arg7[%swap3A_101, %swap3A_102] {strides = array<i32>} : memref<64x64xf32, #tpu.memory_space<vmem>>, vector<1x16xf32>,
      %swap3A_104 = vector.shape_cast %swap3A_103 : vector<1x16xf32> to vector<16xf32>
      %swap3A_105 = vector.shape_cast %broadcast_in_dim3A_21 : vector<16xf32> to vector<1x16xf32>
      tpu.vector_store %arg7[%swap3A_101, %swap3A_102], %swap3A_105 {strides = array<i32>} : memref<64x64xf32, #tpu.memory_space<vmem>>, vector<1x16xf32>,
    }
    %scan3A_27 = arith.constant 64 : i32
    %mul3A_28 = arith.constant 640 : i32
    %mul3A_29 = arith.muli %arg1, %mul3A_28 : i32
    %add3A_30 = arith.constant 0 : i32
    %add3A_31 = arith.addi %mul3A_29, %add3A_30 : i32
    "tpu.region"() ({
      %run_scoped3A_86 = tpu.sem_alloc : memref<!tpu.dma_semaphore, #tpu.memory_space<semaphore_mem>>
      %dma_start3A_87 = arith.constant 0 : i32
      %dma_start3A_88 = tpu.memref_slice %arg9[%add3A_31, %dma_start3A_87] : memref<10240x64xf32, #tpu.memory_space<vmem_shared>> -> memref<64x64xf32, #tpu.memory_space<vmem_shared>>
      %dma_start3A_89 = arith.constant 0 : i32
      %dma_start3A_90 = tpu.memref_slice %arg9[%add3A_31, %dma_start3A_89] : memref<10240x64xf32, #tpu.memory_space<vmem_shared>> -> memref<64x64xf32, #tpu.memory_space<vmem_shared>>
      tpu.enqueue_dma source(%arg7 : memref<64x64xf32, #tpu.memory_space<vmem>>) target(%dma_start3A_90 : memref<64x64xf32, #tpu.memory_space<vmem_shared>>) target_semaphore(%run_scoped3A_86 : memref<!tpu.dma_semaphore, #tpu.memory_space<semaphore_mem>>)
      %dma_wait3A = arith.constant 0 : i32
      %dma_wait3A_91 = tpu.memref_slice %arg9[%add3A_31, %dma_wait3A] : memref<10240x64xf32, #tpu.memory_space<vmem_shared>> -> memref<64x64xf32, #tpu.memory_space<vmem_shared>>
      %dma_wait3A_92 = arith.constant 0 : i32
      %dma_wait3A_93 = tpu.memref_slice %arg9[%add3A_31, %dma_wait3A_92] : memref<10240x64xf32, #tpu.memory_space<vmem_shared>> -> memref<64x64xf32, #tpu.memory_space<vmem_shared>>
      tpu.wait_dma2 semaphore(%run_scoped3A_86 : memref<!tpu.dma_semaphore, #tpu.memory_space<semaphore_mem>>) src(%arg7 : memref<64x64xf32, #tpu.memory_space<vmem>>) dst(%dma_wait3A_93 : memref<64x64xf32, #tpu.memory_space<vmem_shared>>)
      tpu.yield
    }) : () -> ()
    %mul3A_32 = arith.constant 640 : i32
    %mul3A_33 = arith.muli %arg1, %mul3A_32 : i32
    %add3A_34 = arith.constant 64 : i32
    %add3A_35 = arith.addi %mul3A_33, %add3A_34 : i32
    "tpu.region"() ({
      %run_scoped3A_86 = tpu.sem_alloc : memref<!tpu.dma_semaphore, #tpu.memory_space<semaphore_mem>>
      %dma_start3A_87 = arith.constant 0 : i32
      %dma_start3A_88 = tpu.memref_slice %arg9[%add3A_35, %dma_start3A_87] : memref<10240x64xf32, #tpu.memory_space<vmem_shared>> -> memref<64x64xf32, #tpu.memory_space<vmem_shared>>
      %dma_start3A_89 = arith.constant 0 : i32
      %dma_start3A_90 = tpu.memref_slice %arg9[%add3A_35, %dma_start3A_89] : memref<10240x64xf32, #tpu.memory_space<vmem_shared>> -> memref<64x64xf32, #tpu.memory_space<vmem_shared>>
      tpu.enqueue_dma source(%arg7 : memref<64x64xf32, #tpu.memory_space<vmem>>) target(%dma_start3A_90 : memref<64x64xf32, #tpu.memory_space<vmem_shared>>) target_semaphore(%run_scoped3A_86 : memref<!tpu.dma_semaphore, #tpu.memory_space<semaphore_mem>>)
      %dma_wait3A = arith.constant 0 : i32
      %dma_wait3A_91 = tpu.memref_slice %arg9[%add3A_35, %dma_wait3A] : memref<10240x64xf32, #tpu.memory_space<vmem_shared>> -> memref<64x64xf32, #tpu.memory_space<vmem_shared>>
      %dma_wait3A_92 = arith.constant 0 : i32
      %dma_wait3A_93 = tpu.memref_slice %arg9[%add3A_35, %dma_wait3A_92] : memref<10240x64xf32, #tpu.memory_space<vmem_shared>> -> memref<64x64xf32, #tpu.memory_space<vmem_shared>>
      tpu.wait_dma2 semaphore(%run_scoped3A_86 : memref<!tpu.dma_semaphore, #tpu.memory_space<semaphore_mem>>) src(%arg7 : memref<64x64xf32, #tpu.memory_space<vmem>>) dst(%dma_wait3A_93 : memref<64x64xf32, #tpu.memory_space<vmem_shared>>)
      tpu.yield
    }) : () -> ()
    %mul3A_36 = arith.constant 640 : i32
    %mul3A_37 = arith.muli %arg1, %mul3A_36 : i32
    %add3A_38 = arith.constant 128 : i32
    %add3A_39 = arith.addi %mul3A_37, %add3A_38 : i32
    "tpu.region"() ({
      %run_scoped3A_86 = tpu.sem_alloc : memref<!tpu.dma_semaphore, #tpu.memory_space<semaphore_mem>>
      %dma_start3A_87 = arith.constant 0 : i32
      %dma_start3A_88 = tpu.memref_slice %arg9[%add3A_39, %dma_start3A_87] : memref<10240x64xf32, #tpu.memory_space<vmem_shared>> -> memref<64x64xf32, #tpu.memory_space<vmem_shared>>
      %dma_start3A_89 = arith.constant 0 : i32
      %dma_start3A_90 = tpu.memref_slice %arg9[%add3A_39, %dma_start3A_89] : memref<10240x64xf32, #tpu.memory_space<vmem_shared>> -> memref<64x64xf32, #tpu.memory_space<vmem_shared>>
      tpu.enqueue_dma source(%arg7 : memref<64x64xf32, #tpu.memory_space<vmem>>) target(%dma_start3A_90 : memref<64x64xf32, #tpu.memory_space<vmem_shared>>) target_semaphore(%run_scoped3A_86 : memref<!tpu.dma_semaphore, #tpu.memory_space<semaphore_mem>>)
      %dma_wait3A = arith.constant 0 : i32
      %dma_wait3A_91 = tpu.memref_slice %arg9[%add3A_39, %dma_wait3A] : memref<10240x64xf32, #tpu.memory_space<vmem_shared>> -> memref<64x64xf32, #tpu.memory_space<vmem_shared>>
      %dma_wait3A_92 = arith.constant 0 : i32
      %dma_wait3A_93 = tpu.memref_slice %arg9[%add3A_39, %dma_wait3A_92] : memref<10240x64xf32, #tpu.memory_space<vmem_shared>> -> memref<64x64xf32, #tpu.memory_space<vmem_shared>>
      tpu.wait_dma2 semaphore(%run_scoped3A_86 : memref<!tpu.dma_semaphore, #tpu.memory_space<semaphore_mem>>) src(%arg7 : memref<64x64xf32, #tpu.memory_space<vmem>>) dst(%dma_wait3A_93 : memref<64x64xf32, #tpu.memory_space<vmem_shared>>)
      tpu.yield
    }) : () -> ()
    %mul3A_40 = arith.constant 640 : i32
    %mul3A_41 = arith.muli %arg1, %mul3A_40 : i32
    %add3A_42 = arith.constant 192 : i32
    %add3A_43 = arith.addi %mul3A_41, %add3A_42 : i32
    "tpu.region"() ({
      %run_scoped3A_86 = tpu.sem_alloc : memref<!tpu.dma_semaphore, #tpu.memory_space<semaphore_mem>>
      %dma_start3A_87 = arith.constant 0 : i32
      %dma_start3A_88 = tpu.memref_slice %arg9[%add3A_43, %dma_start3A_87] : memref<10240x64xf32, #tpu.memory_space<vmem_shared>> -> memref<64x64xf32, #tpu.memory_space<vmem_shared>>
      %dma_start3A_89 = arith.constant 0 : i32
      %dma_start3A_90 = tpu.memref_slice %arg9[%add3A_43, %dma_start3A_89] : memref<10240x64xf32, #tpu.memory_space<vmem_shared>> -> memref<64x64xf32, #tpu.memory_space<vmem_shared>>
      tpu.enqueue_dma source(%arg7 : memref<64x64xf32, #tpu.memory_space<vmem>>) target(%dma_start3A_90 : memref<64x64xf32, #tpu.memory_space<vmem_shared>>) target_semaphore(%run_scoped3A_86 : memref<!tpu.dma_semaphore, #tpu.memory_space<semaphore_mem>>)
      %dma_wait3A = arith.constant 0 : i32
      %dma_wait3A_91 = tpu.memref_slice %arg9[%add3A_43, %dma_wait3A] : memref<10240x64xf32, #tpu.memory_space<vmem_shared>> -> memref<64x64xf32, #tpu.memory_space<vmem_shared>>
      %dma_wait3A_92 = arith.constant 0 : i32
      %dma_wait3A_93 = tpu.memref_slice %arg9[%add3A_43, %dma_wait3A_92] : memref<10240x64xf32, #tpu.memory_space<vmem_shared>> -> memref<64x64xf32, #tpu.memory_space<vmem_shared>>
      tpu.wait_dma2 semaphore(%run_scoped3A_86 : memref<!tpu.dma_semaphore, #tpu.memory_space<semaphore_mem>>) src(%arg7 : memref<64x64xf32, #tpu.memory_space<vmem>>) dst(%dma_wait3A_93 : memref<64x64xf32, #tpu.memory_space<vmem_shared>>)
      tpu.yield
    }) : () -> ()
    %mul3A_44 = arith.constant 640 : i32
    %mul3A_45 = arith.muli %arg1, %mul3A_44 : i32
    %add3A_46 = arith.constant 256 : i32
    %add3A_47 = arith.addi %mul3A_45, %add3A_46 : i32
    "tpu.region"() ({
      %run_scoped3A_86 = tpu.sem_alloc : memref<!tpu.dma_semaphore, #tpu.memory_space<semaphore_mem>>
      %dma_start3A_87 = arith.constant 0 : i32
      %dma_start3A_88 = tpu.memref_slice %arg9[%add3A_47, %dma_start3A_87] : memref<10240x64xf32, #tpu.memory_space<vmem_shared>> -> memref<64x64xf32, #tpu.memory_space<vmem_shared>>
      %dma_start3A_89 = arith.constant 0 : i32
      %dma_start3A_90 = tpu.memref_slice %arg9[%add3A_47, %dma_start3A_89] : memref<10240x64xf32, #tpu.memory_space<vmem_shared>> -> memref<64x64xf32, #tpu.memory_space<vmem_shared>>
      tpu.enqueue_dma source(%arg7 : memref<64x64xf32, #tpu.memory_space<vmem>>) target(%dma_start3A_90 : memref<64x64xf32, #tpu.memory_space<vmem_shared>>) target_semaphore(%run_scoped3A_86 : memref<!tpu.dma_semaphore, #tpu.memory_space<semaphore_mem>>)
      %dma_wait3A = arith.constant 0 : i32
      %dma_wait3A_91 = tpu.memref_slice %arg9[%add3A_47, %dma_wait3A] : memref<10240x64xf32, #tpu.memory_space<vmem_shared>> -> memref<64x64xf32, #tpu.memory_space<vmem_shared>>
      %dma_wait3A_92 = arith.constant 0 : i32
      %dma_wait3A_93 = tpu.memref_slice %arg9[%add3A_47, %dma_wait3A_92] : memref<10240x64xf32, #tpu.memory_space<vmem_shared>> -> memref<64x64xf32, #tpu.memory_space<vmem_shared>>
      tpu.wait_dma2 semaphore(%run_scoped3A_86 : memref<!tpu.dma_semaphore, #tpu.memory_space<semaphore_mem>>) src(%arg7 : memref<64x64xf32, #tpu.memory_space<vmem>>) dst(%dma_wait3A_93 : memref<64x64xf32, #tpu.memory_space<vmem_shared>>)
      tpu.yield
    }) : () -> ()
    %mul3A_48 = arith.constant 640 : i32
    %mul3A_49 = arith.muli %arg1, %mul3A_48 : i32
    %add3A_50 = arith.constant 320 : i32
    %add3A_51 = arith.addi %mul3A_49, %add3A_50 : i32
    "tpu.region"() ({
      %run_scoped3A_86 = tpu.sem_alloc : memref<!tpu.dma_semaphore, #tpu.memory_space<semaphore_mem>>
      %dma_start3A_87 = arith.constant 0 : i32
      %dma_start3A_88 = tpu.memref_slice %arg9[%add3A_51, %dma_start3A_87] : memref<10240x64xf32, #tpu.memory_space<vmem_shared>> -> memref<64x64xf32, #tpu.memory_space<vmem_shared>>
      %dma_start3A_89 = arith.constant 0 : i32
      %dma_start3A_90 = tpu.memref_slice %arg9[%add3A_51, %dma_start3A_89] : memref<10240x64xf32, #tpu.memory_space<vmem_shared>> -> memref<64x64xf32, #tpu.memory_space<vmem_shared>>
      tpu.enqueue_dma source(%arg7 : memref<64x64xf32, #tpu.memory_space<vmem>>) target(%dma_start3A_90 : memref<64x64xf32, #tpu.memory_space<vmem_shared>>) target_semaphore(%run_scoped3A_86 : memref<!tpu.dma_semaphore, #tpu.memory_space<semaphore_mem>>)
      %dma_wait3A = arith.constant 0 : i32
      %dma_wait3A_91 = tpu.memref_slice %arg9[%add3A_51, %dma_wait3A] : memref<10240x64xf32, #tpu.memory_space<vmem_shared>> -> memref<64x64xf32, #tpu.memory_space<vmem_shared>>
      %dma_wait3A_92 = arith.constant 0 : i32
      %dma_wait3A_93 = tpu.memref_slice %arg9[%add3A_51, %dma_wait3A_92] : memref<10240x64xf32, #tpu.memory_space<vmem_shared>> -> memref<64x64xf32, #tpu.memory_space<vmem_shared>>
      tpu.wait_dma2 semaphore(%run_scoped3A_86 : memref<!tpu.dma_semaphore, #tpu.memory_space<semaphore_mem>>) src(%arg7 : memref<64x64xf32, #tpu.memory_space<vmem>>) dst(%dma_wait3A_93 : memref<64x64xf32, #tpu.memory_space<vmem_shared>>)
      tpu.yield
    }) : () -> ()
    %mul3A_52 = arith.constant 640 : i32
    %mul3A_53 = arith.muli %arg1, %mul3A_52 : i32
    %add3A_54 = arith.constant 384 : i32
    %add3A_55 = arith.addi %mul3A_53, %add3A_54 : i32
    "tpu.region"() ({
      %run_scoped3A_86 = tpu.sem_alloc : memref<!tpu.dma_semaphore, #tpu.memory_space<semaphore_mem>>
      %dma_start3A_87 = arith.constant 0 : i32
      %dma_start3A_88 = tpu.memref_slice %arg9[%add3A_55, %dma_start3A_87] : memref<10240x64xf32, #tpu.memory_space<vmem_shared>> -> memref<64x64xf32, #tpu.memory_space<vmem_shared>>
      %dma_start3A_89 = arith.constant 0 : i32
      %dma_start3A_90 = tpu.memref_slice %arg9[%add3A_55, %dma_start3A_89] : memref<10240x64xf32, #tpu.memory_space<vmem_shared>> -> memref<64x64xf32, #tpu.memory_space<vmem_shared>>
      tpu.enqueue_dma source(%arg7 : memref<64x64xf32, #tpu.memory_space<vmem>>) target(%dma_start3A_90 : memref<64x64xf32, #tpu.memory_space<vmem_shared>>) target_semaphore(%run_scoped3A_86 : memref<!tpu.dma_semaphore, #tpu.memory_space<semaphore_mem>>)
      %dma_wait3A = arith.constant 0 : i32
      %dma_wait3A_91 = tpu.memref_slice %arg9[%add3A_55, %dma_wait3A] : memref<10240x64xf32, #tpu.memory_space<vmem_shared>> -> memref<64x64xf32, #tpu.memory_space<vmem_shared>>
      %dma_wait3A_92 = arith.constant 0 : i32
      %dma_wait3A_93 = tpu.memref_slice %arg9[%add3A_55, %dma_wait3A_92] : memref<10240x64xf32, #tpu.memory_space<vmem_shared>> -> memref<64x64xf32, #tpu.memory_space<vmem_shared>>
      tpu.wait_dma2 semaphore(%run_scoped3A_86 : memref<!tpu.dma_semaphore, #tpu.memory_space<semaphore_mem>>) src(%arg7 : memref<64x64xf32, #tpu.memory_space<vmem>>) dst(%dma_wait3A_93 : memref<64x64xf32, #tpu.memory_space<vmem_shared>>)
      tpu.yield
    }) : () -> ()
    %mul3A_56 = arith.constant 640 : i32
    %mul3A_57 = arith.muli %arg1, %mul3A_56 : i32
    %add3A_58 = arith.constant 448 : i32
    %add3A_59 = arith.addi %mul3A_57, %add3A_58 : i32
    "tpu.region"() ({
      %run_scoped3A_86 = tpu.sem_alloc : memref<!tpu.dma_semaphore, #tpu.memory_space<semaphore_mem>>
      %dma_start3A_87 = arith.constant 0 : i32
      %dma_start3A_88 = tpu.memref_slice %arg9[%add3A_59, %dma_start3A_87] : memref<10240x64xf32, #tpu.memory_space<vmem_shared>> -> memref<64x64xf32, #tpu.memory_space<vmem_shared>>
      %dma_start3A_89 = arith.constant 0 : i32
      %dma_start3A_90 = tpu.memref_slice %arg9[%add3A_59, %dma_start3A_89] : memref<10240x64xf32, #tpu.memory_space<vmem_shared>> -> memref<64x64xf32, #tpu.memory_space<vmem_shared>>
      tpu.enqueue_dma source(%arg7 : memref<64x64xf32, #tpu.memory_space<vmem>>) target(%dma_start3A_90 : memref<64x64xf32, #tpu.memory_space<vmem_shared>>) target_semaphore(%run_scoped3A_86 : memref<!tpu.dma_semaphore, #tpu.memory_space<semaphore_mem>>)
      %dma_wait3A = arith.constant 0 : i32
      %dma_wait3A_91 = tpu.memref_slice %arg9[%add3A_59, %dma_wait3A] : memref<10240x64xf32, #tpu.memory_space<vmem_shared>> -> memref<64x64xf32, #tpu.memory_space<vmem_shared>>
      %dma_wait3A_92 = arith.constant 0 : i32
      %dma_wait3A_93 = tpu.memref_slice %arg9[%add3A_59, %dma_wait3A_92] : memref<10240x64xf32, #tpu.memory_space<vmem_shared>> -> memref<64x64xf32, #tpu.memory_space<vmem_shared>>
      tpu.wait_dma2 semaphore(%run_scoped3A_86 : memref<!tpu.dma_semaphore, #tpu.memory_space<semaphore_mem>>) src(%arg7 : memref<64x64xf32, #tpu.memory_space<vmem>>) dst(%dma_wait3A_93 : memref<64x64xf32, #tpu.memory_space<vmem_shared>>)
      tpu.yield
    }) : () -> ()
    %mul3A_60 = arith.constant 640 : i32
    %mul3A_61 = arith.muli %arg1, %mul3A_60 : i32
    %add3A_62 = arith.constant 512 : i32
    %add3A_63 = arith.addi %mul3A_61, %add3A_62 : i32
    "tpu.region"() ({
      %run_scoped3A_86 = tpu.sem_alloc : memref<!tpu.dma_semaphore, #tpu.memory_space<semaphore_mem>>
      %dma_start3A_87 = arith.constant 0 : i32
      %dma_start3A_88 = tpu.memref_slice %arg9[%add3A_63, %dma_start3A_87] : memref<10240x64xf32, #tpu.memory_space<vmem_shared>> -> memref<64x64xf32, #tpu.memory_space<vmem_shared>>
      %dma_start3A_89 = arith.constant 0 : i32
      %dma_start3A_90 = tpu.memref_slice %arg9[%add3A_63, %dma_start3A_89] : memref<10240x64xf32, #tpu.memory_space<vmem_shared>> -> memref<64x64xf32, #tpu.memory_space<vmem_shared>>
      tpu.enqueue_dma source(%arg7 : memref<64x64xf32, #tpu.memory_space<vmem>>) target(%dma_start3A_90 : memref<64x64xf32, #tpu.memory_space<vmem_shared>>) target_semaphore(%run_scoped3A_86 : memref<!tpu.dma_semaphore, #tpu.memory_space<semaphore_mem>>)
      %dma_wait3A = arith.constant 0 : i32
      %dma_wait3A_91 = tpu.memref_slice %arg9[%add3A_63, %dma_wait3A] : memref<10240x64xf32, #tpu.memory_space<vmem_shared>> -> memref<64x64xf32, #tpu.memory_space<vmem_shared>>
      %dma_wait3A_92 = arith.constant 0 : i32
      %dma_wait3A_93 = tpu.memref_slice %arg9[%add3A_63, %dma_wait3A_92] : memref<10240x64xf32, #tpu.memory_space<vmem_shared>> -> memref<64x64xf32, #tpu.memory_space<vmem_shared>>
      tpu.wait_dma2 semaphore(%run_scoped3A_86 : memref<!tpu.dma_semaphore, #tpu.memory_space<semaphore_mem>>) src(%arg7 : memref<64x64xf32, #tpu.memory_space<vmem>>) dst(%dma_wait3A_93 : memref<64x64xf32, #tpu.memory_space<vmem_shared>>)
      tpu.yield
    }) : () -> ()
    %mul3A_64 = arith.constant 640 : i32
    %mul3A_65 = arith.muli %arg1, %mul3A_64 : i32
    %add3A_66 = arith.constant 576 : i32
    %add3A_67 = arith.addi %mul3A_65, %add3A_66 : i32
    "tpu.region"() ({
      %run_scoped3A_86 = tpu.sem_alloc : memref<!tpu.dma_semaphore, #tpu.memory_space<semaphore_mem>>
      %dma_start3A_87 = arith.constant 0 : i32
      %dma_start3A_88 = tpu.memref_slice %arg9[%add3A_67, %dma_start3A_87] : memref<10240x64xf32, #tpu.memory_space<vmem_shared>> -> memref<64x64xf32, #tpu.memory_space<vmem_shared>>
      %dma_start3A_89 = arith.constant 0 : i32
      %dma_start3A_90 = tpu.memref_slice %arg9[%add3A_67, %dma_start3A_89] : memref<10240x64xf32, #tpu.memory_space<vmem_shared>> -> memref<64x64xf32, #tpu.memory_space<vmem_shared>>
      tpu.enqueue_dma source(%arg7 : memref<64x64xf32, #tpu.memory_space<vmem>>) target(%dma_start3A_90 : memref<64x64xf32, #tpu.memory_space<vmem_shared>>) target_semaphore(%run_scoped3A_86 : memref<!tpu.dma_semaphore, #tpu.memory_space<semaphore_mem>>)
      %dma_wait3A = arith.constant 0 : i32
      %dma_wait3A_91 = tpu.memref_slice %arg9[%add3A_67, %dma_wait3A] : memref<10240x64xf32, #tpu.memory_space<vmem_shared>> -> memref<64x64xf32, #tpu.memory_space<vmem_shared>>
      %dma_wait3A_92 = arith.constant 0 : i32
      %dma_wait3A_93 = tpu.memref_slice %arg9[%add3A_67, %dma_wait3A_92] : memref<10240x64xf32, #tpu.memory_space<vmem_shared>> -> memref<64x64xf32, #tpu.memory_space<vmem_shared>>
      tpu.wait_dma2 semaphore(%run_scoped3A_86 : memref<!tpu.dma_semaphore, #tpu.memory_space<semaphore_mem>>) src(%arg7 : memref<64x64xf32, #tpu.memory_space<vmem>>) dst(%dma_wait3A_93 : memref<64x64xf32, #tpu.memory_space<vmem_shared>>)
      tpu.yield
    }) : () -> ()
    %barrier3A = arith.constant 0 : index
    tpu.barrier barrier_id(%barrier3A)
    %dma_start3A = arith.constant 0 : i32
    %dma_start3A_68 = tpu.memref_slice %arg5[%dma_start3A] : memref<10112xi32, #tpu.memory_space<vmem>> -> memref<64xi32, #tpu.memory_space<vmem>>
    %dma_start3A_69 = arith.constant 0 : i32
    %dma_start3A_70 = arith.constant 0 : i32
    %dma_start3A_71 = tpu.memref_slice %arg10[%dma_start3A_69, %dma_start3A_70] : memref<10240x64xf32, #tpu.memory_space<vmem_shared>> -> memref<10240x64xf32, #tpu.memory_space<vmem_shared>>
    tpu.enqueue_indirect_dma source(%dma_start3A_71 : memref<10240x64xf32, #tpu.memory_space<vmem_shared>>) target(%arg7 : memref<64x64xf32, #tpu.memory_space<vmem>>) offsets(%dma_start3A_68 : memref<64xi32, #tpu.memory_space<vmem>>) semaphore(%arg11 : memref<!tpu.dma_semaphore, #tpu.memory_space<semaphore_mem>>)
    %scan3A_72 = arith.constant 0 : i32
    %scan3A_73 = arith.constant 0 : i32
    %scan3A_74 = arith.constant 79 : i32
    %scan3A_75 = arith.addi %scan3A_73, %scan3A_74 : i32
    %scan3A_76 = arith.constant 1 : i32
    scf.for %scan3A_86 = %scan3A_73 to %scan3A_75 step %scan3A_76  : i32 {
      %mul3A_87 = arith.constant 2 : i32
      %mul3A_88 = arith.muli %mul3A_87, %scan3A_86 : i32
      %mul3A_89 = arith.constant 64 : i32
      %mul3A_90 = arith.muli %mul3A_88, %mul3A_89 : i32
      %dma_wait3A = tpu.memref_slice %arg5[%mul3A_90] : memref<10112xi32, #tpu.memory_space<vmem>> -> memref<64xi32, #tpu.memory_space<vmem>>
      %dma_wait3A_91 = arith.constant 0 : i32
      %dma_wait3A_92 = arith.constant 0 : i32
      %dma_wait3A_93 = tpu.memref_slice %arg10[%dma_wait3A_91, %dma_wait3A_92] : memref<10240x64xf32, #tpu.memory_space<vmem_shared>> -> memref<10240x64xf32, #tpu.memory_space<vmem_shared>>
      tpu.wait_indirect_dma semaphore(%arg11 : memref<!tpu.dma_semaphore, #tpu.memory_space<semaphore_mem>>) src(%dma_wait3A_93 : memref<10240x64xf32, #tpu.memory_space<vmem_shared>>) dst(%arg7 : memref<64x64xf32, #tpu.memory_space<vmem>>)
      %mul3A_94 = arith.constant 2 : i32
      %mul3A_95 = arith.muli %mul3A_94, %scan3A_86 : i32
      %add3A_96 = arith.constant 1 : i32
      %add3A_97 = arith.addi %mul3A_95, %add3A_96 : i32
      %mul3A_98 = arith.constant 64 : i32
      %mul3A_99 = arith.muli %add3A_97, %mul3A_98 : i32
      %dma_start3A_100 = tpu.memref_slice %arg5[%mul3A_99] : memref<10112xi32, #tpu.memory_space<vmem>> -> memref<64xi32, #tpu.memory_space<vmem>>
      %dma_start3A_101 = arith.constant 0 : i32
      %dma_start3A_102 = arith.constant 0 : i32
      %dma_start3A_103 = tpu.memref_slice %arg10[%dma_start3A_101, %dma_start3A_102] : memref<10240x64xf32, #tpu.memory_space<vmem_shared>> -> memref<10240x64xf32, #tpu.memory_space<vmem_shared>>
      tpu.enqueue_indirect_dma source(%dma_start3A_103 : memref<10240x64xf32, #tpu.memory_space<vmem_shared>>) target(%arg8 : memref<64x64xf32, #tpu.memory_space<vmem>>) offsets(%dma_start3A_100 : memref<64xi32, #tpu.memory_space<vmem>>) semaphore(%arg12 : memref<!tpu.dma_semaphore, #tpu.memory_space<semaphore_mem>>)
      %mul3A_104 = arith.constant 2 : i32
      %mul3A_105 = arith.muli %mul3A_104, %scan3A_86 : i32
      %mul3A_106 = arith.constant 64 : i32
      %mul3A_107 = arith.muli %mul3A_105, %mul3A_106 : i32
      "tpu.region"() ({
        %run_scoped3A_128 = tpu.sem_alloc : memref<!tpu.dma_semaphore, #tpu.memory_space<semaphore_mem>>
        %dma_start3A_129 = tpu.memref_slice %arg6[%mul3A_107] : memref<10112xi32, #tpu.memory_space<vmem>> -> memref<64xi32, #tpu.memory_space<vmem>>
        %dma_start3A_130 = arith.constant 0 : i32
        %dma_start3A_131 = arith.constant 0 : i32
        %dma_start3A_132 = tpu.memref_slice %arg9[%dma_start3A_130, %dma_start3A_131] : memref<10240x64xf32, #tpu.memory_space<vmem_shared>> -> memref<10240x64xf32, #tpu.memory_space<vmem_shared>>
        tpu.enqueue_indirect_dma source(%arg7 : memref<64x64xf32, #tpu.memory_space<vmem>>) target(%dma_start3A_132 : memref<10240x64xf32, #tpu.memory_space<vmem_shared>>) offsets(%dma_start3A_129 : memref<64xi32, #tpu.memory_space<vmem>>) semaphore(%run_scoped3A_128 : memref<!tpu.dma_semaphore, #tpu.memory_space<semaphore_mem>>) {add = true}
        %dma_wait3A_133 = tpu.memref_slice %arg6[%mul3A_107] : memref<10112xi32, #tpu.memory_space<vmem>> -> memref<64xi32, #tpu.memory_space<vmem>>
        %dma_wait3A_134 = arith.constant 0 : i32
        %dma_wait3A_135 = arith.constant 0 : i32
        %dma_wait3A_136 = tpu.memref_slice %arg9[%dma_wait3A_134, %dma_wait3A_135] : memref<10240x64xf32, #tpu.memory_space<vmem_shared>> -> memref<10240x64xf32, #tpu.memory_space<vmem_shared>>
        tpu.wait_indirect_dma semaphore(%run_scoped3A_128 : memref<!tpu.dma_semaphore, #tpu.memory_space<semaphore_mem>>) src(%arg7 : memref<64x64xf32, #tpu.memory_space<vmem>>) dst(%dma_wait3A_136 : memref<10240x64xf32, #tpu.memory_space<vmem_shared>>)
        tpu.yield
      }) : () -> ()
      %mul3A_108 = arith.constant 2 : i32
      %mul3A_109 = arith.muli %mul3A_108, %scan3A_86 : i32
      %add3A_110 = arith.constant 1 : i32
      %add3A_111 = arith.addi %mul3A_109, %add3A_110 : i32
      %mul3A_112 = arith.constant 64 : i32
      %mul3A_113 = arith.muli %add3A_111, %mul3A_112 : i32
      %dma_wait3A_114 = tpu.memref_slice %arg5[%mul3A_113] : memref<10112xi32, #tpu.memory_space<vmem>> -> memref<64xi32, #tpu.memory_space<vmem>>
      %dma_wait3A_115 = arith.constant 0 : i32
      %dma_wait3A_116 = arith.constant 0 : i32
      %dma_wait3A_117 = tpu.memref_slice %arg10[%dma_wait3A_115, %dma_wait3A_116] : memref<10240x64xf32, #tpu.memory_space<vmem_shared>> -> memref<10240x64xf32, #tpu.memory_space<vmem_shared>>
      tpu.wait_indirect_dma semaphore(%arg12 : memref<!tpu.dma_semaphore, #tpu.memory_space<semaphore_mem>>) src(%dma_wait3A_117 : memref<10240x64xf32, #tpu.memory_space<vmem_shared>>) dst(%arg8 : memref<64x64xf32, #tpu.memory_space<vmem>>)
      %add3A_118 = arith.constant 1 : i32
      %add3A_119 = arith.addi %scan3A_86, %add3A_118 : i32
      %lt3A = arith.constant 79 : i32
      %lt3A_120 = arith.cmpi slt, %add3A_119, %lt3A : i32
      %convert_element_type3A = arith.extui %lt3A_120 : i1 to i32
      %cond3A = arith.constant 0 : i32
      %cond3A_121 = arith.cmpi ne, %convert_element_type3A, %cond3A : i32
      scf.if %cond3A_121 {
        %add3A_128 = arith.constant 1 : i32
        %add3A_129 = arith.addi %scan3A_86, %add3A_128 : i32
        %mul3A_130 = arith.constant 2 : i32
        %mul3A_131 = arith.muli %mul3A_130, %add3A_129 : i32
        %mul3A_132 = arith.constant 64 : i32
        %mul3A_133 = arith.muli %mul3A_131, %mul3A_132 : i32
        %dma_start3A_134 = tpu.memref_slice %arg5[%mul3A_133] : memref<10112xi32, #tpu.memory_space<vmem>> -> memref<64xi32, #tpu.memory_space<vmem>>
        %dma_start3A_135 = arith.constant 0 : i32
        %dma_start3A_136 = arith.constant 0 : i32
        %dma_start3A_137 = tpu.memref_slice %arg10[%dma_start3A_135, %dma_start3A_136] : memref<10240x64xf32, #tpu.memory_space<vmem_shared>> -> memref<10240x64xf32, #tpu.memory_space<vmem_shared>>
        tpu.enqueue_indirect_dma source(%dma_start3A_137 : memref<10240x64xf32, #tpu.memory_space<vmem_shared>>) target(%arg7 : memref<64x64xf32, #tpu.memory_space<vmem>>) offsets(%dma_start3A_134 : memref<64xi32, #tpu.memory_space<vmem>>) semaphore(%arg11 : memref<!tpu.dma_semaphore, #tpu.memory_space<semaphore_mem>>)
      } else {
      }
      %mul3A_122 = arith.constant 2 : i32
      %mul3A_123 = arith.muli %mul3A_122, %scan3A_86 : i32
      %add3A_124 = arith.constant 1 : i32
      %add3A_125 = arith.addi %mul3A_123, %add3A_124 : i32
      %mul3A_126 = arith.constant 64 : i32
      %mul3A_127 = arith.muli %add3A_125, %mul3A_126 : i32
      "tpu.region"() ({
        %run_scoped3A_128 = tpu.sem_alloc : memref<!tpu.dma_semaphore, #tpu.memory_space<semaphore_mem>>
        %dma_start3A_129 = tpu.memref_slice %arg6[%mul3A_127] : memref<10112xi32, #tpu.memory_space<vmem>> -> memref<64xi32, #tpu.memory_space<vmem>>
        %dma_start3A_130 = arith.constant 0 : i32
        %dma_start3A_131 = arith.constant 0 : i32
        %dma_start3A_132 = tpu.memref_slice %arg9[%dma_start3A_130, %dma_start3A_131] : memref<10240x64xf32, #tpu.memory_space<vmem_shared>> -> memref<10240x64xf32, #tpu.memory_space<vmem_shared>>
        tpu.enqueue_indirect_dma source(%arg8 : memref<64x64xf32, #tpu.memory_space<vmem>>) target(%dma_start3A_132 : memref<10240x64xf32, #tpu.memory_space<vmem_shared>>) offsets(%dma_start3A_129 : memref<64xi32, #tpu.memory_space<vmem>>) semaphore(%run_scoped3A_128 : memref<!tpu.dma_semaphore, #tpu.memory_space<semaphore_mem>>) {add = true}
        %dma_wait3A_133 = tpu.memref_slice %arg6[%mul3A_127] : memref<10112xi32, #tpu.memory_space<vmem>> -> memref<64xi32, #tpu.memory_space<vmem>>
        %dma_wait3A_134 = arith.constant 0 : i32
        %dma_wait3A_135 = arith.constant 0 : i32
        %dma_wait3A_136 = tpu.memref_slice %arg9[%dma_wait3A_134, %dma_wait3A_135] : memref<10240x64xf32, #tpu.memory_space<vmem_shared>> -> memref<10240x64xf32, #tpu.memory_space<vmem_shared>>
        tpu.wait_indirect_dma semaphore(%run_scoped3A_128 : memref<!tpu.dma_semaphore, #tpu.memory_space<semaphore_mem>>) src(%arg8 : memref<64x64xf32, #tpu.memory_space<vmem>>) dst(%dma_wait3A_136 : memref<10240x64xf32, #tpu.memory_space<vmem_shared>>)
        tpu.yield
      }) : () -> ()
    }
    %scan3A_77 = arith.constant 79 : i32
    %barrier3A_78 = arith.constant 0 : index
    tpu.barrier barrier_id(%barrier3A_78)
    %mul3A_79 = arith.constant 640 : i32
    %mul3A_80 = arith.muli %arg1, %mul3A_79 : i32
    %mul3A_81 = arith.constant 10240 : i32
    %mul3A_82 = arith.muli %arg0, %mul3A_81 : i32
    %mul3A_83 = arith.constant 640 : i32
    %mul3A_84 = arith.muli %arg1, %mul3A_83 : i32
    %add3A_85 = arith.addi %mul3A_82, %mul3A_84 : i32
    "tpu.region"() ({
      %run_scoped3A_86 = tpu.sem_alloc : memref<!tpu.dma_semaphore, #tpu.memory_space<semaphore_mem>>
      %dma_start3A_87 = arith.constant 0 : i32
      %dma_start3A_88 = tpu.memref_slice %arg4[%add3A_85, %dma_start3A_87] : memref<20480x64xf32, #tpu.memory_space<hbm>> -> memref<640x64xf32, #tpu.memory_space<hbm>>
      %dma_start3A_89 = arith.constant 0 : i32
      %dma_start3A_90 = tpu.memref_slice %arg9[%mul3A_80, %dma_start3A_89] : memref<10240x64xf32, #tpu.memory_space<vmem_shared>> -> memref<640x64xf32, #tpu.memory_space<vmem_shared>>
      tpu.enqueue_dma source(%dma_start3A_90 : memref<640x64xf32, #tpu.memory_space<vmem_shared>>) target(%dma_start3A_88 : memref<640x64xf32, #tpu.memory_space<hbm>>) target_semaphore(%run_scoped3A_86 : memref<!tpu.dma_semaphore, #tpu.memory_space<semaphore_mem>>)
      %dma_wait3A = arith.constant 0 : i32
      %dma_wait3A_91 = tpu.memref_slice %arg4[%add3A_85, %dma_wait3A] : memref<20480x64xf32, #tpu.memory_space<hbm>> -> memref<640x64xf32, #tpu.memory_space<hbm>>
      %dma_wait3A_92 = arith.constant 0 : i32
      %dma_wait3A_93 = tpu.memref_slice %arg9[%mul3A_80, %dma_wait3A_92] : memref<10240x64xf32, #tpu.memory_space<vmem_shared>> -> memref<640x64xf32, #tpu.memory_space<vmem_shared>>
      tpu.wait_dma2 semaphore(%run_scoped3A_86 : memref<!tpu.dma_semaphore, #tpu.memory_space<semaphore_mem>>) src(%dma_wait3A_93 : memref<640x64xf32, #tpu.memory_space<vmem_shared>>) dst(%dma_wait3A_91 : memref<640x64xf32, #tpu.memory_space<hbm>>)
      tpu.yield
    }) : () -> ()
    return
  }
}

#map = affine_map<(d0, d1) -> (0, 0)>
module attributes {stable_mosaic.version = 14 : i64} {
  func.func @agg_kernel(%arg0: i32, %arg1: i32, %arg2: memref<10240x64xf32, #tpu.memory_space<hbm>>, %arg3: memref<10240x64xf32, #tpu.memory_space<hbm>>, %arg4: memref<2x320000xi32, #tpu.memory_space<hbm>>, %arg5: memref<20480x64xf32, #tpu.memory_space<hbm>>, %arg6: memref<20096xi32, #tpu.memory_space<vmem>>, %arg7: memref<20096xi32, #tpu.memory_space<vmem>>, %arg8: memref<64x64xf32, #tpu.memory_space<vmem>>, %arg9: memref<64x64xf32, #tpu.memory_space<vmem>>, %arg10: memref<10240x64xf32, #tpu.memory_space<vmem_shared>>, %arg11: memref<10240x64xf32, #tpu.memory_space<vmem_shared>>, %arg12: memref<!tpu.dma_semaphore, #tpu.memory_space<semaphore_mem>>, %arg13: memref<!tpu.dma_semaphore, #tpu.memory_space<semaphore_mem>>) attributes {dimension_semantics = [#tpu.dimension_semantics<core_parallel>, #tpu.dimension_semantics<subcore_parallel>], iteration_bounds = array<i64: 2, 16>, scalar_prefetch = 0 : i64, scratch_operands = 8 : i64, tpu.core_type = #tpu.core_type<sc_vector_subcore>, window_params = [{transform_indices = #map}, {transform_indices = #map}, {transform_indices = #map}, {transform_indices = #map}]} {
    %eq3A = arith.constant 0 : i32
    %eq3A_0 = arith.cmpi eq, %arg0, %eq3A : i32
    %convert_element_type3A = arith.extui %eq3A_0 : i1 to i32
    %cond3A = arith.constant 0 : i32
    %cond3A_1 = arith.cmpi ne, %convert_element_type3A, %cond3A : i32
    scf.if %cond3A_1 {
      %mul3A_86 = arith.constant 640 : i32
      %mul3A_87 = arith.muli %arg1, %mul3A_86 : i32
      %mul3A_88 = arith.constant 640 : i32
      %mul3A_89 = arith.muli %arg1, %mul3A_88 : i32
      "tpu.region"() ({
        %run_scoped3A_90 = tpu.sem_alloc : memref<!tpu.dma_semaphore, #tpu.memory_space<semaphore_mem>>
        %dma_start3A = arith.constant 0 : i32
        %dma_start3A_91 = tpu.memref_slice %arg11[%mul3A_89, %dma_start3A] : memref<10240x64xf32, #tpu.memory_space<vmem_shared>> -> memref<640x64xf32, #tpu.memory_space<vmem_shared>>
        %dma_start3A_92 = arith.constant 0 : i32
        %dma_start3A_93 = tpu.memref_slice %arg2[%mul3A_87, %dma_start3A_92] : memref<10240x64xf32, #tpu.memory_space<hbm>> -> memref<640x64xf32, #tpu.memory_space<hbm>>
        tpu.enqueue_dma source(%dma_start3A_93 : memref<640x64xf32, #tpu.memory_space<hbm>>) target(%dma_start3A_91 : memref<640x64xf32, #tpu.memory_space<vmem_shared>>) target_semaphore(%run_scoped3A_90 : memref<!tpu.dma_semaphore, #tpu.memory_space<semaphore_mem>>)
        %dma_wait3A = arith.constant 0 : i32
        %dma_wait3A_94 = tpu.memref_slice %arg11[%mul3A_89, %dma_wait3A] : memref<10240x64xf32, #tpu.memory_space<vmem_shared>> -> memref<640x64xf32, #tpu.memory_space<vmem_shared>>
        %dma_wait3A_95 = arith.constant 0 : i32
        %dma_wait3A_96 = tpu.memref_slice %arg2[%mul3A_87, %dma_wait3A_95] : memref<10240x64xf32, #tpu.memory_space<hbm>> -> memref<640x64xf32, #tpu.memory_space<hbm>>
        tpu.wait_dma2 semaphore(%run_scoped3A_90 : memref<!tpu.dma_semaphore, #tpu.memory_space<semaphore_mem>>) src(%dma_wait3A_96 : memref<640x64xf32, #tpu.memory_space<hbm>>) dst(%dma_wait3A_94 : memref<640x64xf32, #tpu.memory_space<vmem_shared>>)
        tpu.yield
      }) : () -> ()
    } else {
    }
    %eq3A_2 = arith.constant 1 : i32
    %eq3A_3 = arith.cmpi eq, %arg0, %eq3A_2 : i32
    %convert_element_type3A_4 = arith.extui %eq3A_3 : i1 to i32
    %cond3A_5 = arith.constant 0 : i32
    %cond3A_6 = arith.cmpi ne, %convert_element_type3A_4, %cond3A_5 : i32
    scf.if %cond3A_6 {
      %mul3A_86 = arith.constant 640 : i32
      %mul3A_87 = arith.muli %arg1, %mul3A_86 : i32
      %mul3A_88 = arith.constant 640 : i32
      %mul3A_89 = arith.muli %arg1, %mul3A_88 : i32
      "tpu.region"() ({
        %run_scoped3A_90 = tpu.sem_alloc : memref<!tpu.dma_semaphore, #tpu.memory_space<semaphore_mem>>
        %dma_start3A = arith.constant 0 : i32
        %dma_start3A_91 = tpu.memref_slice %arg11[%mul3A_89, %dma_start3A] : memref<10240x64xf32, #tpu.memory_space<vmem_shared>> -> memref<640x64xf32, #tpu.memory_space<vmem_shared>>
        %dma_start3A_92 = arith.constant 0 : i32
        %dma_start3A_93 = tpu.memref_slice %arg3[%mul3A_87, %dma_start3A_92] : memref<10240x64xf32, #tpu.memory_space<hbm>> -> memref<640x64xf32, #tpu.memory_space<hbm>>
        tpu.enqueue_dma source(%dma_start3A_93 : memref<640x64xf32, #tpu.memory_space<hbm>>) target(%dma_start3A_91 : memref<640x64xf32, #tpu.memory_space<vmem_shared>>) target_semaphore(%run_scoped3A_90 : memref<!tpu.dma_semaphore, #tpu.memory_space<semaphore_mem>>)
        %dma_wait3A = arith.constant 0 : i32
        %dma_wait3A_94 = tpu.memref_slice %arg11[%mul3A_89, %dma_wait3A] : memref<10240x64xf32, #tpu.memory_space<vmem_shared>> -> memref<640x64xf32, #tpu.memory_space<vmem_shared>>
        %dma_wait3A_95 = arith.constant 0 : i32
        %dma_wait3A_96 = tpu.memref_slice %arg3[%mul3A_87, %dma_wait3A_95] : memref<10240x64xf32, #tpu.memory_space<hbm>> -> memref<640x64xf32, #tpu.memory_space<hbm>>
        tpu.wait_dma2 semaphore(%run_scoped3A_90 : memref<!tpu.dma_semaphore, #tpu.memory_space<semaphore_mem>>) src(%dma_wait3A_96 : memref<640x64xf32, #tpu.memory_space<hbm>>) dst(%dma_wait3A_94 : memref<640x64xf32, #tpu.memory_space<vmem_shared>>)
        tpu.yield
      }) : () -> ()
    } else {
    }
    %mul3A = arith.constant 20000 : i32
    %mul3A_7 = arith.muli %arg1, %mul3A : i32
    %run_scoped3A = arith.constant 0 : i32
    "tpu.region"() ({
      %run_scoped3A_86 = tpu.sem_alloc : memref<!tpu.dma_semaphore, #tpu.memory_space<semaphore_mem>>
      %dma_start3A = arith.constant 0 : i32
      %dma_start3A_87 = tpu.memref_slice %arg6[%dma_start3A] : memref<20096xi32, #tpu.memory_space<vmem>> -> memref<20000xi32, #tpu.memory_space<vmem>>
      %dma_start3A_88 = tpu.memref_slice %arg4[%run_scoped3A, %mul3A_7] : memref<2x320000xi32, #tpu.memory_space<hbm>> -> memref<1x20000xi32, #tpu.memory_space<hbm>>
      %dma_start3A_89 = tpu.memref_squeeze %dma_start3A_88 : memref<1x20000xi32, #tpu.memory_space<hbm>> -> memref<20000xi32, #tpu.memory_space<hbm>>
      %dma_start3A_90 = arith.constant 0 : i32
      %dma_start3A_91 = tpu.memref_slice %arg6[%dma_start3A_90] : memref<20096xi32, #tpu.memory_space<vmem>> -> memref<20000xi32, #tpu.memory_space<vmem>>
      %dma_start3A_92 = tpu.memref_slice %arg4[%run_scoped3A, %mul3A_7] : memref<2x320000xi32, #tpu.memory_space<hbm>> -> memref<1x20000xi32, #tpu.memory_space<hbm>>
      %dma_start3A_93 = tpu.memref_squeeze %dma_start3A_92 : memref<1x20000xi32, #tpu.memory_space<hbm>> -> memref<20000xi32, #tpu.memory_space<hbm>>
      tpu.enqueue_dma source(%dma_start3A_93 : memref<20000xi32, #tpu.memory_space<hbm>>) target(%dma_start3A_91 : memref<20000xi32, #tpu.memory_space<vmem>>) target_semaphore(%run_scoped3A_86 : memref<!tpu.dma_semaphore, #tpu.memory_space<semaphore_mem>>)
      %dma_wait3A = arith.constant 0 : i32
      %dma_wait3A_94 = tpu.memref_slice %arg6[%dma_wait3A] : memref<20096xi32, #tpu.memory_space<vmem>> -> memref<20000xi32, #tpu.memory_space<vmem>>
      %dma_wait3A_95 = tpu.memref_slice %arg4[%run_scoped3A, %mul3A_7] : memref<2x320000xi32, #tpu.memory_space<hbm>> -> memref<1x20000xi32, #tpu.memory_space<hbm>>
      %dma_wait3A_96 = tpu.memref_squeeze %dma_wait3A_95 : memref<1x20000xi32, #tpu.memory_space<hbm>> -> memref<20000xi32, #tpu.memory_space<hbm>>
      %dma_wait3A_97 = arith.constant 0 : i32
      %dma_wait3A_98 = tpu.memref_slice %arg6[%dma_wait3A_97] : memref<20096xi32, #tpu.memory_space<vmem>> -> memref<20000xi32, #tpu.memory_space<vmem>>
      %dma_wait3A_99 = tpu.memref_slice %arg4[%run_scoped3A, %mul3A_7] : memref<2x320000xi32, #tpu.memory_space<hbm>> -> memref<1x20000xi32, #tpu.memory_space<hbm>>
      %dma_wait3A_100 = tpu.memref_squeeze %dma_wait3A_99 : memref<1x20000xi32, #tpu.memory_space<hbm>> -> memref<20000xi32, #tpu.memory_space<hbm>>
      tpu.wait_dma2 semaphore(%run_scoped3A_86 : memref<!tpu.dma_semaphore, #tpu.memory_space<semaphore_mem>>) src(%dma_wait3A_100 : memref<20000xi32, #tpu.memory_space<hbm>>) dst(%dma_wait3A_98 : memref<20000xi32, #tpu.memory_space<vmem>>)
      tpu.yield
    }) : () -> ()
    %mul3A_8 = arith.constant 20000 : i32
    %mul3A_9 = arith.muli %arg1, %mul3A_8 : i32
    %run_scoped3A_10 = arith.constant 1 : i32
    "tpu.region"() ({
      %run_scoped3A_86 = tpu.sem_alloc : memref<!tpu.dma_semaphore, #tpu.memory_space<semaphore_mem>>
      %dma_start3A = arith.constant 0 : i32
      %dma_start3A_87 = tpu.memref_slice %arg7[%dma_start3A] : memref<20096xi32, #tpu.memory_space<vmem>> -> memref<20000xi32, #tpu.memory_space<vmem>>
      %dma_start3A_88 = tpu.memref_slice %arg4[%run_scoped3A_10, %mul3A_9] : memref<2x320000xi32, #tpu.memory_space<hbm>> -> memref<1x20000xi32, #tpu.memory_space<hbm>>
      %dma_start3A_89 = tpu.memref_squeeze %dma_start3A_88 : memref<1x20000xi32, #tpu.memory_space<hbm>> -> memref<20000xi32, #tpu.memory_space<hbm>>
      %dma_start3A_90 = arith.constant 0 : i32
      %dma_start3A_91 = tpu.memref_slice %arg7[%dma_start3A_90] : memref<20096xi32, #tpu.memory_space<vmem>> -> memref<20000xi32, #tpu.memory_space<vmem>>
      %dma_start3A_92 = tpu.memref_slice %arg4[%run_scoped3A_10, %mul3A_9] : memref<2x320000xi32, #tpu.memory_space<hbm>> -> memref<1x20000xi32, #tpu.memory_space<hbm>>
      %dma_start3A_93 = tpu.memref_squeeze %dma_start3A_92 : memref<1x20000xi32, #tpu.memory_space<hbm>> -> memref<20000xi32, #tpu.memory_space<hbm>>
      tpu.enqueue_dma source(%dma_start3A_93 : memref<20000xi32, #tpu.memory_space<hbm>>) target(%dma_start3A_91 : memref<20000xi32, #tpu.memory_space<vmem>>) target_semaphore(%run_scoped3A_86 : memref<!tpu.dma_semaphore, #tpu.memory_space<semaphore_mem>>)
      %dma_wait3A = arith.constant 0 : i32
      %dma_wait3A_94 = tpu.memref_slice %arg7[%dma_wait3A] : memref<20096xi32, #tpu.memory_space<vmem>> -> memref<20000xi32, #tpu.memory_space<vmem>>
      %dma_wait3A_95 = tpu.memref_slice %arg4[%run_scoped3A_10, %mul3A_9] : memref<2x320000xi32, #tpu.memory_space<hbm>> -> memref<1x20000xi32, #tpu.memory_space<hbm>>
      %dma_wait3A_96 = tpu.memref_squeeze %dma_wait3A_95 : memref<1x20000xi32, #tpu.memory_space<hbm>> -> memref<20000xi32, #tpu.memory_space<hbm>>
      %dma_wait3A_97 = arith.constant 0 : i32
      %dma_wait3A_98 = tpu.memref_slice %arg7[%dma_wait3A_97] : memref<20096xi32, #tpu.memory_space<vmem>> -> memref<20000xi32, #tpu.memory_space<vmem>>
      %dma_wait3A_99 = tpu.memref_slice %arg4[%run_scoped3A_10, %mul3A_9] : memref<2x320000xi32, #tpu.memory_space<hbm>> -> memref<1x20000xi32, #tpu.memory_space<hbm>>
      %dma_wait3A_100 = tpu.memref_squeeze %dma_wait3A_99 : memref<1x20000xi32, #tpu.memory_space<hbm>> -> memref<20000xi32, #tpu.memory_space<hbm>>
      tpu.wait_dma2 semaphore(%run_scoped3A_86 : memref<!tpu.dma_semaphore, #tpu.memory_space<semaphore_mem>>) src(%dma_wait3A_100 : memref<20000xi32, #tpu.memory_space<hbm>>) dst(%dma_wait3A_98 : memref<20000xi32, #tpu.memory_space<vmem>>)
      tpu.yield
    }) : () -> ()
    %scan3A = arith.constant 0 : i32
    %scan3A_11 = arith.constant 0 : i32
    %scan3A_12 = arith.constant 6 : i32
    %scan3A_13 = arith.addi %scan3A_11, %scan3A_12 : i32
    %scan3A_14 = arith.constant 1 : i32
    scf.for %scan3A_86 = %scan3A_11 to %scan3A_13 step %scan3A_14  : i32 {
      %mul3A_87 = arith.constant 16 : i32
      %mul3A_88 = arith.muli %scan3A_86, %mul3A_87 : i32
      %add3A_89 = arith.constant 0 : i32
      %add3A_90 = arith.addi %add3A_89, %mul3A_88 : i32
      %iota3A = tpu.iota {dimensions = array<i32: 0>} : vector<16xi32>
      %add3A_91 = vector.broadcast %add3A_90 : i32 to vector<16xi32>
      %add3A_92 = arith.addi %add3A_91, %iota3A : vector<16xi32>
      %mul3A_93 = arith.constant 16 : i32
      %mul3A_94 = arith.muli %scan3A_86, %mul3A_93 : i32
      %add3A_95 = arith.constant 20000 : i32
      %add3A_96 = arith.addi %add3A_95, %mul3A_94 : i32
      %swap3A = arith.index_cast %add3A_96 : i32 to index
      %swap3A_97 = tpu.vector_load %arg6[%swap3A] {strides = array<i32>} : memref<20096xi32, #tpu.memory_space<vmem>>, vector<16xi32>,
      %swap3A_98 = vector.shape_cast %swap3A_97 : vector<16xi32> to vector<16xi32>
      %swap3A_99 = vector.shape_cast %add3A_92 : vector<16xi32> to vector<16xi32>
      tpu.vector_store %arg6[%swap3A], %swap3A_99 {strides = array<i32>} : memref<20096xi32, #tpu.memory_space<vmem>>, vector<16xi32>,
    }
    %scan3A_15 = arith.constant 6 : i32
    %scan3A_16 = arith.constant 0 : i32
    %scan3A_17 = arith.constant 0 : i32
    %scan3A_18 = arith.constant 6 : i32
    %scan3A_19 = arith.addi %scan3A_17, %scan3A_18 : i32
    %scan3A_20 = arith.constant 1 : i32
    scf.for %scan3A_86 = %scan3A_17 to %scan3A_19 step %scan3A_20  : i32 {
      %mul3A_87 = arith.constant 16 : i32
      %mul3A_88 = arith.muli %scan3A_86, %mul3A_87 : i32
      %add3A_89 = arith.constant 10000 : i32
      %add3A_90 = arith.addi %add3A_89, %mul3A_88 : i32
      %iota3A = tpu.iota {dimensions = array<i32: 0>} : vector<16xi32>
      %add3A_91 = vector.broadcast %add3A_90 : i32 to vector<16xi32>
      %add3A_92 = arith.addi %add3A_91, %iota3A : vector<16xi32>
      %mul3A_93 = arith.constant 16 : i32
      %mul3A_94 = arith.muli %scan3A_86, %mul3A_93 : i32
      %add3A_95 = arith.constant 20000 : i32
      %add3A_96 = arith.addi %add3A_95, %mul3A_94 : i32
      %swap3A = arith.index_cast %add3A_96 : i32 to index
      %swap3A_97 = tpu.vector_load %arg7[%swap3A] {strides = array<i32>} : memref<20096xi32, #tpu.memory_space<vmem>>, vector<16xi32>,
      %swap3A_98 = vector.shape_cast %swap3A_97 : vector<16xi32> to vector<16xi32>
      %swap3A_99 = vector.shape_cast %add3A_92 : vector<16xi32> to vector<16xi32>
      tpu.vector_store %arg7[%swap3A], %swap3A_99 {strides = array<i32>} : memref<20096xi32, #tpu.memory_space<vmem>>, vector<16xi32>,
    }
    %scan3A_21 = arith.constant 6 : i32
    %broadcast_in_dim3A = arith.constant 0.000000e+00 : f32
    %broadcast_in_dim3A_22 = vector.broadcast %broadcast_in_dim3A : f32 to vector<16xf32>
    %scan3A_23 = arith.constant 0 : i32
    %scan3A_24 = arith.constant 0 : i32
    %scan3A_25 = arith.constant 64 : i32
    %scan3A_26 = arith.addi %scan3A_24, %scan3A_25 : i32
    %scan3A_27 = arith.constant 1 : i32
    scf.for %scan3A_86 = %scan3A_24 to %scan3A_26 step %scan3A_27  : i32 {
      %swap3A = arith.index_cast %scan3A_86 : i32 to index
      %swap3A_87 = arith.constant 0 : index
      %swap3A_88 = tpu.vector_load %arg8[%swap3A, %swap3A_87] {strides = array<i32>} : memref<64x64xf32, #tpu.memory_space<vmem>>, vector<1x16xf32>,
      %swap3A_89 = vector.shape_cast %swap3A_88 : vector<1x16xf32> to vector<16xf32>
      %swap3A_90 = vector.shape_cast %broadcast_in_dim3A_22 : vector<16xf32> to vector<1x16xf32>
      tpu.vector_store %arg8[%swap3A, %swap3A_87], %swap3A_90 {strides = array<i32>} : memref<64x64xf32, #tpu.memory_space<vmem>>, vector<1x16xf32>,
      %swap3A_91 = arith.index_cast %scan3A_86 : i32 to index
      %swap3A_92 = arith.constant 16 : index
      %swap3A_93 = tpu.vector_load %arg8[%swap3A_91, %swap3A_92] {strides = array<i32>} : memref<64x64xf32, #tpu.memory_space<vmem>>, vector<1x16xf32>,
      %swap3A_94 = vector.shape_cast %swap3A_93 : vector<1x16xf32> to vector<16xf32>
      %swap3A_95 = vector.shape_cast %broadcast_in_dim3A_22 : vector<16xf32> to vector<1x16xf32>
      tpu.vector_store %arg8[%swap3A_91, %swap3A_92], %swap3A_95 {strides = array<i32>} : memref<64x64xf32, #tpu.memory_space<vmem>>, vector<1x16xf32>,
      %swap3A_96 = arith.index_cast %scan3A_86 : i32 to index
      %swap3A_97 = arith.constant 32 : index
      %swap3A_98 = tpu.vector_load %arg8[%swap3A_96, %swap3A_97] {strides = array<i32>} : memref<64x64xf32, #tpu.memory_space<vmem>>, vector<1x16xf32>,
      %swap3A_99 = vector.shape_cast %swap3A_98 : vector<1x16xf32> to vector<16xf32>
      %swap3A_100 = vector.shape_cast %broadcast_in_dim3A_22 : vector<16xf32> to vector<1x16xf32>
      tpu.vector_store %arg8[%swap3A_96, %swap3A_97], %swap3A_100 {strides = array<i32>} : memref<64x64xf32, #tpu.memory_space<vmem>>, vector<1x16xf32>,
      %swap3A_101 = arith.index_cast %scan3A_86 : i32 to index
      %swap3A_102 = arith.constant 48 : index
      %swap3A_103 = tpu.vector_load %arg8[%swap3A_101, %swap3A_102] {strides = array<i32>} : memref<64x64xf32, #tpu.memory_space<vmem>>, vector<1x16xf32>,
      %swap3A_104 = vector.shape_cast %swap3A_103 : vector<1x16xf32> to vector<16xf32>
      %swap3A_105 = vector.shape_cast %broadcast_in_dim3A_22 : vector<16xf32> to vector<1x16xf32>
      tpu.vector_store %arg8[%swap3A_101, %swap3A_102], %swap3A_105 {strides = array<i32>} : memref<64x64xf32, #tpu.memory_space<vmem>>, vector<1x16xf32>,
    }
    %scan3A_28 = arith.constant 64 : i32
    %mul3A_29 = arith.constant 640 : i32
    %mul3A_30 = arith.muli %arg1, %mul3A_29 : i32
    %add3A = arith.constant 0 : i32
    %add3A_31 = arith.addi %mul3A_30, %add3A : i32
    "tpu.region"() ({
      %run_scoped3A_86 = tpu.sem_alloc : memref<!tpu.dma_semaphore, #tpu.memory_space<semaphore_mem>>
      %dma_start3A = arith.constant 0 : i32
      %dma_start3A_87 = tpu.memref_slice %arg10[%add3A_31, %dma_start3A] : memref<10240x64xf32, #tpu.memory_space<vmem_shared>> -> memref<64x64xf32, #tpu.memory_space<vmem_shared>>
      %dma_start3A_88 = arith.constant 0 : i32
      %dma_start3A_89 = tpu.memref_slice %arg10[%add3A_31, %dma_start3A_88] : memref<10240x64xf32, #tpu.memory_space<vmem_shared>> -> memref<64x64xf32, #tpu.memory_space<vmem_shared>>
      tpu.enqueue_dma source(%arg8 : memref<64x64xf32, #tpu.memory_space<vmem>>) target(%dma_start3A_89 : memref<64x64xf32, #tpu.memory_space<vmem_shared>>) target_semaphore(%run_scoped3A_86 : memref<!tpu.dma_semaphore, #tpu.memory_space<semaphore_mem>>)
      %dma_wait3A = arith.constant 0 : i32
      %dma_wait3A_90 = tpu.memref_slice %arg10[%add3A_31, %dma_wait3A] : memref<10240x64xf32, #tpu.memory_space<vmem_shared>> -> memref<64x64xf32, #tpu.memory_space<vmem_shared>>
      %dma_wait3A_91 = arith.constant 0 : i32
      %dma_wait3A_92 = tpu.memref_slice %arg10[%add3A_31, %dma_wait3A_91] : memref<10240x64xf32, #tpu.memory_space<vmem_shared>> -> memref<64x64xf32, #tpu.memory_space<vmem_shared>>
      tpu.wait_dma2 semaphore(%run_scoped3A_86 : memref<!tpu.dma_semaphore, #tpu.memory_space<semaphore_mem>>) src(%arg8 : memref<64x64xf32, #tpu.memory_space<vmem>>) dst(%dma_wait3A_92 : memref<64x64xf32, #tpu.memory_space<vmem_shared>>)
      tpu.yield
    }) : () -> ()
    %mul3A_32 = arith.constant 640 : i32
    %mul3A_33 = arith.muli %arg1, %mul3A_32 : i32
    %add3A_34 = arith.constant 64 : i32
    %add3A_35 = arith.addi %mul3A_33, %add3A_34 : i32
    "tpu.region"() ({
      %run_scoped3A_86 = tpu.sem_alloc : memref<!tpu.dma_semaphore, #tpu.memory_space<semaphore_mem>>
      %dma_start3A = arith.constant 0 : i32
      %dma_start3A_87 = tpu.memref_slice %arg10[%add3A_35, %dma_start3A] : memref<10240x64xf32, #tpu.memory_space<vmem_shared>> -> memref<64x64xf32, #tpu.memory_space<vmem_shared>>
      %dma_start3A_88 = arith.constant 0 : i32
      %dma_start3A_89 = tpu.memref_slice %arg10[%add3A_35, %dma_start3A_88] : memref<10240x64xf32, #tpu.memory_space<vmem_shared>> -> memref<64x64xf32, #tpu.memory_space<vmem_shared>>
      tpu.enqueue_dma source(%arg8 : memref<64x64xf32, #tpu.memory_space<vmem>>) target(%dma_start3A_89 : memref<64x64xf32, #tpu.memory_space<vmem_shared>>) target_semaphore(%run_scoped3A_86 : memref<!tpu.dma_semaphore, #tpu.memory_space<semaphore_mem>>)
      %dma_wait3A = arith.constant 0 : i32
      %dma_wait3A_90 = tpu.memref_slice %arg10[%add3A_35, %dma_wait3A] : memref<10240x64xf32, #tpu.memory_space<vmem_shared>> -> memref<64x64xf32, #tpu.memory_space<vmem_shared>>
      %dma_wait3A_91 = arith.constant 0 : i32
      %dma_wait3A_92 = tpu.memref_slice %arg10[%add3A_35, %dma_wait3A_91] : memref<10240x64xf32, #tpu.memory_space<vmem_shared>> -> memref<64x64xf32, #tpu.memory_space<vmem_shared>>
      tpu.wait_dma2 semaphore(%run_scoped3A_86 : memref<!tpu.dma_semaphore, #tpu.memory_space<semaphore_mem>>) src(%arg8 : memref<64x64xf32, #tpu.memory_space<vmem>>) dst(%dma_wait3A_92 : memref<64x64xf32, #tpu.memory_space<vmem_shared>>)
      tpu.yield
    }) : () -> ()
    %mul3A_36 = arith.constant 640 : i32
    %mul3A_37 = arith.muli %arg1, %mul3A_36 : i32
    %add3A_38 = arith.constant 128 : i32
    %add3A_39 = arith.addi %mul3A_37, %add3A_38 : i32
    "tpu.region"() ({
      %run_scoped3A_86 = tpu.sem_alloc : memref<!tpu.dma_semaphore, #tpu.memory_space<semaphore_mem>>
      %dma_start3A = arith.constant 0 : i32
      %dma_start3A_87 = tpu.memref_slice %arg10[%add3A_39, %dma_start3A] : memref<10240x64xf32, #tpu.memory_space<vmem_shared>> -> memref<64x64xf32, #tpu.memory_space<vmem_shared>>
      %dma_start3A_88 = arith.constant 0 : i32
      %dma_start3A_89 = tpu.memref_slice %arg10[%add3A_39, %dma_start3A_88] : memref<10240x64xf32, #tpu.memory_space<vmem_shared>> -> memref<64x64xf32, #tpu.memory_space<vmem_shared>>
      tpu.enqueue_dma source(%arg8 : memref<64x64xf32, #tpu.memory_space<vmem>>) target(%dma_start3A_89 : memref<64x64xf32, #tpu.memory_space<vmem_shared>>) target_semaphore(%run_scoped3A_86 : memref<!tpu.dma_semaphore, #tpu.memory_space<semaphore_mem>>)
      %dma_wait3A = arith.constant 0 : i32
      %dma_wait3A_90 = tpu.memref_slice %arg10[%add3A_39, %dma_wait3A] : memref<10240x64xf32, #tpu.memory_space<vmem_shared>> -> memref<64x64xf32, #tpu.memory_space<vmem_shared>>
      %dma_wait3A_91 = arith.constant 0 : i32
      %dma_wait3A_92 = tpu.memref_slice %arg10[%add3A_39, %dma_wait3A_91] : memref<10240x64xf32, #tpu.memory_space<vmem_shared>> -> memref<64x64xf32, #tpu.memory_space<vmem_shared>>
      tpu.wait_dma2 semaphore(%run_scoped3A_86 : memref<!tpu.dma_semaphore, #tpu.memory_space<semaphore_mem>>) src(%arg8 : memref<64x64xf32, #tpu.memory_space<vmem>>) dst(%dma_wait3A_92 : memref<64x64xf32, #tpu.memory_space<vmem_shared>>)
      tpu.yield
    }) : () -> ()
    %mul3A_40 = arith.constant 640 : i32
    %mul3A_41 = arith.muli %arg1, %mul3A_40 : i32
    %add3A_42 = arith.constant 192 : i32
    %add3A_43 = arith.addi %mul3A_41, %add3A_42 : i32
    "tpu.region"() ({
      %run_scoped3A_86 = tpu.sem_alloc : memref<!tpu.dma_semaphore, #tpu.memory_space<semaphore_mem>>
      %dma_start3A = arith.constant 0 : i32
      %dma_start3A_87 = tpu.memref_slice %arg10[%add3A_43, %dma_start3A] : memref<10240x64xf32, #tpu.memory_space<vmem_shared>> -> memref<64x64xf32, #tpu.memory_space<vmem_shared>>
      %dma_start3A_88 = arith.constant 0 : i32
      %dma_start3A_89 = tpu.memref_slice %arg10[%add3A_43, %dma_start3A_88] : memref<10240x64xf32, #tpu.memory_space<vmem_shared>> -> memref<64x64xf32, #tpu.memory_space<vmem_shared>>
      tpu.enqueue_dma source(%arg8 : memref<64x64xf32, #tpu.memory_space<vmem>>) target(%dma_start3A_89 : memref<64x64xf32, #tpu.memory_space<vmem_shared>>) target_semaphore(%run_scoped3A_86 : memref<!tpu.dma_semaphore, #tpu.memory_space<semaphore_mem>>)
      %dma_wait3A = arith.constant 0 : i32
      %dma_wait3A_90 = tpu.memref_slice %arg10[%add3A_43, %dma_wait3A] : memref<10240x64xf32, #tpu.memory_space<vmem_shared>> -> memref<64x64xf32, #tpu.memory_space<vmem_shared>>
      %dma_wait3A_91 = arith.constant 0 : i32
      %dma_wait3A_92 = tpu.memref_slice %arg10[%add3A_43, %dma_wait3A_91] : memref<10240x64xf32, #tpu.memory_space<vmem_shared>> -> memref<64x64xf32, #tpu.memory_space<vmem_shared>>
      tpu.wait_dma2 semaphore(%run_scoped3A_86 : memref<!tpu.dma_semaphore, #tpu.memory_space<semaphore_mem>>) src(%arg8 : memref<64x64xf32, #tpu.memory_space<vmem>>) dst(%dma_wait3A_92 : memref<64x64xf32, #tpu.memory_space<vmem_shared>>)
      tpu.yield
    }) : () -> ()
    %mul3A_44 = arith.constant 640 : i32
    %mul3A_45 = arith.muli %arg1, %mul3A_44 : i32
    %add3A_46 = arith.constant 256 : i32
    %add3A_47 = arith.addi %mul3A_45, %add3A_46 : i32
    "tpu.region"() ({
      %run_scoped3A_86 = tpu.sem_alloc : memref<!tpu.dma_semaphore, #tpu.memory_space<semaphore_mem>>
      %dma_start3A = arith.constant 0 : i32
      %dma_start3A_87 = tpu.memref_slice %arg10[%add3A_47, %dma_start3A] : memref<10240x64xf32, #tpu.memory_space<vmem_shared>> -> memref<64x64xf32, #tpu.memory_space<vmem_shared>>
      %dma_start3A_88 = arith.constant 0 : i32
      %dma_start3A_89 = tpu.memref_slice %arg10[%add3A_47, %dma_start3A_88] : memref<10240x64xf32, #tpu.memory_space<vmem_shared>> -> memref<64x64xf32, #tpu.memory_space<vmem_shared>>
      tpu.enqueue_dma source(%arg8 : memref<64x64xf32, #tpu.memory_space<vmem>>) target(%dma_start3A_89 : memref<64x64xf32, #tpu.memory_space<vmem_shared>>) target_semaphore(%run_scoped3A_86 : memref<!tpu.dma_semaphore, #tpu.memory_space<semaphore_mem>>)
      %dma_wait3A = arith.constant 0 : i32
      %dma_wait3A_90 = tpu.memref_slice %arg10[%add3A_47, %dma_wait3A] : memref<10240x64xf32, #tpu.memory_space<vmem_shared>> -> memref<64x64xf32, #tpu.memory_space<vmem_shared>>
      %dma_wait3A_91 = arith.constant 0 : i32
      %dma_wait3A_92 = tpu.memref_slice %arg10[%add3A_47, %dma_wait3A_91] : memref<10240x64xf32, #tpu.memory_space<vmem_shared>> -> memref<64x64xf32, #tpu.memory_space<vmem_shared>>
      tpu.wait_dma2 semaphore(%run_scoped3A_86 : memref<!tpu.dma_semaphore, #tpu.memory_space<semaphore_mem>>) src(%arg8 : memref<64x64xf32, #tpu.memory_space<vmem>>) dst(%dma_wait3A_92 : memref<64x64xf32, #tpu.memory_space<vmem_shared>>)
      tpu.yield
    }) : () -> ()
    %mul3A_48 = arith.constant 640 : i32
    %mul3A_49 = arith.muli %arg1, %mul3A_48 : i32
    %add3A_50 = arith.constant 320 : i32
    %add3A_51 = arith.addi %mul3A_49, %add3A_50 : i32
    "tpu.region"() ({
      %run_scoped3A_86 = tpu.sem_alloc : memref<!tpu.dma_semaphore, #tpu.memory_space<semaphore_mem>>
      %dma_start3A = arith.constant 0 : i32
      %dma_start3A_87 = tpu.memref_slice %arg10[%add3A_51, %dma_start3A] : memref<10240x64xf32, #tpu.memory_space<vmem_shared>> -> memref<64x64xf32, #tpu.memory_space<vmem_shared>>
      %dma_start3A_88 = arith.constant 0 : i32
      %dma_start3A_89 = tpu.memref_slice %arg10[%add3A_51, %dma_start3A_88] : memref<10240x64xf32, #tpu.memory_space<vmem_shared>> -> memref<64x64xf32, #tpu.memory_space<vmem_shared>>
      tpu.enqueue_dma source(%arg8 : memref<64x64xf32, #tpu.memory_space<vmem>>) target(%dma_start3A_89 : memref<64x64xf32, #tpu.memory_space<vmem_shared>>) target_semaphore(%run_scoped3A_86 : memref<!tpu.dma_semaphore, #tpu.memory_space<semaphore_mem>>)
      %dma_wait3A = arith.constant 0 : i32
      %dma_wait3A_90 = tpu.memref_slice %arg10[%add3A_51, %dma_wait3A] : memref<10240x64xf32, #tpu.memory_space<vmem_shared>> -> memref<64x64xf32, #tpu.memory_space<vmem_shared>>
      %dma_wait3A_91 = arith.constant 0 : i32
      %dma_wait3A_92 = tpu.memref_slice %arg10[%add3A_51, %dma_wait3A_91] : memref<10240x64xf32, #tpu.memory_space<vmem_shared>> -> memref<64x64xf32, #tpu.memory_space<vmem_shared>>
      tpu.wait_dma2 semaphore(%run_scoped3A_86 : memref<!tpu.dma_semaphore, #tpu.memory_space<semaphore_mem>>) src(%arg8 : memref<64x64xf32, #tpu.memory_space<vmem>>) dst(%dma_wait3A_92 : memref<64x64xf32, #tpu.memory_space<vmem_shared>>)
      tpu.yield
    }) : () -> ()
    %mul3A_52 = arith.constant 640 : i32
    %mul3A_53 = arith.muli %arg1, %mul3A_52 : i32
    %add3A_54 = arith.constant 384 : i32
    %add3A_55 = arith.addi %mul3A_53, %add3A_54 : i32
    "tpu.region"() ({
      %run_scoped3A_86 = tpu.sem_alloc : memref<!tpu.dma_semaphore, #tpu.memory_space<semaphore_mem>>
      %dma_start3A = arith.constant 0 : i32
      %dma_start3A_87 = tpu.memref_slice %arg10[%add3A_55, %dma_start3A] : memref<10240x64xf32, #tpu.memory_space<vmem_shared>> -> memref<64x64xf32, #tpu.memory_space<vmem_shared>>
      %dma_start3A_88 = arith.constant 0 : i32
      %dma_start3A_89 = tpu.memref_slice %arg10[%add3A_55, %dma_start3A_88] : memref<10240x64xf32, #tpu.memory_space<vmem_shared>> -> memref<64x64xf32, #tpu.memory_space<vmem_shared>>
      tpu.enqueue_dma source(%arg8 : memref<64x64xf32, #tpu.memory_space<vmem>>) target(%dma_start3A_89 : memref<64x64xf32, #tpu.memory_space<vmem_shared>>) target_semaphore(%run_scoped3A_86 : memref<!tpu.dma_semaphore, #tpu.memory_space<semaphore_mem>>)
      %dma_wait3A = arith.constant 0 : i32
      %dma_wait3A_90 = tpu.memref_slice %arg10[%add3A_55, %dma_wait3A] : memref<10240x64xf32, #tpu.memory_space<vmem_shared>> -> memref<64x64xf32, #tpu.memory_space<vmem_shared>>
      %dma_wait3A_91 = arith.constant 0 : i32
      %dma_wait3A_92 = tpu.memref_slice %arg10[%add3A_55, %dma_wait3A_91] : memref<10240x64xf32, #tpu.memory_space<vmem_shared>> -> memref<64x64xf32, #tpu.memory_space<vmem_shared>>
      tpu.wait_dma2 semaphore(%run_scoped3A_86 : memref<!tpu.dma_semaphore, #tpu.memory_space<semaphore_mem>>) src(%arg8 : memref<64x64xf32, #tpu.memory_space<vmem>>) dst(%dma_wait3A_92 : memref<64x64xf32, #tpu.memory_space<vmem_shared>>)
      tpu.yield
    }) : () -> ()
    %mul3A_56 = arith.constant 640 : i32
    %mul3A_57 = arith.muli %arg1, %mul3A_56 : i32
    %add3A_58 = arith.constant 448 : i32
    %add3A_59 = arith.addi %mul3A_57, %add3A_58 : i32
    "tpu.region"() ({
      %run_scoped3A_86 = tpu.sem_alloc : memref<!tpu.dma_semaphore, #tpu.memory_space<semaphore_mem>>
      %dma_start3A = arith.constant 0 : i32
      %dma_start3A_87 = tpu.memref_slice %arg10[%add3A_59, %dma_start3A] : memref<10240x64xf32, #tpu.memory_space<vmem_shared>> -> memref<64x64xf32, #tpu.memory_space<vmem_shared>>
      %dma_start3A_88 = arith.constant 0 : i32
      %dma_start3A_89 = tpu.memref_slice %arg10[%add3A_59, %dma_start3A_88] : memref<10240x64xf32, #tpu.memory_space<vmem_shared>> -> memref<64x64xf32, #tpu.memory_space<vmem_shared>>
      tpu.enqueue_dma source(%arg8 : memref<64x64xf32, #tpu.memory_space<vmem>>) target(%dma_start3A_89 : memref<64x64xf32, #tpu.memory_space<vmem_shared>>) target_semaphore(%run_scoped3A_86 : memref<!tpu.dma_semaphore, #tpu.memory_space<semaphore_mem>>)
      %dma_wait3A = arith.constant 0 : i32
      %dma_wait3A_90 = tpu.memref_slice %arg10[%add3A_59, %dma_wait3A] : memref<10240x64xf32, #tpu.memory_space<vmem_shared>> -> memref<64x64xf32, #tpu.memory_space<vmem_shared>>
      %dma_wait3A_91 = arith.constant 0 : i32
      %dma_wait3A_92 = tpu.memref_slice %arg10[%add3A_59, %dma_wait3A_91] : memref<10240x64xf32, #tpu.memory_space<vmem_shared>> -> memref<64x64xf32, #tpu.memory_space<vmem_shared>>
      tpu.wait_dma2 semaphore(%run_scoped3A_86 : memref<!tpu.dma_semaphore, #tpu.memory_space<semaphore_mem>>) src(%arg8 : memref<64x64xf32, #tpu.memory_space<vmem>>) dst(%dma_wait3A_92 : memref<64x64xf32, #tpu.memory_space<vmem_shared>>)
      tpu.yield
    }) : () -> ()
    %mul3A_60 = arith.constant 640 : i32
    %mul3A_61 = arith.muli %arg1, %mul3A_60 : i32
    %add3A_62 = arith.constant 512 : i32
    %add3A_63 = arith.addi %mul3A_61, %add3A_62 : i32
    "tpu.region"() ({
      %run_scoped3A_86 = tpu.sem_alloc : memref<!tpu.dma_semaphore, #tpu.memory_space<semaphore_mem>>
      %dma_start3A = arith.constant 0 : i32
      %dma_start3A_87 = tpu.memref_slice %arg10[%add3A_63, %dma_start3A] : memref<10240x64xf32, #tpu.memory_space<vmem_shared>> -> memref<64x64xf32, #tpu.memory_space<vmem_shared>>
      %dma_start3A_88 = arith.constant 0 : i32
      %dma_start3A_89 = tpu.memref_slice %arg10[%add3A_63, %dma_start3A_88] : memref<10240x64xf32, #tpu.memory_space<vmem_shared>> -> memref<64x64xf32, #tpu.memory_space<vmem_shared>>
      tpu.enqueue_dma source(%arg8 : memref<64x64xf32, #tpu.memory_space<vmem>>) target(%dma_start3A_89 : memref<64x64xf32, #tpu.memory_space<vmem_shared>>) target_semaphore(%run_scoped3A_86 : memref<!tpu.dma_semaphore, #tpu.memory_space<semaphore_mem>>)
      %dma_wait3A = arith.constant 0 : i32
      %dma_wait3A_90 = tpu.memref_slice %arg10[%add3A_63, %dma_wait3A] : memref<10240x64xf32, #tpu.memory_space<vmem_shared>> -> memref<64x64xf32, #tpu.memory_space<vmem_shared>>
      %dma_wait3A_91 = arith.constant 0 : i32
      %dma_wait3A_92 = tpu.memref_slice %arg10[%add3A_63, %dma_wait3A_91] : memref<10240x64xf32, #tpu.memory_space<vmem_shared>> -> memref<64x64xf32, #tpu.memory_space<vmem_shared>>
      tpu.wait_dma2 semaphore(%run_scoped3A_86 : memref<!tpu.dma_semaphore, #tpu.memory_space<semaphore_mem>>) src(%arg8 : memref<64x64xf32, #tpu.memory_space<vmem>>) dst(%dma_wait3A_92 : memref<64x64xf32, #tpu.memory_space<vmem_shared>>)
      tpu.yield
    }) : () -> ()
    %mul3A_64 = arith.constant 640 : i32
    %mul3A_65 = arith.muli %arg1, %mul3A_64 : i32
    %add3A_66 = arith.constant 576 : i32
    %add3A_67 = arith.addi %mul3A_65, %add3A_66 : i32
    "tpu.region"() ({
      %run_scoped3A_86 = tpu.sem_alloc : memref<!tpu.dma_semaphore, #tpu.memory_space<semaphore_mem>>
      %dma_start3A = arith.constant 0 : i32
      %dma_start3A_87 = tpu.memref_slice %arg10[%add3A_67, %dma_start3A] : memref<10240x64xf32, #tpu.memory_space<vmem_shared>> -> memref<64x64xf32, #tpu.memory_space<vmem_shared>>
      %dma_start3A_88 = arith.constant 0 : i32
      %dma_start3A_89 = tpu.memref_slice %arg10[%add3A_67, %dma_start3A_88] : memref<10240x64xf32, #tpu.memory_space<vmem_shared>> -> memref<64x64xf32, #tpu.memory_space<vmem_shared>>
      tpu.enqueue_dma source(%arg8 : memref<64x64xf32, #tpu.memory_space<vmem>>) target(%dma_start3A_89 : memref<64x64xf32, #tpu.memory_space<vmem_shared>>) target_semaphore(%run_scoped3A_86 : memref<!tpu.dma_semaphore, #tpu.memory_space<semaphore_mem>>)
      %dma_wait3A = arith.constant 0 : i32
      %dma_wait3A_90 = tpu.memref_slice %arg10[%add3A_67, %dma_wait3A] : memref<10240x64xf32, #tpu.memory_space<vmem_shared>> -> memref<64x64xf32, #tpu.memory_space<vmem_shared>>
      %dma_wait3A_91 = arith.constant 0 : i32
      %dma_wait3A_92 = tpu.memref_slice %arg10[%add3A_67, %dma_wait3A_91] : memref<10240x64xf32, #tpu.memory_space<vmem_shared>> -> memref<64x64xf32, #tpu.memory_space<vmem_shared>>
      tpu.wait_dma2 semaphore(%run_scoped3A_86 : memref<!tpu.dma_semaphore, #tpu.memory_space<semaphore_mem>>) src(%arg8 : memref<64x64xf32, #tpu.memory_space<vmem>>) dst(%dma_wait3A_92 : memref<64x64xf32, #tpu.memory_space<vmem_shared>>)
      tpu.yield
    }) : () -> ()
    %barrier3A = arith.constant 0 : index
    tpu.barrier barrier_id(%barrier3A)
    %eq3A_68 = arith.constant 0 : i32
    %eq3A_69 = arith.cmpi eq, %arg0, %eq3A_68 : i32
    %convert_element_type3A_70 = arith.extui %eq3A_69 : i1 to i32
    %cond3A_71 = arith.constant 0 : i32
    %cond3A_72 = arith.cmpi ne, %convert_element_type3A_70, %cond3A_71 : i32
    scf.if %cond3A_72 {
      %dma_start3A = arith.constant 0 : i32
      %dma_start3A_86 = tpu.memref_slice %arg6[%dma_start3A] : memref<20096xi32, #tpu.memory_space<vmem>> -> memref<64xi32, #tpu.memory_space<vmem>>
      %dma_start3A_87 = arith.constant 0 : i32
      %dma_start3A_88 = arith.constant 0 : i32
      %dma_start3A_89 = tpu.memref_slice %arg11[%dma_start3A_87, %dma_start3A_88] : memref<10240x64xf32, #tpu.memory_space<vmem_shared>> -> memref<10240x64xf32, #tpu.memory_space<vmem_shared>>
      tpu.enqueue_indirect_dma source(%dma_start3A_89 : memref<10240x64xf32, #tpu.memory_space<vmem_shared>>) target(%arg8 : memref<64x64xf32, #tpu.memory_space<vmem>>) offsets(%dma_start3A_86 : memref<64xi32, #tpu.memory_space<vmem>>) semaphore(%arg12 : memref<!tpu.dma_semaphore, #tpu.memory_space<semaphore_mem>>)
      %scan3A_90 = arith.constant 0 : i32
      %scan3A_91 = arith.constant 0 : i32
      %scan3A_92 = arith.constant 157 : i32
      %scan3A_93 = arith.addi %scan3A_91, %scan3A_92 : i32
      %scan3A_94 = arith.constant 1 : i32
      scf.for %scan3A_96 = %scan3A_91 to %scan3A_93 step %scan3A_94  : i32 {
        %mul3A_97 = arith.constant 2 : i32
        %mul3A_98 = arith.muli %mul3A_97, %scan3A_96 : i32
        %mul3A_99 = arith.constant 64 : i32
        %mul3A_100 = arith.muli %mul3A_98, %mul3A_99 : i32
        %dma_wait3A = tpu.memref_slice %arg6[%mul3A_100] : memref<20096xi32, #tpu.memory_space<vmem>> -> memref<64xi32, #tpu.memory_space<vmem>>
        %dma_wait3A_101 = arith.constant 0 : i32
        %dma_wait3A_102 = arith.constant 0 : i32
        %dma_wait3A_103 = tpu.memref_slice %arg11[%dma_wait3A_101, %dma_wait3A_102] : memref<10240x64xf32, #tpu.memory_space<vmem_shared>> -> memref<10240x64xf32, #tpu.memory_space<vmem_shared>>
        tpu.wait_indirect_dma semaphore(%arg12 : memref<!tpu.dma_semaphore, #tpu.memory_space<semaphore_mem>>) src(%dma_wait3A_103 : memref<10240x64xf32, #tpu.memory_space<vmem_shared>>) dst(%arg8 : memref<64x64xf32, #tpu.memory_space<vmem>>)
        %mul3A_104 = arith.constant 2 : i32
        %mul3A_105 = arith.muli %mul3A_104, %scan3A_96 : i32
        %add3A_106 = arith.constant 1 : i32
        %add3A_107 = arith.addi %mul3A_105, %add3A_106 : i32
        %mul3A_108 = arith.constant 64 : i32
        %mul3A_109 = arith.muli %add3A_107, %mul3A_108 : i32
        %dma_start3A_110 = tpu.memref_slice %arg6[%mul3A_109] : memref<20096xi32, #tpu.memory_space<vmem>> -> memref<64xi32, #tpu.memory_space<vmem>>
        %dma_start3A_111 = arith.constant 0 : i32
        %dma_start3A_112 = arith.constant 0 : i32
        %dma_start3A_113 = tpu.memref_slice %arg11[%dma_start3A_111, %dma_start3A_112] : memref<10240x64xf32, #tpu.memory_space<vmem_shared>> -> memref<10240x64xf32, #tpu.memory_space<vmem_shared>>
        tpu.enqueue_indirect_dma source(%dma_start3A_113 : memref<10240x64xf32, #tpu.memory_space<vmem_shared>>) target(%arg9 : memref<64x64xf32, #tpu.memory_space<vmem>>) offsets(%dma_start3A_110 : memref<64xi32, #tpu.memory_space<vmem>>) semaphore(%arg13 : memref<!tpu.dma_semaphore, #tpu.memory_space<semaphore_mem>>)
        %mul3A_114 = arith.constant 2 : i32
        %mul3A_115 = arith.muli %mul3A_114, %scan3A_96 : i32
        %mul3A_116 = arith.constant 64 : i32
        %mul3A_117 = arith.muli %mul3A_115, %mul3A_116 : i32
        "tpu.region"() ({
          %run_scoped3A_140 = tpu.sem_alloc : memref<!tpu.dma_semaphore, #tpu.memory_space<semaphore_mem>>
          %dma_start3A_141 = tpu.memref_slice %arg7[%mul3A_117] : memref<20096xi32, #tpu.memory_space<vmem>> -> memref<64xi32, #tpu.memory_space<vmem>>
          %dma_start3A_142 = arith.constant 0 : i32
          %dma_start3A_143 = arith.constant 0 : i32
          %dma_start3A_144 = tpu.memref_slice %arg10[%dma_start3A_142, %dma_start3A_143] : memref<10240x64xf32, #tpu.memory_space<vmem_shared>> -> memref<10240x64xf32, #tpu.memory_space<vmem_shared>>
          tpu.enqueue_indirect_dma source(%arg8 : memref<64x64xf32, #tpu.memory_space<vmem>>) target(%dma_start3A_144 : memref<10240x64xf32, #tpu.memory_space<vmem_shared>>) offsets(%dma_start3A_141 : memref<64xi32, #tpu.memory_space<vmem>>) semaphore(%run_scoped3A_140 : memref<!tpu.dma_semaphore, #tpu.memory_space<semaphore_mem>>) {add = true}
          %dma_wait3A_145 = tpu.memref_slice %arg7[%mul3A_117] : memref<20096xi32, #tpu.memory_space<vmem>> -> memref<64xi32, #tpu.memory_space<vmem>>
          %dma_wait3A_146 = arith.constant 0 : i32
          %dma_wait3A_147 = arith.constant 0 : i32
          %dma_wait3A_148 = tpu.memref_slice %arg10[%dma_wait3A_146, %dma_wait3A_147] : memref<10240x64xf32, #tpu.memory_space<vmem_shared>> -> memref<10240x64xf32, #tpu.memory_space<vmem_shared>>
          tpu.wait_indirect_dma semaphore(%run_scoped3A_140 : memref<!tpu.dma_semaphore, #tpu.memory_space<semaphore_mem>>) src(%arg8 : memref<64x64xf32, #tpu.memory_space<vmem>>) dst(%dma_wait3A_148 : memref<10240x64xf32, #tpu.memory_space<vmem_shared>>)
          tpu.yield
        }) : () -> ()
        %mul3A_118 = arith.constant 2 : i32
        %mul3A_119 = arith.muli %mul3A_118, %scan3A_96 : i32
        %add3A_120 = arith.constant 1 : i32
        %add3A_121 = arith.addi %mul3A_119, %add3A_120 : i32
        %mul3A_122 = arith.constant 64 : i32
        %mul3A_123 = arith.muli %add3A_121, %mul3A_122 : i32
        %dma_wait3A_124 = tpu.memref_slice %arg6[%mul3A_123] : memref<20096xi32, #tpu.memory_space<vmem>> -> memref<64xi32, #tpu.memory_space<vmem>>
        %dma_wait3A_125 = arith.constant 0 : i32
        %dma_wait3A_126 = arith.constant 0 : i32
        %dma_wait3A_127 = tpu.memref_slice %arg11[%dma_wait3A_125, %dma_wait3A_126] : memref<10240x64xf32, #tpu.memory_space<vmem_shared>> -> memref<10240x64xf32, #tpu.memory_space<vmem_shared>>
        tpu.wait_indirect_dma semaphore(%arg13 : memref<!tpu.dma_semaphore, #tpu.memory_space<semaphore_mem>>) src(%dma_wait3A_127 : memref<10240x64xf32, #tpu.memory_space<vmem_shared>>) dst(%arg9 : memref<64x64xf32, #tpu.memory_space<vmem>>)
        %add3A_128 = arith.constant 1 : i32
        %add3A_129 = arith.addi %scan3A_96, %add3A_128 : i32
        %lt3A = arith.constant 157 : i32
        %lt3A_130 = arith.cmpi slt, %add3A_129, %lt3A : i32
        %convert_element_type3A_131 = arith.extui %lt3A_130 : i1 to i32
        %cond3A_132 = arith.constant 0 : i32
        %cond3A_133 = arith.cmpi ne, %convert_element_type3A_131, %cond3A_132 : i32
        scf.if %cond3A_133 {
          %add3A_140 = arith.constant 1 : i32
          %add3A_141 = arith.addi %scan3A_96, %add3A_140 : i32
          %mul3A_142 = arith.constant 2 : i32
          %mul3A_143 = arith.muli %mul3A_142, %add3A_141 : i32
          %mul3A_144 = arith.constant 64 : i32
          %mul3A_145 = arith.muli %mul3A_143, %mul3A_144 : i32
          %dma_start3A_146 = tpu.memref_slice %arg6[%mul3A_145] : memref<20096xi32, #tpu.memory_space<vmem>> -> memref<64xi32, #tpu.memory_space<vmem>>
          %dma_start3A_147 = arith.constant 0 : i32
          %dma_start3A_148 = arith.constant 0 : i32
          %dma_start3A_149 = tpu.memref_slice %arg11[%dma_start3A_147, %dma_start3A_148] : memref<10240x64xf32, #tpu.memory_space<vmem_shared>> -> memref<10240x64xf32, #tpu.memory_space<vmem_shared>>
          tpu.enqueue_indirect_dma source(%dma_start3A_149 : memref<10240x64xf32, #tpu.memory_space<vmem_shared>>) target(%arg8 : memref<64x64xf32, #tpu.memory_space<vmem>>) offsets(%dma_start3A_146 : memref<64xi32, #tpu.memory_space<vmem>>) semaphore(%arg12 : memref<!tpu.dma_semaphore, #tpu.memory_space<semaphore_mem>>)
        } else {
        }
        %mul3A_134 = arith.constant 2 : i32
        %mul3A_135 = arith.muli %mul3A_134, %scan3A_96 : i32
        %add3A_136 = arith.constant 1 : i32
        %add3A_137 = arith.addi %mul3A_135, %add3A_136 : i32
        %mul3A_138 = arith.constant 64 : i32
        %mul3A_139 = arith.muli %add3A_137, %mul3A_138 : i32
        "tpu.region"() ({
          %run_scoped3A_140 = tpu.sem_alloc : memref<!tpu.dma_semaphore, #tpu.memory_space<semaphore_mem>>
          %dma_start3A_141 = tpu.memref_slice %arg7[%mul3A_139] : memref<20096xi32, #tpu.memory_space<vmem>> -> memref<64xi32, #tpu.memory_space<vmem>>
          %dma_start3A_142 = arith.constant 0 : i32
          %dma_start3A_143 = arith.constant 0 : i32
          %dma_start3A_144 = tpu.memref_slice %arg10[%dma_start3A_142, %dma_start3A_143] : memref<10240x64xf32, #tpu.memory_space<vmem_shared>> -> memref<10240x64xf32, #tpu.memory_space<vmem_shared>>
          tpu.enqueue_indirect_dma source(%arg9 : memref<64x64xf32, #tpu.memory_space<vmem>>) target(%dma_start3A_144 : memref<10240x64xf32, #tpu.memory_space<vmem_shared>>) offsets(%dma_start3A_141 : memref<64xi32, #tpu.memory_space<vmem>>) semaphore(%run_scoped3A_140 : memref<!tpu.dma_semaphore, #tpu.memory_space<semaphore_mem>>) {add = true}
          %dma_wait3A_145 = tpu.memref_slice %arg7[%mul3A_139] : memref<20096xi32, #tpu.memory_space<vmem>> -> memref<64xi32, #tpu.memory_space<vmem>>
          %dma_wait3A_146 = arith.constant 0 : i32
          %dma_wait3A_147 = arith.constant 0 : i32
          %dma_wait3A_148 = tpu.memref_slice %arg10[%dma_wait3A_146, %dma_wait3A_147] : memref<10240x64xf32, #tpu.memory_space<vmem_shared>> -> memref<10240x64xf32, #tpu.memory_space<vmem_shared>>
          tpu.wait_indirect_dma semaphore(%run_scoped3A_140 : memref<!tpu.dma_semaphore, #tpu.memory_space<semaphore_mem>>) src(%arg9 : memref<64x64xf32, #tpu.memory_space<vmem>>) dst(%dma_wait3A_148 : memref<10240x64xf32, #tpu.memory_space<vmem_shared>>)
          tpu.yield
        }) : () -> ()
      }
      %scan3A_95 = arith.constant 157 : i32
    } else {
    }
    %eq3A_73 = arith.constant 1 : i32
    %eq3A_74 = arith.cmpi eq, %arg0, %eq3A_73 : i32
    %convert_element_type3A_75 = arith.extui %eq3A_74 : i1 to i32
    %cond3A_76 = arith.constant 0 : i32
    %cond3A_77 = arith.cmpi ne, %convert_element_type3A_75, %cond3A_76 : i32
    scf.if %cond3A_77 {
      %dma_start3A = arith.constant 0 : i32
      %dma_start3A_86 = tpu.memref_slice %arg6[%dma_start3A] : memref<20096xi32, #tpu.memory_space<vmem>> -> memref<64xi32, #tpu.memory_space<vmem>>
      %dma_start3A_87 = arith.constant 0 : i32
      %dma_start3A_88 = arith.constant 0 : i32
      %dma_start3A_89 = tpu.memref_slice %arg11[%dma_start3A_87, %dma_start3A_88] : memref<10240x64xf32, #tpu.memory_space<vmem_shared>> -> memref<10240x64xf32, #tpu.memory_space<vmem_shared>>
      tpu.enqueue_indirect_dma source(%dma_start3A_89 : memref<10240x64xf32, #tpu.memory_space<vmem_shared>>) target(%arg8 : memref<64x64xf32, #tpu.memory_space<vmem>>) offsets(%dma_start3A_86 : memref<64xi32, #tpu.memory_space<vmem>>) semaphore(%arg12 : memref<!tpu.dma_semaphore, #tpu.memory_space<semaphore_mem>>)
      %scan3A_90 = arith.constant 0 : i32
      %scan3A_91 = arith.constant 0 : i32
      %scan3A_92 = arith.constant 157 : i32
      %scan3A_93 = arith.addi %scan3A_91, %scan3A_92 : i32
      %scan3A_94 = arith.constant 1 : i32
      scf.for %scan3A_96 = %scan3A_91 to %scan3A_93 step %scan3A_94  : i32 {
        %mul3A_97 = arith.constant 2 : i32
        %mul3A_98 = arith.muli %mul3A_97, %scan3A_96 : i32
        %mul3A_99 = arith.constant 64 : i32
        %mul3A_100 = arith.muli %mul3A_98, %mul3A_99 : i32
        %dma_wait3A = tpu.memref_slice %arg6[%mul3A_100] : memref<20096xi32, #tpu.memory_space<vmem>> -> memref<64xi32, #tpu.memory_space<vmem>>
        %dma_wait3A_101 = arith.constant 0 : i32
        %dma_wait3A_102 = arith.constant 0 : i32
        %dma_wait3A_103 = tpu.memref_slice %arg11[%dma_wait3A_101, %dma_wait3A_102] : memref<10240x64xf32, #tpu.memory_space<vmem_shared>> -> memref<10240x64xf32, #tpu.memory_space<vmem_shared>>
        tpu.wait_indirect_dma semaphore(%arg12 : memref<!tpu.dma_semaphore, #tpu.memory_space<semaphore_mem>>) src(%dma_wait3A_103 : memref<10240x64xf32, #tpu.memory_space<vmem_shared>>) dst(%arg8 : memref<64x64xf32, #tpu.memory_space<vmem>>)
        %mul3A_104 = arith.constant 2 : i32
        %mul3A_105 = arith.muli %mul3A_104, %scan3A_96 : i32
        %add3A_106 = arith.constant 1 : i32
        %add3A_107 = arith.addi %mul3A_105, %add3A_106 : i32
        %mul3A_108 = arith.constant 64 : i32
        %mul3A_109 = arith.muli %add3A_107, %mul3A_108 : i32
        %dma_start3A_110 = tpu.memref_slice %arg6[%mul3A_109] : memref<20096xi32, #tpu.memory_space<vmem>> -> memref<64xi32, #tpu.memory_space<vmem>>
        %dma_start3A_111 = arith.constant 0 : i32
        %dma_start3A_112 = arith.constant 0 : i32
        %dma_start3A_113 = tpu.memref_slice %arg11[%dma_start3A_111, %dma_start3A_112] : memref<10240x64xf32, #tpu.memory_space<vmem_shared>> -> memref<10240x64xf32, #tpu.memory_space<vmem_shared>>
        tpu.enqueue_indirect_dma source(%dma_start3A_113 : memref<10240x64xf32, #tpu.memory_space<vmem_shared>>) target(%arg9 : memref<64x64xf32, #tpu.memory_space<vmem>>) offsets(%dma_start3A_110 : memref<64xi32, #tpu.memory_space<vmem>>) semaphore(%arg13 : memref<!tpu.dma_semaphore, #tpu.memory_space<semaphore_mem>>)
        %mul3A_114 = arith.constant 2 : i32
        %mul3A_115 = arith.muli %mul3A_114, %scan3A_96 : i32
        %mul3A_116 = arith.constant 64 : i32
        %mul3A_117 = arith.muli %mul3A_115, %mul3A_116 : i32
        "tpu.region"() ({
          %run_scoped3A_140 = tpu.sem_alloc : memref<!tpu.dma_semaphore, #tpu.memory_space<semaphore_mem>>
          %dma_start3A_141 = tpu.memref_slice %arg7[%mul3A_117] : memref<20096xi32, #tpu.memory_space<vmem>> -> memref<64xi32, #tpu.memory_space<vmem>>
          %dma_start3A_142 = arith.constant 0 : i32
          %dma_start3A_143 = arith.constant 0 : i32
          %dma_start3A_144 = tpu.memref_slice %arg10[%dma_start3A_142, %dma_start3A_143] : memref<10240x64xf32, #tpu.memory_space<vmem_shared>> -> memref<10240x64xf32, #tpu.memory_space<vmem_shared>>
          tpu.enqueue_indirect_dma source(%arg8 : memref<64x64xf32, #tpu.memory_space<vmem>>) target(%dma_start3A_144 : memref<10240x64xf32, #tpu.memory_space<vmem_shared>>) offsets(%dma_start3A_141 : memref<64xi32, #tpu.memory_space<vmem>>) semaphore(%run_scoped3A_140 : memref<!tpu.dma_semaphore, #tpu.memory_space<semaphore_mem>>) {add = true}
          %dma_wait3A_145 = tpu.memref_slice %arg7[%mul3A_117] : memref<20096xi32, #tpu.memory_space<vmem>> -> memref<64xi32, #tpu.memory_space<vmem>>
          %dma_wait3A_146 = arith.constant 0 : i32
          %dma_wait3A_147 = arith.constant 0 : i32
          %dma_wait3A_148 = tpu.memref_slice %arg10[%dma_wait3A_146, %dma_wait3A_147] : memref<10240x64xf32, #tpu.memory_space<vmem_shared>> -> memref<10240x64xf32, #tpu.memory_space<vmem_shared>>
          tpu.wait_indirect_dma semaphore(%run_scoped3A_140 : memref<!tpu.dma_semaphore, #tpu.memory_space<semaphore_mem>>) src(%arg8 : memref<64x64xf32, #tpu.memory_space<vmem>>) dst(%dma_wait3A_148 : memref<10240x64xf32, #tpu.memory_space<vmem_shared>>)
          tpu.yield
        }) : () -> ()
        %mul3A_118 = arith.constant 2 : i32
        %mul3A_119 = arith.muli %mul3A_118, %scan3A_96 : i32
        %add3A_120 = arith.constant 1 : i32
        %add3A_121 = arith.addi %mul3A_119, %add3A_120 : i32
        %mul3A_122 = arith.constant 64 : i32
        %mul3A_123 = arith.muli %add3A_121, %mul3A_122 : i32
        %dma_wait3A_124 = tpu.memref_slice %arg6[%mul3A_123] : memref<20096xi32, #tpu.memory_space<vmem>> -> memref<64xi32, #tpu.memory_space<vmem>>
        %dma_wait3A_125 = arith.constant 0 : i32
        %dma_wait3A_126 = arith.constant 0 : i32
        %dma_wait3A_127 = tpu.memref_slice %arg11[%dma_wait3A_125, %dma_wait3A_126] : memref<10240x64xf32, #tpu.memory_space<vmem_shared>> -> memref<10240x64xf32, #tpu.memory_space<vmem_shared>>
        tpu.wait_indirect_dma semaphore(%arg13 : memref<!tpu.dma_semaphore, #tpu.memory_space<semaphore_mem>>) src(%dma_wait3A_127 : memref<10240x64xf32, #tpu.memory_space<vmem_shared>>) dst(%arg9 : memref<64x64xf32, #tpu.memory_space<vmem>>)
        %add3A_128 = arith.constant 1 : i32
        %add3A_129 = arith.addi %scan3A_96, %add3A_128 : i32
        %lt3A = arith.constant 157 : i32
        %lt3A_130 = arith.cmpi slt, %add3A_129, %lt3A : i32
        %convert_element_type3A_131 = arith.extui %lt3A_130 : i1 to i32
        %cond3A_132 = arith.constant 0 : i32
        %cond3A_133 = arith.cmpi ne, %convert_element_type3A_131, %cond3A_132 : i32
        scf.if %cond3A_133 {
          %add3A_140 = arith.constant 1 : i32
          %add3A_141 = arith.addi %scan3A_96, %add3A_140 : i32
          %mul3A_142 = arith.constant 2 : i32
          %mul3A_143 = arith.muli %mul3A_142, %add3A_141 : i32
          %mul3A_144 = arith.constant 64 : i32
          %mul3A_145 = arith.muli %mul3A_143, %mul3A_144 : i32
          %dma_start3A_146 = tpu.memref_slice %arg6[%mul3A_145] : memref<20096xi32, #tpu.memory_space<vmem>> -> memref<64xi32, #tpu.memory_space<vmem>>
          %dma_start3A_147 = arith.constant 0 : i32
          %dma_start3A_148 = arith.constant 0 : i32
          %dma_start3A_149 = tpu.memref_slice %arg11[%dma_start3A_147, %dma_start3A_148] : memref<10240x64xf32, #tpu.memory_space<vmem_shared>> -> memref<10240x64xf32, #tpu.memory_space<vmem_shared>>
          tpu.enqueue_indirect_dma source(%dma_start3A_149 : memref<10240x64xf32, #tpu.memory_space<vmem_shared>>) target(%arg8 : memref<64x64xf32, #tpu.memory_space<vmem>>) offsets(%dma_start3A_146 : memref<64xi32, #tpu.memory_space<vmem>>) semaphore(%arg12 : memref<!tpu.dma_semaphore, #tpu.memory_space<semaphore_mem>>)
        } else {
        }
        %mul3A_134 = arith.constant 2 : i32
        %mul3A_135 = arith.muli %mul3A_134, %scan3A_96 : i32
        %add3A_136 = arith.constant 1 : i32
        %add3A_137 = arith.addi %mul3A_135, %add3A_136 : i32
        %mul3A_138 = arith.constant 64 : i32
        %mul3A_139 = arith.muli %add3A_137, %mul3A_138 : i32
        "tpu.region"() ({
          %run_scoped3A_140 = tpu.sem_alloc : memref<!tpu.dma_semaphore, #tpu.memory_space<semaphore_mem>>
          %dma_start3A_141 = tpu.memref_slice %arg7[%mul3A_139] : memref<20096xi32, #tpu.memory_space<vmem>> -> memref<64xi32, #tpu.memory_space<vmem>>
          %dma_start3A_142 = arith.constant 0 : i32
          %dma_start3A_143 = arith.constant 0 : i32
          %dma_start3A_144 = tpu.memref_slice %arg10[%dma_start3A_142, %dma_start3A_143] : memref<10240x64xf32, #tpu.memory_space<vmem_shared>> -> memref<10240x64xf32, #tpu.memory_space<vmem_shared>>
          tpu.enqueue_indirect_dma source(%arg9 : memref<64x64xf32, #tpu.memory_space<vmem>>) target(%dma_start3A_144 : memref<10240x64xf32, #tpu.memory_space<vmem_shared>>) offsets(%dma_start3A_141 : memref<64xi32, #tpu.memory_space<vmem>>) semaphore(%run_scoped3A_140 : memref<!tpu.dma_semaphore, #tpu.memory_space<semaphore_mem>>) {add = true}
          %dma_wait3A_145 = tpu.memref_slice %arg7[%mul3A_139] : memref<20096xi32, #tpu.memory_space<vmem>> -> memref<64xi32, #tpu.memory_space<vmem>>
          %dma_wait3A_146 = arith.constant 0 : i32
          %dma_wait3A_147 = arith.constant 0 : i32
          %dma_wait3A_148 = tpu.memref_slice %arg10[%dma_wait3A_146, %dma_wait3A_147] : memref<10240x64xf32, #tpu.memory_space<vmem_shared>> -> memref<10240x64xf32, #tpu.memory_space<vmem_shared>>
          tpu.wait_indirect_dma semaphore(%run_scoped3A_140 : memref<!tpu.dma_semaphore, #tpu.memory_space<semaphore_mem>>) src(%arg9 : memref<64x64xf32, #tpu.memory_space<vmem>>) dst(%dma_wait3A_148 : memref<10240x64xf32, #tpu.memory_space<vmem_shared>>)
          tpu.yield
        }) : () -> ()
      }
      %scan3A_95 = arith.constant 157 : i32
    } else {
    }
    %barrier3A_78 = arith.constant 0 : index
    tpu.barrier barrier_id(%barrier3A_78)
    %mul3A_79 = arith.constant 640 : i32
    %mul3A_80 = arith.muli %arg1, %mul3A_79 : i32
    %mul3A_81 = arith.constant 10240 : i32
    %mul3A_82 = arith.muli %arg0, %mul3A_81 : i32
    %mul3A_83 = arith.constant 640 : i32
    %mul3A_84 = arith.muli %arg1, %mul3A_83 : i32
    %add3A_85 = arith.addi %mul3A_82, %mul3A_84 : i32
    "tpu.region"() ({
      %run_scoped3A_86 = tpu.sem_alloc : memref<!tpu.dma_semaphore, #tpu.memory_space<semaphore_mem>>
      %dma_start3A = arith.constant 0 : i32
      %dma_start3A_87 = tpu.memref_slice %arg5[%add3A_85, %dma_start3A] : memref<20480x64xf32, #tpu.memory_space<hbm>> -> memref<640x64xf32, #tpu.memory_space<hbm>>
      %dma_start3A_88 = arith.constant 0 : i32
      %dma_start3A_89 = tpu.memref_slice %arg10[%mul3A_80, %dma_start3A_88] : memref<10240x64xf32, #tpu.memory_space<vmem_shared>> -> memref<640x64xf32, #tpu.memory_space<vmem_shared>>
      tpu.enqueue_dma source(%dma_start3A_89 : memref<640x64xf32, #tpu.memory_space<vmem_shared>>) target(%dma_start3A_87 : memref<640x64xf32, #tpu.memory_space<hbm>>) target_semaphore(%run_scoped3A_86 : memref<!tpu.dma_semaphore, #tpu.memory_space<semaphore_mem>>)
      %dma_wait3A = arith.constant 0 : i32
      %dma_wait3A_90 = tpu.memref_slice %arg5[%add3A_85, %dma_wait3A] : memref<20480x64xf32, #tpu.memory_space<hbm>> -> memref<640x64xf32, #tpu.memory_space<hbm>>
      %dma_wait3A_91 = arith.constant 0 : i32
      %dma_wait3A_92 = tpu.memref_slice %arg10[%mul3A_80, %dma_wait3A_91] : memref<10240x64xf32, #tpu.memory_space<vmem_shared>> -> memref<640x64xf32, #tpu.memory_space<vmem_shared>>
      tpu.wait_dma2 semaphore(%run_scoped3A_86 : memref<!tpu.dma_semaphore, #tpu.memory_space<semaphore_mem>>) src(%dma_wait3A_92 : memref<640x64xf32, #tpu.memory_space<vmem_shared>>) dst(%dma_wait3A_90 : memref<640x64xf32, #tpu.memory_space<hbm>>)
      tpu.yield
    }) : () -> ()
    return
  }
}

module attributes {stable_mosaic.version = 14 : i64} {
  func.func @_g1_body(%arg0: i32, %arg1: memref<1024x128xf32, #tpu.memory_space<vmem>>, %arg2: memref<1024x2xf32, #tpu.memory_space<vmem>>, %arg3: memref<128x128xf32, #tpu.memory_space<vmem>>, %arg4: memref<1024x64xf32, #tpu.memory_space<vmem>>, %arg5: memref<1024x64xf32, #tpu.memory_space<vmem>>, %arg6: memref<1024x1xf32, #tpu.memory_space<vmem>>) attributes {dimension_semantics = [#tpu.dimension_semantics<arbitrary>], iteration_bounds = array<i64: 10>, scalar_prefetch = 0 : i64, scratch_operands = 0 : i64, tpu.core_type = #tpu.core_type<tc>, window_params = [{transform_indices = @transform_0, window_bounds = array<i64: 1024, 128>}, {transform_indices = @transform_1, window_bounds = array<i64: 1024, 2>}, {pipeline_mode = #tpu.pipeline_mode<synchronous>, transform_indices = @transform_2, window_bounds = array<i64: 128, 128>}, {transform_indices = @transform_3, window_bounds = array<i64: 1024, 64>}, {transform_indices = @transform_4, window_bounds = array<i64: 1024, 64>}, {transform_indices = @transform_5, window_bounds = array<i64: 1024, 1>}]} {
    %get3A = arith.constant 0 : index
    %get3A_0 = arith.constant 0 : index
    %get3A_1 = vector.load %arg2[%get3A, %get3A_0] : memref<1024x2xf32, #tpu.memory_space<vmem>>, vector<1024x1xf32>
    %get3A_2 = arith.constant 0 : index
    %get3A_3 = arith.constant 1 : index
    %get3A_4 = vector.load %arg2[%get3A_2, %get3A_3] : memref<1024x2xf32, #tpu.memory_space<vmem>>, vector<1024x1xf32>
    %add3A = arith.addf %get3A_1, %get3A_4 : vector<1024x1xf32>
    %add3A_5 = arith.constant 1.000000e+00 : f32
    %add3A_6 = vector.broadcast %add3A_5 : f32 to vector<1024x1xf32>
    %add3A_7 = arith.addf %add3A, %add3A_6 : vector<1024x1xf32>
    %rsqrt3A = math.rsqrt %add3A_7 : vector<1024x1xf32>
    %swap3A = arith.constant 0 : index
    %swap3A_8 = arith.constant 0 : index
    %swap3A_9 = vector.load %arg6[%swap3A, %swap3A_8] : memref<1024x1xf32, #tpu.memory_space<vmem>>, vector<1024x1xf32>
    tpu.vector_store %arg6[%swap3A, %swap3A_8], %rsqrt3A {strides = array<i32>} : memref<1024x1xf32, #tpu.memory_space<vmem>>, vector<1024x1xf32>,
    %get3A_10 = arith.constant 0 : index
    %get3A_11 = arith.constant 0 : index
    %get3A_12 = vector.load %arg1[%get3A_10, %get3A_11] : memref<1024x128xf32, #tpu.memory_space<vmem>>, vector<1024x128xf32>
    %mul3A = vector.broadcast %rsqrt3A : vector<1024x1xf32> to vector<1024x128xf32>
    %mul3A_13 = arith.mulf %get3A_12, %mul3A : vector<1024x128xf32>
    %get3A_14 = arith.constant 0 : index
    %get3A_15 = arith.constant 0 : index
    %get3A_16 = vector.load %arg3[%get3A_14, %get3A_15] : memref<128x128xf32, #tpu.memory_space<vmem>>, vector<128x128xf32>
    %dot_general3A = arith.constant dense<0.000000e+00> : vector<1024x128xf32>
    %dot_general3A_17 = tpu.matmul %mul3A_13, %get3A_16, %dot_general3A {dimension_numbers = #tpu.dot_dimension_numbers<[1], [0], [0], [1], [0, 0, 1, 1], [], []>, transpose_lhs_hint = false} : vector<1024x128xf32>, vector<128x128xf32>, vector<1024x128xf32> -> vector<1024x128xf32>
    %slice3A = vector.extract_strided_slice %dot_general3A_17 {offsets = [0, 0], sizes = [1024, 64], strides = [1, 1]} : vector<1024x128xf32> to vector<1024x64xf32>
    %swap3A_18 = arith.constant 0 : index
    %swap3A_19 = arith.constant 0 : index
    %swap3A_20 = vector.load %arg4[%swap3A_18, %swap3A_19] : memref<1024x64xf32, #tpu.memory_space<vmem>>, vector<1024x64xf32>
    tpu.vector_store %arg4[%swap3A_18, %swap3A_19], %slice3A {strides = array<i32>} : memref<1024x64xf32, #tpu.memory_space<vmem>>, vector<1024x64xf32>,
    %slice3A_21 = vector.extract_strided_slice %dot_general3A_17 {offsets = [0, 64], sizes = [1024, 64], strides = [1, 1]} : vector<1024x128xf32> to vector<1024x64xf32>
    %swap3A_22 = arith.constant 0 : index
    %swap3A_23 = arith.constant 0 : index
    %swap3A_24 = vector.load %arg5[%swap3A_22, %swap3A_23] : memref<1024x64xf32, #tpu.memory_space<vmem>>, vector<1024x64xf32>
    tpu.vector_store %arg5[%swap3A_22, %swap3A_23], %slice3A_21 {strides = array<i32>} : memref<1024x64xf32, #tpu.memory_space<vmem>>, vector<1024x64xf32>,
    return
  }
  func.func @transform_0(%arg0: i32) -> (i32, i32) {
    %c0_i32 = arith.constant 0 : i32
    %c0_i32_0 = arith.constant 0 : i32
    return %arg0, %c0_i32 : i32, i32
  }
  func.func @transform_1(%arg0: i32) -> (i32, i32) {
    %c0_i32 = arith.constant 0 : i32
    %c0_i32_0 = arith.constant 0 : i32
    return %arg0, %c0_i32 : i32, i32
  }
  func.func @transform_2(%arg0: i32) -> (i32, i32) {
    %c0_i32 = arith.constant 0 : i32
    %c0_i32_0 = arith.constant 0 : i32
    %c0_i32_1 = arith.constant 0 : i32
    return %c0_i32, %c0_i32_0 : i32, i32
  }
  func.func @transform_3(%arg0: i32) -> (i32, i32) {
    %c0_i32 = arith.constant 0 : i32
    %c0_i32_0 = arith.constant 0 : i32
    return %arg0, %c0_i32 : i32, i32
  }
  func.func @transform_4(%arg0: i32) -> (i32, i32) {
    %c0_i32 = arith.constant 0 : i32
    %c0_i32_0 = arith.constant 0 : i32
    return %arg0, %c0_i32 : i32, i32
  }
  func.func @transform_5(%arg0: i32) -> (i32, i32) {
    %c0_i32 = arith.constant 0 : i32
    %c0_i32_0 = arith.constant 0 : i32
    return %arg0, %c0_i32 : i32, i32
  }
}

module attributes {stable_mosaic.version = 14 : i64} {
  func.func @_layer12_body(%arg0: i32, %arg1: memref<1024x64xf32, #tpu.memory_space<vmem>>, %arg2: memref<1024x64xf32, #tpu.memory_space<vmem>>, %arg3: memref<1024x64xf32, #tpu.memory_space<vmem>>, %arg4: memref<1024x64xf32, #tpu.memory_space<vmem>>, %arg5: memref<1024x1xf32, #tpu.memory_space<vmem>>, %arg6: memref<1x128xf32, #tpu.memory_space<vmem>>, %arg7: memref<128x64xf32, #tpu.memory_space<vmem>>, %arg8: memref<1024x64xf32, #tpu.memory_space<vmem>>) attributes {dimension_semantics = [#tpu.dimension_semantics<arbitrary>], iteration_bounds = array<i64: 10>, scalar_prefetch = 0 : i64, scratch_operands = 0 : i64, tpu.core_type = #tpu.core_type<tc>, window_params = [{transform_indices = @transform_0, window_bounds = array<i64: 1024, 64>}, {transform_indices = @transform_1, window_bounds = array<i64: 1024, 64>}, {transform_indices = @transform_2, window_bounds = array<i64: 1024, 64>}, {transform_indices = @transform_3, window_bounds = array<i64: 1024, 64>}, {transform_indices = @transform_4, window_bounds = array<i64: 1024, 1>}, {pipeline_mode = #tpu.pipeline_mode<synchronous>, transform_indices = @transform_5, window_bounds = array<i64: 1, 128>}, {pipeline_mode = #tpu.pipeline_mode<synchronous>, transform_indices = @transform_6, window_bounds = array<i64: 128, 64>}, {transform_indices = @transform_7, window_bounds = array<i64: 1024, 64>}]} {
    %get3A = arith.constant 0 : index
    %get3A_0 = arith.constant 0 : index
    %get3A_1 = vector.load %arg5[%get3A, %get3A_0] : memref<1024x1xf32, #tpu.memory_space<vmem>>, vector<1024x1xf32>
    %get3A_2 = arith.constant 0 : index
    %get3A_3 = arith.constant 0 : index
    %get3A_4 = vector.load %arg1[%get3A_2, %get3A_3] : memref<1024x64xf32, #tpu.memory_space<vmem>>, vector<1024x64xf32>
    %get3A_5 = arith.constant 0 : index
    %get3A_6 = arith.constant 0 : index
    %get3A_7 = vector.load %arg3[%get3A_5, %get3A_6] : memref<1024x64xf32, #tpu.memory_space<vmem>>, vector<1024x64xf32>
    %add3A = arith.addf %get3A_4, %get3A_7 : vector<1024x64xf32>
    %mul3A = vector.broadcast %get3A_1 : vector<1024x1xf32> to vector<1024x64xf32>
    %mul3A_8 = arith.mulf %add3A, %mul3A : vector<1024x64xf32>
    %get3A_9 = arith.constant 0 : index
    %get3A_10 = arith.constant 0 : index
    %get3A_11 = vector.load %arg6[%get3A_9, %get3A_10] : memref<1x128xf32, #tpu.memory_space<vmem>>, vector<1x64xf32>
    %add3A_12 = vector.broadcast %get3A_11 : vector<1x64xf32> to vector<1024x64xf32>
    %add3A_13 = arith.addf %mul3A_8, %add3A_12 : vector<1024x64xf32>
    %max3A = arith.constant 0.000000e+00 : f32
    %max3A_14 = vector.broadcast %max3A : f32 to vector<1024x64xf32>
    %max3A_15 = arith.maximumf %add3A_13, %max3A_14 : vector<1024x64xf32>
    %get3A_16 = arith.constant 0 : index
    %get3A_17 = arith.constant 0 : index
    %get3A_18 = vector.load %arg2[%get3A_16, %get3A_17] : memref<1024x64xf32, #tpu.memory_space<vmem>>, vector<1024x64xf32>
    %get3A_19 = arith.constant 0 : index
    %get3A_20 = arith.constant 0 : index
    %get3A_21 = vector.load %arg4[%get3A_19, %get3A_20] : memref<1024x64xf32, #tpu.memory_space<vmem>>, vector<1024x64xf32>
    %add3A_22 = arith.addf %get3A_18, %get3A_21 : vector<1024x64xf32>
    %mul3A_23 = vector.broadcast %get3A_1 : vector<1024x1xf32> to vector<1024x64xf32>
    %mul3A_24 = arith.mulf %add3A_22, %mul3A_23 : vector<1024x64xf32>
    %get3A_25 = arith.constant 0 : index
    %get3A_26 = arith.constant 64 : index
    %get3A_27 = vector.load %arg6[%get3A_25, %get3A_26] : memref<1x128xf32, #tpu.memory_space<vmem>>, vector<1x64xf32>
    %add3A_28 = vector.broadcast %get3A_27 : vector<1x64xf32> to vector<1024x64xf32>
    %add3A_29 = arith.addf %mul3A_24, %add3A_28 : vector<1024x64xf32>
    %max3A_30 = arith.constant 0.000000e+00 : f32
    %max3A_31 = vector.broadcast %max3A_30 : f32 to vector<1024x64xf32>
    %max3A_32 = arith.maximumf %add3A_29, %max3A_31 : vector<1024x64xf32>
    %mul3A_33 = vector.broadcast %get3A_1 : vector<1024x1xf32> to vector<1024x64xf32>
    %mul3A_34 = arith.mulf %max3A_15, %mul3A_33 : vector<1024x64xf32>
    %get3A_35 = arith.constant 0 : index
    %get3A_36 = arith.constant 0 : index
    %get3A_37 = vector.load %arg7[%get3A_35, %get3A_36] : memref<128x64xf32, #tpu.memory_space<vmem>>, vector<64x64xf32>
    %dot_general3A = arith.constant dense<0.000000e+00> : vector<1024x64xf32>
    %dot_general3A_38 = tpu.matmul %mul3A_34, %get3A_37, %dot_general3A {dimension_numbers = #tpu.dot_dimension_numbers<[1], [0], [0], [1], [0, 0, 1, 1], [], []>, transpose_lhs_hint = false} : vector<1024x64xf32>, vector<64x64xf32>, vector<1024x64xf32> -> vector<1024x64xf32>
    %mul3A_39 = vector.broadcast %get3A_1 : vector<1024x1xf32> to vector<1024x64xf32>
    %mul3A_40 = arith.mulf %max3A_32, %mul3A_39 : vector<1024x64xf32>
    %get3A_41 = arith.constant 64 : index
    %get3A_42 = arith.constant 0 : index
    %get3A_43 = vector.load %arg7[%get3A_41, %get3A_42] : memref<128x64xf32, #tpu.memory_space<vmem>>, vector<64x64xf32>
    %dot_general3A_44 = arith.constant dense<0.000000e+00> : vector<1024x64xf32>
    %dot_general3A_45 = tpu.matmul %mul3A_40, %get3A_43, %dot_general3A_44 {dimension_numbers = #tpu.dot_dimension_numbers<[1], [0], [0], [1], [0, 0, 1, 1], [], []>, transpose_lhs_hint = false} : vector<1024x64xf32>, vector<64x64xf32>, vector<1024x64xf32> -> vector<1024x64xf32>
    %add3A_46 = arith.addf %dot_general3A_38, %dot_general3A_45 : vector<1024x64xf32>
    %swap3A = arith.constant 0 : index
    %swap3A_47 = arith.constant 0 : index
    %swap3A_48 = vector.load %arg8[%swap3A, %swap3A_47] : memref<1024x64xf32, #tpu.memory_space<vmem>>, vector<1024x64xf32>
    tpu.vector_store %arg8[%swap3A, %swap3A_47], %add3A_46 {strides = array<i32>} : memref<1024x64xf32, #tpu.memory_space<vmem>>, vector<1024x64xf32>,
    return
  }
  func.func @transform_0(%arg0: i32) -> (i32, i32) {
    %c0_i32 = arith.constant 0 : i32
    %c0_i32_0 = arith.constant 0 : i32
    return %arg0, %c0_i32 : i32, i32
  }
  func.func @transform_1(%arg0: i32) -> (i32, i32) {
    %add3A = arith.constant 10 : i32
    %add3A_0 = arith.addi %add3A, %arg0 : i32
    %c0_i32 = arith.constant 0 : i32
    %c0_i32_1 = arith.constant 0 : i32
    return %add3A_0, %c0_i32 : i32, i32
  }
  func.func @transform_2(%arg0: i32) -> (i32, i32) {
    %c0_i32 = arith.constant 0 : i32
    %c0_i32_0 = arith.constant 0 : i32
    return %arg0, %c0_i32 : i32, i32
  }
  func.func @transform_3(%arg0: i32) -> (i32, i32) {
    %c0_i32 = arith.constant 0 : i32
    %c0_i32_0 = arith.constant 0 : i32
    return %arg0, %c0_i32 : i32, i32
  }
  func.func @transform_4(%arg0: i32) -> (i32, i32) {
    %c0_i32 = arith.constant 0 : i32
    %c0_i32_0 = arith.constant 0 : i32
    return %arg0, %c0_i32 : i32, i32
  }
  func.func @transform_5(%arg0: i32) -> (i32, i32) {
    %c0_i32 = arith.constant 0 : i32
    %c0_i32_0 = arith.constant 0 : i32
    %c0_i32_1 = arith.constant 0 : i32
    return %c0_i32, %c0_i32_0 : i32, i32
  }
  func.func @transform_6(%arg0: i32) -> (i32, i32) {
    %c0_i32 = arith.constant 0 : i32
    %c0_i32_0 = arith.constant 0 : i32
    %c0_i32_1 = arith.constant 0 : i32
    return %c0_i32, %c0_i32_0 : i32, i32
  }
  func.func @transform_7(%arg0: i32) -> (i32, i32) {
    %c0_i32 = arith.constant 0 : i32
    %c0_i32_0 = arith.constant 0 : i32
    return %arg0, %c0_i32 : i32, i32
  }
}

module attributes {stable_mosaic.version = 14 : i64} {
  func.func @_layer_body(%arg0: i32, %arg1: memref<1024x64xf32, #tpu.memory_space<vmem>>, %arg2: memref<1024x64xf32, #tpu.memory_space<vmem>>, %arg3: memref<1024x64xf32, #tpu.memory_space<vmem>>, %arg4: memref<1024x1xf32, #tpu.memory_space<vmem>>, %arg5: memref<1x64xf32, #tpu.memory_space<vmem>>, %arg6: memref<64x32xf32, #tpu.memory_space<vmem>>, %arg7: memref<1024x32xf32, #tpu.memory_space<vmem>>) attributes {dimension_semantics = [#tpu.dimension_semantics<arbitrary>], iteration_bounds = array<i64: 10>, scalar_prefetch = 0 : i64, scratch_operands = 0 : i64, tpu.core_type = #tpu.core_type<tc>, window_params = [{transform_indices = @transform_0, window_bounds = array<i64: 1024, 64>}, {transform_indices = @transform_1, window_bounds = array<i64: 1024, 64>}, {transform_indices = @transform_2, window_bounds = array<i64: 1024, 64>}, {transform_indices = @transform_3, window_bounds = array<i64: 1024, 1>}, {pipeline_mode = #tpu.pipeline_mode<synchronous>, transform_indices = @transform_4, window_bounds = array<i64: 1, 64>}, {pipeline_mode = #tpu.pipeline_mode<synchronous>, transform_indices = @transform_5, window_bounds = array<i64: 64, 32>}, {transform_indices = @transform_6, window_bounds = array<i64: 1024, 32>}]} {
    %get3A = arith.constant 0 : index
    %get3A_0 = arith.constant 0 : index
    %get3A_1 = vector.load %arg1[%get3A, %get3A_0] : memref<1024x64xf32, #tpu.memory_space<vmem>>, vector<1024x64xf32>
    %get3A_2 = arith.constant 0 : index
    %get3A_3 = arith.constant 0 : index
    %get3A_4 = vector.load %arg2[%get3A_2, %get3A_3] : memref<1024x64xf32, #tpu.memory_space<vmem>>, vector<1024x64xf32>
    %add3A = arith.addf %get3A_1, %get3A_4 : vector<1024x64xf32>
    %get3A_5 = arith.constant 0 : index
    %get3A_6 = arith.constant 0 : index
    %get3A_7 = vector.load %arg3[%get3A_5, %get3A_6] : memref<1024x64xf32, #tpu.memory_space<vmem>>, vector<1024x64xf32>
    %add3A_8 = arith.addf %add3A, %get3A_7 : vector<1024x64xf32>
    %get3A_9 = arith.constant 0 : index
    %get3A_10 = arith.constant 0 : index
    %get3A_11 = vector.load %arg4[%get3A_9, %get3A_10] : memref<1024x1xf32, #tpu.memory_space<vmem>>, vector<1024x1xf32>
    %mul3A = vector.broadcast %get3A_11 : vector<1024x1xf32> to vector<1024x64xf32>
    %mul3A_12 = arith.mulf %add3A_8, %mul3A : vector<1024x64xf32>
    %get3A_13 = arith.constant 0 : index
    %get3A_14 = arith.constant 0 : index
    %get3A_15 = vector.load %arg5[%get3A_13, %get3A_14] : memref<1x64xf32, #tpu.memory_space<vmem>>, vector<1x64xf32>
    %add3A_16 = vector.broadcast %get3A_15 : vector<1x64xf32> to vector<1024x64xf32>
    %add3A_17 = arith.addf %mul3A_12, %add3A_16 : vector<1024x64xf32>
    %max3A = arith.constant 0.000000e+00 : f32
    %max3A_18 = vector.broadcast %max3A : f32 to vector<1024x64xf32>
    %max3A_19 = arith.maximumf %add3A_17, %max3A_18 : vector<1024x64xf32>
    %get3A_20 = arith.constant 0 : index
    %get3A_21 = arith.constant 0 : index
    %get3A_22 = vector.load %arg4[%get3A_20, %get3A_21] : memref<1024x1xf32, #tpu.memory_space<vmem>>, vector<1024x1xf32>
    %mul3A_23 = vector.broadcast %get3A_22 : vector<1024x1xf32> to vector<1024x64xf32>
    %mul3A_24 = arith.mulf %max3A_19, %mul3A_23 : vector<1024x64xf32>
    %get3A_25 = arith.constant 0 : index
    %get3A_26 = arith.constant 0 : index
    %get3A_27 = vector.load %arg6[%get3A_25, %get3A_26] : memref<64x32xf32, #tpu.memory_space<vmem>>, vector<64x32xf32>
    %dot_general3A = arith.constant dense<0.000000e+00> : vector<1024x32xf32>
    %dot_general3A_28 = tpu.matmul %mul3A_24, %get3A_27, %dot_general3A {dimension_numbers = #tpu.dot_dimension_numbers<[1], [0], [0], [1], [0, 0, 1, 1], [], []>, transpose_lhs_hint = false} : vector<1024x64xf32>, vector<64x32xf32>, vector<1024x32xf32> -> vector<1024x32xf32>
    %swap3A = arith.constant 0 : index
    %swap3A_29 = arith.constant 0 : index
    %swap3A_30 = vector.load %arg7[%swap3A, %swap3A_29] : memref<1024x32xf32, #tpu.memory_space<vmem>>, vector<1024x32xf32>
    tpu.vector_store %arg7[%swap3A, %swap3A_29], %dot_general3A_28 {strides = array<i32>} : memref<1024x32xf32, #tpu.memory_space<vmem>>, vector<1024x32xf32>,
    return
  }
  func.func @transform_0(%arg0: i32) -> (i32, i32) {
    %c0_i32 = arith.constant 0 : i32
    %c0_i32_0 = arith.constant 0 : i32
    return %arg0, %c0_i32 : i32, i32
  }
  func.func @transform_1(%arg0: i32) -> (i32, i32) {
    %add3A = arith.constant 10 : i32
    %add3A_0 = arith.addi %add3A, %arg0 : i32
    %c0_i32 = arith.constant 0 : i32
    %c0_i32_1 = arith.constant 0 : i32
    return %add3A_0, %c0_i32 : i32, i32
  }
  func.func @transform_2(%arg0: i32) -> (i32, i32) {
    %c0_i32 = arith.constant 0 : i32
    %c0_i32_0 = arith.constant 0 : i32
    return %arg0, %c0_i32 : i32, i32
  }
  func.func @transform_3(%arg0: i32) -> (i32, i32) {
    %c0_i32 = arith.constant 0 : i32
    %c0_i32_0 = arith.constant 0 : i32
    return %arg0, %c0_i32 : i32, i32
  }
  func.func @transform_4(%arg0: i32) -> (i32, i32) {
    %c0_i32 = arith.constant 0 : i32
    %c0_i32_0 = arith.constant 0 : i32
    %c0_i32_1 = arith.constant 0 : i32
    return %c0_i32, %c0_i32_0 : i32, i32
  }
  func.func @transform_5(%arg0: i32) -> (i32, i32) {
    %c0_i32 = arith.constant 0 : i32
    %c0_i32_0 = arith.constant 0 : i32
    %c0_i32_1 = arith.constant 0 : i32
    return %c0_i32, %c0_i32_0 : i32, i32
  }
  func.func @transform_6(%arg0: i32) -> (i32, i32) {
    %c0_i32 = arith.constant 0 : i32
    %c0_i32_0 = arith.constant 0 : i32
    return %arg0, %c0_i32 : i32, i32
  }
}

module attributes {stable_mosaic.version = 14 : i64} {
  func.func @final_body(%arg0: i32, %arg1: memref<1024x32xf32, #tpu.memory_space<vmem>>, %arg2: memref<1024x32xf32, #tpu.memory_space<vmem>>, %arg3: memref<1024x32xf32, #tpu.memory_space<vmem>>, %arg4: memref<1024x1xf32, #tpu.memory_space<vmem>>, %arg5: memref<1x32xf32, #tpu.memory_space<vmem>>, %arg6: memref<1x1x1024xi32, #tpu.memory_space<vmem>>, %arg7: memref<32x10xf32, #tpu.memory_space<vmem>>, %arg8: memref<1x10xf32, #tpu.memory_space<vmem>>, %arg9: memref<64x10xf32, #tpu.memory_space<vmem>>, %arg10: memref<64x33xf32, #tpu.memory_space<vmem>>) attributes {dimension_semantics = [#tpu.dimension_semantics<arbitrary>], iteration_bounds = array<i64: 10>, scalar_prefetch = 0 : i64, scratch_operands = 1 : i64, tpu.core_type = #tpu.core_type<tc>, window_params = [{transform_indices = @transform_0, window_bounds = array<i64: 1024, 32>}, {transform_indices = @transform_1, window_bounds = array<i64: 1024, 32>}, {transform_indices = @transform_2, window_bounds = array<i64: 1024, 32>}, {transform_indices = @transform_3, window_bounds = array<i64: 1024, 1>}, {pipeline_mode = #tpu.pipeline_mode<synchronous>, transform_indices = @transform_4, window_bounds = array<i64: 1, 32>}, {transform_indices = @transform_5, window_bounds = array<i64: 1, 1, 1024>}, {pipeline_mode = #tpu.pipeline_mode<synchronous>, transform_indices = @transform_6, window_bounds = array<i64: 32, 10>}, {pipeline_mode = #tpu.pipeline_mode<synchronous>, transform_indices = @transform_7, window_bounds = array<i64: 1, 10>}, {pipeline_mode = #tpu.pipeline_mode<synchronous>, transform_indices = @transform_8, window_bounds = array<i64: 64, 10>}]} {
    %eq3A = arith.constant 0 : i32
    %eq3A_0 = arith.cmpi eq, %arg0, %eq3A : i32
    %convert_element_type3A = arith.extui %eq3A_0 : i1 to i32
    %cond3A = arith.constant 0 : i32
    %cond3A_1 = arith.cmpi ne, %convert_element_type3A, %cond3A : i32
    scf.if %cond3A_1 {
      %broadcast_in_dim3A_45 = arith.constant 0.000000e+00 : f32
      %broadcast_in_dim3A_46 = vector.broadcast %broadcast_in_dim3A_45 : f32 to vector<64x33xf32>
      %swap3A_47 = arith.constant 0 : index
      %swap3A_48 = arith.constant 0 : index
      %swap3A_49 = vector.load %arg10[%swap3A_47, %swap3A_48] : memref<64x33xf32, #tpu.memory_space<vmem>>, vector<64x33xf32>
      tpu.vector_store %arg10[%swap3A_47, %swap3A_48], %broadcast_in_dim3A_46 {strides = array<i32>} : memref<64x33xf32, #tpu.memory_space<vmem>>, vector<64x33xf32>,
    } else {
    }
    %get3A = arith.constant 0 : index
    %get3A_2 = arith.constant 0 : index
    %get3A_3 = vector.load %arg1[%get3A, %get3A_2] : memref<1024x32xf32, #tpu.memory_space<vmem>>, vector<1024x32xf32>
    %get3A_4 = arith.constant 0 : index
    %get3A_5 = arith.constant 0 : index
    %get3A_6 = vector.load %arg2[%get3A_4, %get3A_5] : memref<1024x32xf32, #tpu.memory_space<vmem>>, vector<1024x32xf32>
    %add3A = arith.addf %get3A_3, %get3A_6 : vector<1024x32xf32>
    %get3A_7 = arith.constant 0 : index
    %get3A_8 = arith.constant 0 : index
    %get3A_9 = vector.load %arg3[%get3A_7, %get3A_8] : memref<1024x32xf32, #tpu.memory_space<vmem>>, vector<1024x32xf32>
    %add3A_10 = arith.addf %add3A, %get3A_9 : vector<1024x32xf32>
    %get3A_11 = arith.constant 0 : index
    %get3A_12 = arith.constant 0 : index
    %get3A_13 = vector.load %arg4[%get3A_11, %get3A_12] : memref<1024x1xf32, #tpu.memory_space<vmem>>, vector<1024x1xf32>
    %mul3A = vector.broadcast %get3A_13 : vector<1024x1xf32> to vector<1024x32xf32>
    %mul3A_14 = arith.mulf %add3A_10, %mul3A : vector<1024x32xf32>
    %get3A_15 = arith.constant 0 : index
    %get3A_16 = arith.constant 0 : index
    %get3A_17 = vector.load %arg5[%get3A_15, %get3A_16] : memref<1x32xf32, #tpu.memory_space<vmem>>, vector<1x32xf32>
    %add3A_18 = vector.broadcast %get3A_17 : vector<1x32xf32> to vector<1024x32xf32>
    %add3A_19 = arith.addf %mul3A_14, %add3A_18 : vector<1024x32xf32>
    %max3A = arith.constant 0.000000e+00 : f32
    %max3A_20 = vector.broadcast %max3A : f32 to vector<1024x32xf32>
    %max3A_21 = arith.maximumf %add3A_19, %max3A_20 : vector<1024x32xf32>
    %get3A_22 = arith.constant 0 : index
    %get3A_23 = arith.constant 0 : index
    %get3A_24 = arith.constant 0 : index
    %get3A_25 = vector.load %arg6[%get3A_22, %get3A_23, %get3A_24] : memref<1x1x1024xi32, #tpu.memory_space<vmem>>, vector<1x1x1024xi32>
    %get3A_26 = vector.shape_cast %get3A_25 : vector<1x1x1024xi32> to vector<1024xi32>
    %broadcast_in_dim3A = vector.shape_cast %get3A_26 : vector<1024xi32> to vector<1x1024xi32>
    %iota3A = tpu.iota {dimensions = array<i32: 0>} : vector<64x1024xi32>
    %eq3A_27 = vector.broadcast %broadcast_in_dim3A : vector<1x1024xi32> to vector<64x1024xi32>
    %eq3A_28 = arith.cmpi eq, %eq3A_27, %iota3A : vector<64x1024xi32>
    %convert_element_type3A_29 = arith.extui %eq3A_28 : vector<64x1024xi1> to vector<64x1024xi32>
    %convert_element_type3A_30 = arith.sitofp %convert_element_type3A_29 : vector<64x1024xi32> to vector<64x1024xf32>
    %broadcast_in_dim3A_31 = arith.constant 1.000000e+00 : f32
    %broadcast_in_dim3A_32 = vector.broadcast %broadcast_in_dim3A_31 : f32 to vector<1024x1xf32>
    %concatenate3A = tpu.concatenate %max3A_21, %broadcast_in_dim3A_32 in 1 : vector<1024x32xf32>, vector<1024x1xf32> -> vector<1024x33xf32>
    %get3A_33 = arith.constant 0 : index
    %get3A_34 = arith.constant 0 : index
    %get3A_35 = vector.load %arg10[%get3A_33, %get3A_34] : memref<64x33xf32, #tpu.memory_space<vmem>>, vector<64x33xf32>
    %dot_general3A = arith.constant dense<0.000000e+00> : vector<64x33xf32>
    %dot_general3A_36 = tpu.matmul %convert_element_type3A_30, %concatenate3A, %dot_general3A {dimension_numbers = #tpu.dot_dimension_numbers<[1], [0], [0], [1], [0, 0, 1, 1], [], []>, transpose_lhs_hint = false} : vector<64x1024xf32>, vector<1024x33xf32>, vector<64x33xf32> -> vector<64x33xf32>
    %add3A_37 = arith.addf %get3A_35, %dot_general3A_36 : vector<64x33xf32>
    %swap3A = arith.constant 0 : index
    %swap3A_38 = arith.constant 0 : index
    %swap3A_39 = vector.load %arg10[%swap3A, %swap3A_38] : memref<64x33xf32, #tpu.memory_space<vmem>>, vector<64x33xf32>
    tpu.vector_store %arg10[%swap3A, %swap3A_38], %add3A_37 {strides = array<i32>} : memref<64x33xf32, #tpu.memory_space<vmem>>, vector<64x33xf32>,
    %eq3A_40 = arith.constant 9 : i32
    %eq3A_41 = arith.cmpi eq, %arg0, %eq3A_40 : i32
    %convert_element_type3A_42 = arith.extui %eq3A_41 : i1 to i32
    %cond3A_43 = arith.constant 0 : i32
    %cond3A_44 = arith.cmpi ne, %convert_element_type3A_42, %cond3A_43 : i32
    scf.if %cond3A_44 {
      %get3A_45 = arith.constant 0 : index
      %get3A_46 = arith.constant 0 : index
      %get3A_47 = vector.load %arg10[%get3A_45, %get3A_46] : memref<64x33xf32, #tpu.memory_space<vmem>>, vector<64x32xf32>
      %get3A_48 = arith.constant 0 : index
      %get3A_49 = arith.constant 32 : index
      %get3A_50 = vector.load %arg10[%get3A_48, %get3A_49] : memref<64x33xf32, #tpu.memory_space<vmem>>, vector<64x1xf32>
      %max3A_51 = arith.constant 1.000000e+00 : f32
      %max3A_52 = vector.broadcast %max3A_51 : f32 to vector<64x1xf32>
      %max3A_53 = arith.maximumf %get3A_50, %max3A_52 : vector<64x1xf32>
      %div3A = vector.broadcast %max3A_53 : vector<64x1xf32> to vector<64x32xf32>
      %div3A_54 = arith.divf %get3A_47, %div3A : vector<64x32xf32>
      %get3A_55 = arith.constant 0 : index
      %get3A_56 = arith.constant 0 : index
      %get3A_57 = vector.load %arg7[%get3A_55, %get3A_56] : memref<32x10xf32, #tpu.memory_space<vmem>>, vector<32x10xf32>
      %dot_general3A_58 = arith.constant dense<0.000000e+00> : vector<64x10xf32>
      %dot_general3A_59 = tpu.matmul %div3A_54, %get3A_57, %dot_general3A_58 {dimension_numbers = #tpu.dot_dimension_numbers<[1], [0], [0], [1], [0, 0, 1, 1], [], []>, transpose_lhs_hint = false} : vector<64x32xf32>, vector<32x10xf32>, vector<64x10xf32> -> vector<64x10xf32>
      %get3A_60 = arith.constant 0 : index
      %get3A_61 = arith.constant 0 : index
      %get3A_62 = vector.load %arg8[%get3A_60, %get3A_61] : memref<1x10xf32, #tpu.memory_space<vmem>>, vector<1x10xf32>
      %add3A_63 = vector.broadcast %get3A_62 : vector<1x10xf32> to vector<64x10xf32>
      %add3A_64 = arith.addf %dot_general3A_59, %add3A_63 : vector<64x10xf32>
      %reduce_max3A = arith.constant dense<0xFF800000> : vector<64xf32>
      %reduce_max3A_65 = vector.multi_reduction <maximumf>, %add3A_64, %reduce_max3A [1] : vector<64x10xf32> to vector<64xf32>
      %broadcast_in_dim3A_66 = vector.shape_cast %reduce_max3A_65 : vector<64xf32> to vector<64x1xf32>
      %sub3A = vector.broadcast %broadcast_in_dim3A_66 : vector<64x1xf32> to vector<64x10xf32>
      %sub3A_67 = arith.subf %add3A_64, %sub3A : vector<64x10xf32>
      %exp3A = math.exp %sub3A_67 : vector<64x10xf32>
      %reduce_sum3A = arith.constant dense<0.000000e+00> : vector<64xf32>
      %reduce_sum3A_68 = vector.multi_reduction <add>, %exp3A, %reduce_sum3A [1] : vector<64x10xf32> to vector<64xf32>
      %broadcast_in_dim3A_69 = vector.shape_cast %reduce_sum3A_68 : vector<64xf32> to vector<64x1xf32>
      %log3A = math.log %broadcast_in_dim3A_69 : vector<64x1xf32>
      %add3A_70 = arith.addf %log3A, %broadcast_in_dim3A_66 : vector<64x1xf32>
      %sub3A_71 = vector.broadcast %add3A_70 : vector<64x1xf32> to vector<64x10xf32>
      %sub3A_72 = arith.subf %add3A_64, %sub3A_71 : vector<64x10xf32>
      %swap3A_73 = arith.constant 0 : index
      %swap3A_74 = arith.constant 0 : index
      %swap3A_75 = vector.load %arg9[%swap3A_73, %swap3A_74] : memref<64x10xf32, #tpu.memory_space<vmem>>, vector<64x10xf32>
      tpu.vector_store %arg9[%swap3A_73, %swap3A_74], %sub3A_72 {strides = array<i32>} : memref<64x10xf32, #tpu.memory_space<vmem>>, vector<64x10xf32>,
    } else {
    }
    return
  }
  func.func @transform_0(%arg0: i32) -> (i32, i32) {
    %c0_i32 = arith.constant 0 : i32
    %c0_i32_0 = arith.constant 0 : i32
    return %arg0, %c0_i32 : i32, i32
  }
  func.func @transform_1(%arg0: i32) -> (i32, i32) {
    %add3A = arith.constant 10 : i32
    %add3A_0 = arith.addi %add3A, %arg0 : i32
    %c0_i32 = arith.constant 0 : i32
    %c0_i32_1 = arith.constant 0 : i32
    return %add3A_0, %c0_i32 : i32, i32
  }
  func.func @transform_2(%arg0: i32) -> (i32, i32) {
    %c0_i32 = arith.constant 0 : i32
    %c0_i32_0 = arith.constant 0 : i32
    return %arg0, %c0_i32 : i32, i32
  }
  func.func @transform_3(%arg0: i32) -> (i32, i32) {
    %c0_i32 = arith.constant 0 : i32
    %c0_i32_0 = arith.constant 0 : i32
    return %arg0, %c0_i32 : i32, i32
  }
  func.func @transform_4(%arg0: i32) -> (i32, i32) {
    %c0_i32 = arith.constant 0 : i32
    %c0_i32_0 = arith.constant 0 : i32
    %c0_i32_1 = arith.constant 0 : i32
    return %c0_i32, %c0_i32_0 : i32, i32
  }
  func.func @transform_5(%arg0: i32) -> (i32, i32, i32) {
    %c0_i32 = arith.constant 0 : i32
    %c0_i32_0 = arith.constant 0 : i32
    %c0_i32_1 = arith.constant 0 : i32
    return %arg0, %c0_i32, %c0_i32_0 : i32, i32, i32
  }
  func.func @transform_6(%arg0: i32) -> (i32, i32) {
    %c0_i32 = arith.constant 0 : i32
    %c0_i32_0 = arith.constant 0 : i32
    %c0_i32_1 = arith.constant 0 : i32
    return %c0_i32, %c0_i32_0 : i32, i32
  }
  func.func @transform_7(%arg0: i32) -> (i32, i32) {
    %c0_i32 = arith.constant 0 : i32
    %c0_i32_0 = arith.constant 0 : i32
    %c0_i32_1 = arith.constant 0 : i32
    return %c0_i32, %c0_i32_0 : i32, i32
  }
  func.func @transform_8(%arg0: i32) -> (i32, i32) {
    %c0_i32 = arith.constant 0 : i32
    %c0_i32_0 = arith.constant 0 : i32
    %c0_i32_1 = arith.constant 0 : i32
    return %c0_i32, %c0_i32_0 : i32, i32
  }
}

</mosaic_0001>

<sc_bundles>
// kernel: kernel.10.cloned.1.call-start
scs
__scs_entry_jumppad:
0x0: {  	(pc) =	sbr.rel $0x88, $3  }
0x1: {  	(tag) =	ssettag $0x0;
	lr =	simm.s32 $0x1  }
0x2: {  	[smem:$0x3F96] =	sst lr;
	_ =	strace $0xD0000000  }
0x3: {  	_ = 	snop  }
0x4: {  	_ = 	snop  }
0x5: {  	_ = 	snop  }
0x6: {  	_ = 	snop  }
0x7: {  	_ = 	snop  }
__scs_overlays_trampoline_lowered:
0x8: {  	[smem:$0x3FA5] =	sst s0  }
0x9: {  	[smem:$0x3FA6] =	sst s1  }
0xa: {  	[smem:$0x3FA7] =	sst s2  }
0xb: {  	[smem:$0x3FA8] =	sst s3  }
0xc: {  	[smem:$0x3FA9] =	sst s4  }
0xd: {  	[smem:$0x3FAA] =	sst s5  }
0xe: {  	[smem:$0x3FAB] =	sst s6  }
0xf: {  	[smem:$0x3FAC] =	sst s7  }
0x10: {  	[smem:$0x3FAD] =	sst s8  }
0x11: {  	[smem:$0x3FAE] =	sst s9;
	s0 =	simm.s32 @!p0 $0x0  }
0x12: {  	s1 =	sld [smem:$0x3F94];
	s0 =	simm.s32 @p0 $0x1  }
0x13: {  	[smem:$0x3FAF] =	sst s0;
	s0 =	simm.s32 @!p1 $0x0  }
0x14: {  	s2 =	sld [smem:$0x3F93];
	s0 =	simm.s32 @p1 $0x1  }
0x15: {  	[smem:$0x3FB0] =	sst s0;
	s0 =	simm.s32 @!p2 $0x0  }
0x16: {  	s3 =	sld [smem:$0x3FDB];
	s0 =	simm.s32 @p2 $0x1  }
0x17: {  	s4 =	simm.s32 $0x1BF5;
	[smem:$0x3FB2] =	sst s0  }
0x18: {  	s0 =	sld [smem:$0x3F95];
	_ =	swait.ge [sflag:s4], $0x0  }
0x19: {  	s7 =	sld [smem:$0x3F96]  }
0x1a: {  	s8 =	sadd.s32 $0xFFFFE003, lr  }
0x1b: {  	s9 =	sadd.s32 $0xFFFFFEF7, lr;
	s5 =	simm.s32 $0xFFFFFFFF;
	p2 =	slt.u32 s8, $0xFFFFF086  }
0x1c: {  	p1 =	slt.u32 s9, $0xF7A;
	s5 =	simm.s32 @!p2 $0x0  }
0x1d: {  	s5 =	simm.s32 @p1 $0x1;
	p0 =	seq.s32 s7, s2  }
0x1e: {  	s7 =	smul.u32 @!p0 $0xF7A, s2;
	p2 =	seq.s32 @!p0 s5, $0x0  }
0x1f: {  	s9 =	smul.u32 $0xF7A, s1;
	s8 =	simm.s32 @!p0 $0x1BF5;
	p2 =	por !p2, p0  }
0x20: {  	[sflag:s8] =	ssyncset.s32 @!p0 $0xFFFFF086;
	s6 =	sadd.s32 @!p0 s3, s7;
	s7 =	simm.s32 @!p0 $0x108  }
0x21: {  	s3 =	sadd.s32 s3, s9;
	s6 =	sadd.s32 @!p0 $0x88, s6;
	s7 =	simm.s32 @p2 $0x1082  }
0x22: {  	[simem:s7], [sflag:s8] =	dma.local @!p0 [hbm:s6], $0xF7A  }
0x23: {  	s9 =	sor.u32 $0xD0000000, s2;
	s6 =	simm.s32 $0x108;
	_ =	swait.ge @!p0 [sflag:s8], $0x0  }
0x24: {  	s3 =	sadd.s32 $0x88, s3;
	s6 =	simm.s32 @!p1 $0x1082;
	[sflag:s4] =	ssyncset.s32 $0xFFFFF086  }
0x25: {  	[simem:s6], [sflag:s4] =	dma.local [hbm:s3], $0xF7A  }
0x26: {  	[smem:$0x3F96] =	sst s1;
	(tag) =	ssettag s2;
	_ =	strace s9  }
0x27: {  	s1 =	sld [smem:$0x3FA6]  }
0x28: {  	s2 =	sld [smem:$0x3FA7]  }
0x29: {  	s4 =	sld [smem:$0x3FA9]  }
0x2a: {  	p0 =	seq.s32 s5, $0x0;
	s5 =	sld [smem:$0x3FAA]  }
0x2b: {  	s6 =	sld [smem:$0x3FAB]  }
0x2c: {  	s7 =	sld [smem:$0x3FAC]  }
0x2d: {  	s3 =	simm.s32 $0x108;
	s8 =	sld [smem:$0x3FAD]  }
0x2e: {  	s3 =	simm.s32 @!p0 $0x1082;
	s9 =	sld [smem:$0x3FAE]  }
0x2f: {  	lr =	sadd.s32 s0, s3;
	s0 =	sld [smem:$0x3FA5]  }
0x30: {  	s3 =	sld [smem:$0x3FA8]  }
0x31: {  	[smem:$0x3FB1] =	sst s10  }
0x32: {  	s10 =	sld [smem:$0x3FAF];
	_ =	sdelay $0x3  }
0x33: {  	p0 =	seq.s32 s10, $0x1;
	s10 =	sld [smem:$0x3FB1];
	_ =	sdelay $0x3  }
0x34: {  	[smem:$0x3FB1] =	sst s10  }
0x35: {  	s10 =	sld [smem:$0x3FB0];
	_ =	sdelay $0x3  }
0x36: {  	p1 =	seq.s32 s10, $0x1;
	s10 =	sld [smem:$0x3FB1];
	_ =	sdelay $0x3  }
0x37: {  	[smem:$0x3FB1] =	sst s10  }
0x38: {  	s10 =	sld [smem:$0x3FB2]  }
0x39: {  	_ = 	snop;
	(pc) =	sbr.ind lr, $3  }
0x3a: {  	_ = 	snop  }
0x3b: {  	_ = 	snop  }
0x3c: {  	p2 =	seq.s32 s10, $0x1;
	s10 =	sld [smem:$0x3FB1]  }
0x3d: {  	_ =	shalt  }
0x3e: {  	_ =	shalt  }
0x3f: {  	_ =	shalt  }
0x40: {  	_ =	shalt  }
0x41: {  	_ =	shalt  }
0x42: {  	_ =	shalt  }
0x43: {  	_ =	shalt  }
0x44: {  	_ =	shalt  }
0x45: {  	_ =	shalt  }
0x46: {  	_ =	shalt  }
0x47: {  	_ =	shalt  }
0x48: {  	_ =	shalt  }
0x49: {  	_ =	shalt  }
0x4a: {  	_ =	shalt  }
0x4b: {  	_ =	shalt  }
0x4c: {  	_ =	shalt  }
0x4d: {  	_ =	shalt  }
0x4e: {  	_ =	shalt  }
0x4f: {  	_ =	shalt  }
0x50: {  	_ =	shalt  }
0x51: {  	_ =	shalt  }
0x52: {  	_ =	shalt  }
0x53: {  	_ =	shalt  }
0x54: {  	_ =	shalt  }
0x55: {  	_ =	shalt  }
0x56: {  	_ =	shalt  }
0x57: {  	_ =	shalt  }
0x58: {  	_ =	shalt  }
0x59: {  	_ =	shalt  }
0x5a: {  	_ =	shalt  }
0x5b: {  	_ =	shalt  }
0x5c: {  	_ =	shalt  }
0x5d: {  	_ =	shalt  }
0x5e: {  	_ =	shalt  }
0x5f: {  	_ =	shalt  }
0x60: {  	_ =	shalt  }
0x61: {  	_ =	shalt  }
0x62: {  	_ =	shalt  }
0x63: {  	_ =	shalt  }
0x64: {  	_ =	shalt  }
0x65: {  	_ =	shalt  }
0x66: {  	_ =	shalt  }
0x67: {  	_ =	shalt  }
0x68: {  	_ =	shalt  }
0x69: {  	_ =	shalt  }
0x6a: {  	_ =	shalt  }
0x6b: {  	_ =	shalt  }
0x6c: {  	_ =	shalt  }
0x6d: {  	_ =	shalt  }
0x6e: {  	_ =	shalt  }
0x6f: {  	_ =	shalt  }
0x70: {  	_ =	shalt  }
0x71: {  	_ =	shalt  }
0x72: {  	_ =	shalt  }
0x73: {  	_ =	shalt  }
0x74: {  	_ =	shalt  }
0x75: {  	_ =	shalt  }
0x76: {  	_ =	shalt  }
0x77: {  	_ =	shalt  }
0x78: {  	_ =	shalt  }
0x79: {  	_ =	shalt  }
0x7a: {  	_ =	shalt  }
0x7b: {  	_ =	shalt  }
0x7c: {  	_ =	shalt  }
0x7d: {  	_ =	shalt  }
0x7e: {  	_ =	shalt  }
0x7f: {  	_ =	shalt  }
0x80: {  	_ =	shalt  }
0x81: {  	_ =	shalt  }
0x82: {  	_ =	shalt  }
0x83: {  	_ =	shalt  }
0x84: {  	_ =	shalt  }
0x85: {  	_ =	shalt  }
0x86: {  	_ =	shalt  }
0x87: {  	_ =	shalt  }
.Lfunc_end0:
.L_simem_size_0:
called_computation_lowered:
.L_overlay_start_0:
0x88: {  	s2 =	sld [smem:$0x3FD9]  }
0x89: {  	s3 =	sld [smem:$0x3FFE];
	_ =	sdelay $0x1  }
0x8a: {  	s1 =	srdreg.scid  }
0x8b: {  	s0 =	sand.u32 $0x1, s1  }
0x8c: {  	s17 =	sshll.u32 s0, $0xA;
	s2 =	sadd.s32 s3, s2  }
0x8d: {  	s2 =	sadd.s32 s2, s17  }
0x8e: {  	[smem:$0x3FBD] =	sst s2  }
0x8f: {  	_ = 	snop  }
0x90: {  	s2 =	sld [smem:$0x3FD0];
	(tm) =	ssettm $0x1  }
0x91: {  	s18 =	sld [smem:$0x3FFB];
	_ =	sdelay $0x3  }
0x92: {  	_ =	strace s18  }
0x93: {  	s3 =	sld [smem:$0x3FFC];
	_ =	sdelay $0x3  }
0x94: {  	_ =	strace s3  }
0x95: {  	s3 =	sld [smem:$0x3FFD];
	_ =	sdelay $0x3  }
0x96: {  	_ =	strace s3  }
0x97: {  	_ =	strace $0x8FFFFFFF  }
0x98: {  	s19 =	sld [smem:$0x3FDB];
	_ =	sdelay $0x1  }
0x99: {  	s4 =	simm.s32 $_scs_section_size  }
0x9a: {  	s5 =	simm.s32 $_size__tile_overlayer_lowered;
	s6 =	simm.s32 $_tile_overlayer_lowered  }
0x9b: {  	s22 =	simm.s32 $0x1BFF;
	s21 =	sshll.u32 s6, $0x1;
	s3 =	sadd.s32 s4, s19  }
0x9c: {  	s7 =	simm.s32 $0x0;
	s20 =	sshll.u32 s5, $0x1;
	s5 =	sadd.s32 s21, s3  }
0x9d: {  	[timem:s7], [sflag:s22] =	dma.local [hbm:s5], s20  }
0x9e: {  	_ =	swait.ge [sflag:s22], s20  }
0x9f: {  	s4 =	ssub.s32 $0x0, s20;
	[sflag:s22] =	ssyncset.done $0x0  }
0xa0: {  	[sflag:s22] =	ssyncadd.s32 s4;
	_ =	sdelay $0x1  }
0xa1: {  	s23 =	simm.s32 $0x1B8B  }
0xa2: {  	_ =	swait.ge [sflag:s23], $0x1  }
0xa3: {  	[sflag:s23] =	ssyncset.done $0x0  }
0xa4: {  	s25 =	simm.s32 $0x1B8E;
	s24 =	sld [smem:$0x3FFE];
	[sflag:s23] =	ssyncadd.s32 $0xFFFFFFFF  }
0xa5: {  	s26 =	simm.s32 $execute0_lowered;
	[smem:$0x3FD2] =	sst s25  }
0xa6: {  	s5 =	sshll.u32 s26, $0x1;
	_ =	strace $0x80000046;
	[dreg:$0x1] =	wrdreg $0xFFFFFFFF  }
0xa7: {  	s28 =	simm.s32 $_size_execute0_lowered;
	s3 =	sadd.s32 s3, s5;
	[dreg:$0x0] =	wrdreg $0x0  }
0xa8: {  	s5 =	sshll.u32 s28, $0x1;
	[dreg:$0x2] =	wrdreg s3  }
0xa9: {  	[dreg:$0x3] =	wrdreg s5  }
0xaa: {  	[dreg:$0x4] =	wrdreg $0xC0  }
0xab: {  	_ =	task [dreg:s7], $0x5FFFF  }
0xac: {  	[dreg:$0x1] =	wrdreg $0xFFFFFFFF  }
0xad: {  	[dreg:$0x0] =	wrdreg $0x60  }
0xae: {  	[dreg:$0x2] =	wrdreg s24  }
0xaf: {  	[dreg:$0x3] =	wrdreg s2  }
0xb0: {  	[dreg:$0x4] =	wrdreg $0x30000  }
0xb1: {  	[dreg:$0x5] =	wrdreg $0x9  }
0xb2: {  	_ =	task.clear_ibuf [dreg:s7], $0x6FFFF;
	_ =	strace $0x90000046  }
0xb3: {  	s29 =	simm.s32 $0x9;
	_ =	strace $0x80000048  }
0xb4: {  	_ =	swait.ge [sflag:s29], $0x1  }
0xb5: {  	[sflag:s29] =	ssyncadd.s32 $0xFFFFFFFF  }
0xb6: {  	_ =	strace $0x90000048  }
0xb7: {  	_ =	sfence  }
0xb8: {  	s30 =	sld [smem:$0x0];
	_ =	sdelay $0x2  }
0xb9: {  	s31 =	sshll.u32 s1, $0xD;
	s1 =	sshrl.u32 s1, $0x2  }
0xba: {  	s3 =	sand.u32 $0x4000, s31;
	s1 =	sadd.s32 s1, s30  }
0xbb: {  	s0 =	sor.u32 s3, s0;
	s1 =	sshll.u32 s1, $0x11  }
0xbc: {  	s0 =	sor.u32 s1, s0  }
0xbd: {  	s0 =	sadd.s32 $0x8F2B, s0  }
0xbe: {  	[sflag:s0] =	ssyncadd.remote.s32 $0x1  }
0xbf: {  	_ =	sfence.sel $0xFFFF  }
0xc0: {  	[dreg:$0x0] =	wrdreg $0xFFFFFFFF;
	(pc) =	sbr.abs _section_cstart, $3  }
0xc1: {  	[dreg:$0x1] =	wrdreg $0xFFFFFFFF  }
0xc2: {  	_ =	task.clear_ibuf [dreg:s7], $0x2FFFF;
	_ =	strace $0x9FFFFFFF  }
0xc3: {  	(tm) =	ssettm $0x7FFFFFFF  }
tec
execute0_lowered:
.L_overlay_start_1:
0x0: {  	(tag) =	ssettag $0x1  }
0x1: {  	s4 =	rddreg [dreg:$0x0];
	s0 =	srdreg.scid  }
0x2: {  	s11 =	stileid.u32;
	s1 =	rddreg [dreg:$0x1]  }
0x3: {  	s2 =	rddreg [dreg:$0x2];
	s3 =	simm.s32 $0x0;
	s12 =	simm.s32 $0x2780  }
0x4: {  	s13 =	simm.s32 $0x2800;
	s14 =	simm.s32 $0x80;
	s16 =	simm.s32 $0x0  }
0x5: {  	s5 =	sand.u32 $0x1, s0;
	s30 =	sshll.u32 s11, $0x1;
	s0 =	rddreg [dreg:$0x3]  }
0x6: {  	[smem:$0x7FF] =	sst s3;
	s8 =	sadd.s32 $0x2000, s2;
	p0 =	sne.s32 s11, $0x0  }
0x7: {  	s11 =	simm.s32 $0x1;
	s6 =	sor.u32 s5, s30;
	s7 =	smul.u32 $0x500, s5  }
0x8: {  	_ =	strace $0x80000047;
	s5 =	ssub.s32 $0x2, s5;
	s6 =	smul.u32 $0x2710, s6  }
0x9: {  	v6 =	vlaneseq.u32;
	s15 =	sshrl.u32 @!p0 s2, $0x3;
	s31 =	sshrl.u32 s5, $0x1;
	s9 =	sadd.s32 s7, s4  }
0xa: {  	v7 =	vimm.f32 $0.0e+00;
	v0 =	vor.u32 $0x2710, v6;
	s10 =	ssub.s32 s5, s31;
	s5 =	sadd.s32 $0x800, s2;
	s6 =	sshrl.u32 s6, $0x3  }
0xb: {  	v1 =	vor.u32 $0x2720, v6;
	v2 =	vor.u32 $0x2730, v6;
	v3 =	vor.u32 $0x2740, v6;
	s7 =	sadd.s32 $0x1800, s2;
	s9 =	sadd.s32 $0x16600, s9;
	s4 =	sadd.s32 s4, s6  }
0xc: {  	v4 =	vor.u32 $0x2750, v6;
	v5 =	vor.u32 $0x2760, v6;
	v6 =	vor.u32 $0x2770, v6;
	s10 =	smax.u32 s10, $0x1;
	s6 =	sadd.s32 $0x1000, s2;
	s4 =	sadd.s32 $0xC840, s4  }
.LBB2_1:
0xd: {  	[tilespmem:s3], [sflag:$0x1] =	stream.linear.gather [hbm4b:s4+s3], $0x2710, $0x38;
	[tilespmem:$0x3280] =	vst v63  }
0xe: {  	_ =	swait.ge [sflag:s11], $0x2710  }
0xf: {  	[sflag:s11] =	ssyncset.done $0x0  }
0x10: {  	[sflag:s11] =	ssyncadd.s32 $0xFFFFD8F0  }
0x11: {  	[tilespmem:s12], [sflag:$0x1] =	stream.linear.gather [hbm4b:s1+s3], $0x80, $0x38;
	[tilespmem:$0x3280] =	vst v63  }
0x12: {  	_ =	swait.ge [sflag:s11], $0x80  }
0x13: {  	[sflag:s11] =	ssyncset.done $0x0  }
0x14: {  	[sflag:s11] =	ssyncadd.s32 $0xFFFFFF80  }
0x15: {  	[tilespmem:$0x2710] =	vst v0  }
0x16: {  	[tilespmem:$0x2720] =	vst v1  }
.Ltmp0:
0x17: {  	[tilespmem:$0x2730] =	vst v2;
	(pc) =	sbr.rel @p0 .LBB2_5-.Ltmp0, $4  }
0x18: {  	[tilespmem:$0x2740] =	vst v3  }
0x19: {  	[tilespmem:$0x2750] =	vst v4  }
0x1a: {  	[tilespmem:$0x2760] =	vst v5  }
0x1b: {  	[tilespmem:$0x2770] =	vst v6  }
0x1c: {  	s17 =	simm.s32 $0x40;
	s18 =	simm.s32 $0x0  }
.LBB2_3:
0x1d: {  	p1 =	sne.s32 s17, $0x1FC0;
	[tilespmem:s18+$0x2800] =	vst v7;
	s18 =	smov.u32 s17;
	s17 =	sadd.s32 $0x40, s17  }
.Ltmp1:
0x1e: {  	(pc) =	sbr.rel @p1 .LBB2_3-.Ltmp1, $2  }
0x1f: {  	_ =	sdelay $0x2  }
0x20: {  	s18 =	sshra.s32 s18, $0x2  }
0x21: {  	[tilespmem:s18+$0x2800] =	vst v7  }
0x22: {  	[spmem:s2] =	stream.linear.scatter [tilespmem:s13], [sflag:$0x1], $0x800, $0x38;
	[tilespmem:$0x3280] =	vst v63  }
0x23: {  	_ =	swait.ge [sflag:s11], $0x800  }
0x24: {  	[sflag:s11] =	ssyncset.done $0x0  }
0x25: {  	[sflag:s11] =	ssyncadd.s32 $0xFFFFF800  }
0x26: {  	[spmem:s5] =	stream.linear.scatter [tilespmem:s13], [sflag:$0x1], $0x800, $0x38;
	[tilespmem:$0x3280] =	vst v63  }
0x27: {  	_ =	swait.ge [sflag:s11], $0x800  }
0x28: {  	[sflag:s11] =	ssyncset.done $0x0  }
0x29: {  	[sflag:s11] =	ssyncadd.s32 $0xFFFFF800  }
0x2a: {  	[spmem:s6] =	stream.linear.scatter [tilespmem:s13], [sflag:$0x1], $0x800, $0x38;
	[tilespmem:$0x3280] =	vst v63  }
0x2b: {  	_ =	swait.ge [sflag:s11], $0x800  }
0x2c: {  	[sflag:s11] =	ssyncset.done $0x0  }
0x2d: {  	[sflag:s11] =	ssyncadd.s32 $0xFFFFF800  }
0x2e: {  	[spmem:s7] =	stream.linear.scatter [tilespmem:s13], [sflag:$0x1], $0x800, $0x38;
	[tilespmem:$0x3280] =	vst v63  }
0x2f: {  	_ =	swait.ge [sflag:s11], $0x800  }
0x30: {  	[sflag:s11] =	ssyncset.done $0x0  }
0x31: {  	[sflag:s11] =	ssyncadd.s32 $0xFFFFF800  }
0x32: {  	[spmem:s8] =	stream.linear.scatter [tilespmem:s13], [sflag:$0x1], $0x800, $0x38;
	[tilespmem:$0x3280] =	vst v63  }
0x33: {  	_ =	swait.ge [sflag:s11], $0x800  }
0x34: {  	[sflag:s11] =	ssyncset.done $0x0  }
0x35: {  	[sflag:s11] =	ssyncadd.s32 $0xFFFFF800  }
.LBB2_5:
0x36: {  	[bflag:$0x0] =	sbarrier.arrive $0xFFFF;
	s17 =	simm.s32 $0x0  }
0x37: {  	[spmem:s2] =	stream.indirect.scatter.add.f32 [tilespmem:s12], [sflag:$0x1], $0x1, s17, s14, $0xb8;
	[tilespmem:$0x3280] =	vst v63  }
0x38: {  	_ =	swait.ge [sflag:s11], $0x80  }
0x39: {  	s17 =	simm.s32 $0x200;
	[sflag:s11] =	ssyncset.done $0x0  }
.LBB2_6:
0x3a: {  	s18 =	sshra.s32 s17, $0x2;
	[sflag:s11] =	ssyncadd.s32 $0xFFFFFF80;
	p1 =	sne.s32 s17, $0x9C00  }
0x3b: {  	[spmem:s2] =	stream.indirect.scatter.add.f32 [tilespmem:s12], [sflag:$0x1], $0x1, s18, s14, $0xb8;
	[tilespmem:$0x3280] =	vst v63  }
.Ltmp2:
0x3c: {  	_ = 	snop;
	(pc) =	sbr.rel @p1 .LBB2_6-.Ltmp2, $4  }
0x3d: {  	_ = 	snop  }
0x3e: {  	s17 =	sadd.s32 $0x200, s17  }
0x3f: {  	_ =	swait.ge [sflag:s11], $0x80  }
0x40: {  	[sflag:s11] =	ssyncset.done $0x0  }
0x41: {  	[sflag:s11] =	ssyncadd.s32 $0xFFFFFF80;
	s16 =	sadd.s32 $0x1, s16  }
0x42: {  	s17 =	simm.s32 @!p0 $0x1C01;
	[bflag:$0x0] =	sbarrier.arrive $0xFFFF;
	p1 =	sne.s32 s16, s10  }
0x43: {  	[hbm:s9], [sflag:s17] =	dma.local @!p0 [spmem:s15], $0x500  }
.Ltmp3:
0x44: {  	_ = 	snop;
	(pc) =	sbr.rel @p1 .LBB2_1-.Ltmp3, $4  }
0x45: {  	s17 =	simm.s32 @!p0 $0x1  }
0x46: {  	_ =	swait.ge @!p0 [sflag:s17], $0x500  }
0x47: {  	[sflag:s17] =	ssyncset.done @!p0 $0x0  }
0x48: {  	[sflag:s17] =	ssyncadd.s32 @!p0 $0xFFFFFB00  }
0x49: {  	_ =	sfence.sel $0x180000  }
0x4a: {  	[bflag:$0x0] =	sbarrier.arrive $0xFFFF  }
0x4b: {  	_ =	strace $0x90000047  }
0x4c: {  	s0 =	sadd.s32 @!p0 $0x100000, s0;
	[bflag:$0x2] =	sbarrier.arrive $0xFFFF  }
0x4d: {  	[sflag:s0] =	ssyncadd.tile.s32 @!p0 $0x1;
	_ =	shalt  }
.Lfunc_end2:
_tile_overlayer_lowered:
.L_overlay_start_2:
0x4e: {  	(tag) =	ssettag $0x2  }
0x4f: {  	s0 =	rddreg [dreg:$0x0];
	s2 =	stileid.u32  }
0x50: {  	s1 =	rddreg [dreg:$0x1];
	p0 =	sne.s32 s2, $0x0  }
0x51: {  	s3 =	rddreg [dreg:$0x2];
	[bflag:$0x3] =	sbarrier.arrive $0xFFFF;
	s2 =	simm.s32 @!p0 $0x1C01  }
0x52: {  	[timem:s3], [sflag:s2] =	dma.local @!p0 [hbm:s0], s1  }
0x53: {  	s0 =	simm.s32 @!p0 $0x1  }
0x54: {  	_ =	swait.ge @!p0 [sflag:s0], s1  }
0x55: {  	s1 =	ssub.s32 @!p0 $0x0, s1;
	[sflag:s0] =	ssyncset.done @!p0 $0x0  }
0x56: {  	[sflag:s0] =	ssyncadd.s32 @!p0 s1  }
0x57: {  	[bflag:$0x3] =	sbarrier.arrive $0xFFFF  }
0x58: {  	_ =	shalt  }

// kernel: kernel.13.cloned.1.call-start
scs
__scs_entry_jumppad:
0x0: {  	(pc) =	sbr.rel $0x88, $3  }
0x1: {  	(tag) =	ssettag $0x0;
	lr =	simm.s32 $0x1  }
0x2: {  	[smem:$0x3F96] =	sst lr;
	_ =	strace $0xD0000000  }
0x3: {  	_ = 	snop  }
0x4: {  	_ = 	snop  }
0x5: {  	_ = 	snop  }
0x6: {  	_ = 	snop  }
0x7: {  	_ = 	snop  }
__scs_overlays_trampoline_lowered:
0x8: {  	[smem:$0x3FA5] =	sst s0  }
0x9: {  	[smem:$0x3FA6] =	sst s1  }
0xa: {  	[smem:$0x3FA7] =	sst s2  }
0xb: {  	[smem:$0x3FA8] =	sst s3  }
0xc: {  	[smem:$0x3FA9] =	sst s4  }
0xd: {  	[smem:$0x3FAA] =	sst s5  }
0xe: {  	[smem:$0x3FAB] =	sst s6  }
0xf: {  	[smem:$0x3FAC] =	sst s7  }
0x10: {  	[smem:$0x3FAD] =	sst s8  }
0x11: {  	[smem:$0x3FAE] =	sst s9;
	s0 =	simm.s32 @!p0 $0x0  }
0x12: {  	s1 =	sld [smem:$0x3F94];
	s0 =	simm.s32 @p0 $0x1  }
0x13: {  	[smem:$0x3FAF] =	sst s0;
	s0 =	simm.s32 @!p1 $0x0  }
0x14: {  	s2 =	sld [smem:$0x3F93];
	s0 =	simm.s32 @p1 $0x1  }
0x15: {  	[smem:$0x3FB0] =	sst s0;
	s0 =	simm.s32 @!p2 $0x0  }
0x16: {  	s3 =	sld [smem:$0x3FDB];
	s0 =	simm.s32 @p2 $0x1  }
0x17: {  	s4 =	simm.s32 $0x1BF5;
	[smem:$0x3FB2] =	sst s0  }
0x18: {  	s0 =	sld [smem:$0x3F95];
	_ =	swait.ge [sflag:s4], $0x0  }
0x19: {  	s7 =	sld [smem:$0x3F96]  }
0x1a: {  	s8 =	sadd.s32 $0xFFFFE003, lr  }
0x1b: {  	s9 =	sadd.s32 $0xFFFFFEF7, lr;
	s5 =	simm.s32 $0xFFFFFFFF;
	p2 =	slt.u32 s8, $0xFFFFF086  }
0x1c: {  	p1 =	slt.u32 s9, $0xF7A;
	s5 =	simm.s32 @!p2 $0x0  }
0x1d: {  	s5 =	simm.s32 @p1 $0x1;
	p0 =	seq.s32 s7, s2  }
0x1e: {  	s7 =	smul.u32 @!p0 $0xF7A, s2;
	p2 =	seq.s32 @!p0 s5, $0x0  }
0x1f: {  	s9 =	smul.u32 $0xF7A, s1;
	s8 =	simm.s32 @!p0 $0x1BF5;
	p2 =	por !p2, p0  }
0x20: {  	[sflag:s8] =	ssyncset.s32 @!p0 $0xFFFFF086;
	s6 =	sadd.s32 @!p0 s3, s7;
	s7 =	simm.s32 @!p0 $0x108  }
0x21: {  	s3 =	sadd.s32 s3, s9;
	s6 =	sadd.s32 @!p0 $0x88, s6;
	s7 =	simm.s32 @p2 $0x1082  }
0x22: {  	[simem:s7], [sflag:s8] =	dma.local @!p0 [hbm:s6], $0xF7A  }
0x23: {  	s9 =	sor.u32 $0xD0000000, s2;
	s6 =	simm.s32 $0x108;
	_ =	swait.ge @!p0 [sflag:s8], $0x0  }
0x24: {  	s3 =	sadd.s32 $0x88, s3;
	s6 =	simm.s32 @!p1 $0x1082;
	[sflag:s4] =	ssyncset.s32 $0xFFFFF086  }
0x25: {  	[simem:s6], [sflag:s4] =	dma.local [hbm:s3], $0xF7A  }
0x26: {  	[smem:$0x3F96] =	sst s1;
	(tag) =	ssettag s2;
	_ =	strace s9  }
0x27: {  	s1 =	sld [smem:$0x3FA6]  }
0x28: {  	s2 =	sld [smem:$0x3FA7]  }
0x29: {  	s4 =	sld [smem:$0x3FA9]  }
0x2a: {  	p0 =	seq.s32 s5, $0x0;
	s5 =	sld [smem:$0x3FAA]  }
0x2b: {  	s6 =	sld [smem:$0x3FAB]  }
0x2c: {  	s7 =	sld [smem:$0x3FAC]  }
0x2d: {  	s3 =	simm.s32 $0x108;
	s8 =	sld [smem:$0x3FAD]  }
0x2e: {  	s3 =	simm.s32 @!p0 $0x1082;
	s9 =	sld [smem:$0x3FAE]  }
0x2f: {  	lr =	sadd.s32 s0, s3;
	s0 =	sld [smem:$0x3FA5]  }
0x30: {  	s3 =	sld [smem:$0x3FA8]  }
0x31: {  	[smem:$0x3FB1] =	sst s10  }
0x32: {  	s10 =	sld [smem:$0x3FAF];
	_ =	sdelay $0x3  }
0x33: {  	p0 =	seq.s32 s10, $0x1;
	s10 =	sld [smem:$0x3FB1];
	_ =	sdelay $0x3  }
0x34: {  	[smem:$0x3FB1] =	sst s10  }
0x35: {  	s10 =	sld [smem:$0x3FB0];
	_ =	sdelay $0x3  }
0x36: {  	p1 =	seq.s32 s10, $0x1;
	s10 =	sld [smem:$0x3FB1];
	_ =	sdelay $0x3  }
0x37: {  	[smem:$0x3FB1] =	sst s10  }
0x38: {  	s10 =	sld [smem:$0x3FB2]  }
0x39: {  	_ = 	snop;
	(pc) =	sbr.ind lr, $3  }
0x3a: {  	_ = 	snop  }
0x3b: {  	_ = 	snop  }
0x3c: {  	p2 =	seq.s32 s10, $0x1;
	s10 =	sld [smem:$0x3FB1]  }
0x3d: {  	_ =	shalt  }
0x3e: {  	_ =	shalt  }
0x3f: {  	_ =	shalt  }
0x40: {  	_ =	shalt  }
0x41: {  	_ =	shalt  }
0x42: {  	_ =	shalt  }
0x43: {  	_ =	shalt  }
0x44: {  	_ =	shalt  }
0x45: {  	_ =	shalt  }
0x46: {  	_ =	shalt  }
0x47: {  	_ =	shalt  }
0x48: {  	_ =	shalt  }
0x49: {  	_ =	shalt  }
0x4a: {  	_ =	shalt  }
0x4b: {  	_ =	shalt  }
0x4c: {  	_ =	shalt  }
0x4d: {  	_ =	shalt  }
0x4e: {  	_ =	shalt  }
0x4f: {  	_ =	shalt  }
0x50: {  	_ =	shalt  }
0x51: {  	_ =	shalt  }
0x52: {  	_ =	shalt  }
0x53: {  	_ =	shalt  }
0x54: {  	_ =	shalt  }
0x55: {  	_ =	shalt  }
0x56: {  	_ =	shalt  }
0x57: {  	_ =	shalt  }
0x58: {  	_ =	shalt  }
0x59: {  	_ =	shalt  }
0x5a: {  	_ =	shalt  }
0x5b: {  	_ =	shalt  }
0x5c: {  	_ =	shalt  }
0x5d: {  	_ =	shalt  }
0x5e: {  	_ =	shalt  }
0x5f: {  	_ =	shalt  }
0x60: {  	_ =	shalt  }
0x61: {  	_ =	shalt  }
0x62: {  	_ =	shalt  }
0x63: {  	_ =	shalt  }
0x64: {  	_ =	shalt  }
0x65: {  	_ =	shalt  }
0x66: {  	_ =	shalt  }
0x67: {  	_ =	shalt  }
0x68: {  	_ =	shalt  }
0x69: {  	_ =	shalt  }
0x6a: {  	_ =	shalt  }
0x6b: {  	_ =	shalt  }
0x6c: {  	_ =	shalt  }
0x6d: {  	_ =	shalt  }
0x6e: {  	_ =	shalt  }
0x6f: {  	_ =	shalt  }
0x70: {  	_ =	shalt  }
0x71: {  	_ =	shalt  }
0x72: {  	_ =	shalt  }
0x73: {  	_ =	shalt  }
0x74: {  	_ =	shalt  }
0x75: {  	_ =	shalt  }
0x76: {  	_ =	shalt  }
0x77: {  	_ =	shalt  }
0x78: {  	_ =	shalt  }
0x79: {  	_ =	shalt  }
0x7a: {  	_ =	shalt  }
0x7b: {  	_ =	shalt  }
0x7c: {  	_ =	shalt  }
0x7d: {  	_ =	shalt  }
0x7e: {  	_ =	shalt  }
0x7f: {  	_ =	shalt  }
0x80: {  	_ =	shalt  }
0x81: {  	_ =	shalt  }
0x82: {  	_ =	shalt  }
0x83: {  	_ =	shalt  }
0x84: {  	_ =	shalt  }
0x85: {  	_ =	shalt  }
0x86: {  	_ =	shalt  }
0x87: {  	_ =	shalt  }
.Lfunc_end0:
.L_simem_size_0:
called_computation.1_lowered:
.L_overlay_start_0:
0x88: {  	s2 =	sld [smem:$0x3FD9]  }
0x89: {  	s3 =	sld [smem:$0x3FFE];
	_ =	sdelay $0x1  }
0x8a: {  	s1 =	srdreg.scid  }
0x8b: {  	s0 =	sand.u32 $0x1, s1  }
0x8c: {  	s16 =	sshll.u32 s0, $0xA;
	s2 =	sadd.s32 s3, s2  }
0x8d: {  	s2 =	sadd.s32 s2, s16  }
0x8e: {  	[smem:$0x3FBD] =	sst s2  }
0x8f: {  	_ = 	snop  }
0x90: {  	(tm) =	ssettm $0x1  }
0x91: {  	s17 =	sld [smem:$0x3FFB];
	_ =	sdelay $0x3  }
0x92: {  	_ =	strace s17  }
0x93: {  	s2 =	sld [smem:$0x3FFC];
	_ =	sdelay $0x3  }
0x94: {  	_ =	strace s2  }
0x95: {  	s2 =	sld [smem:$0x3FFD];
	_ =	sdelay $0x3  }
0x96: {  	_ =	strace s2  }
0x97: {  	_ =	strace $0x8FFFFFFF  }
0x98: {  	s18 =	sld [smem:$0x3FDB];
	_ =	sdelay $0x1  }
0x99: {  	s19 =	simm.s32 $_scs_section_size  }
0x9a: {  	s4 =	simm.s32 $_size__tile_overlayer_lowered;
	s5 =	simm.s32 $_tile_overlayer_lowered  }
0x9b: {  	s22 =	simm.s32 $0x1BFF;
	s21 =	sshll.u32 s5, $0x1;
	s2 =	sadd.s32 s19, s18  }
0x9c: {  	s6 =	simm.s32 $0x0;
	s20 =	sshll.u32 s4, $0x1;
	s4 =	sadd.s32 s21, s2  }
0x9d: {  	[timem:s6], [sflag:s22] =	dma.local [hbm:s4], s20  }
0x9e: {  	_ =	swait.ge [sflag:s22], s20  }
0x9f: {  	s3 =	ssub.s32 $0x0, s20;
	[sflag:s22] =	ssyncset.done $0x0  }
0xa0: {  	[sflag:s22] =	ssyncadd.s32 s3;
	_ =	sdelay $0x1  }
0xa1: {  	s23 =	simm.s32 $0x1B8B  }
0xa2: {  	_ =	swait.ge [sflag:s23], $0x1  }
0xa3: {  	[sflag:s23] =	ssyncset.done $0x0  }
0xa4: {  	s25 =	simm.s32 $0x1B8E;
	s24 =	sld [smem:$0x3FFE];
	[sflag:s23] =	ssyncadd.s32 $0xFFFFFFFF  }
0xa5: {  	s26 =	simm.s32 $execute0_lowered;
	[smem:$0x3FD2] =	sst s25  }
0xa6: {  	s4 =	sshll.u32 s26, $0x1;
	_ =	strace $0x80000049;
	[dreg:$0x1] =	wrdreg $0xFFFFFFFF  }
0xa7: {  	s28 =	simm.s32 $_size_execute0_lowered;
	s2 =	sadd.s32 s2, s4;
	[dreg:$0x0] =	wrdreg $0x0  }
0xa8: {  	s4 =	sshll.u32 s28, $0x1;
	[dreg:$0x2] =	wrdreg s2  }
0xa9: {  	[dreg:$0x3] =	wrdreg s4  }
0xaa: {  	[dreg:$0x4] =	wrdreg $0xC0  }
0xab: {  	_ =	task [dreg:s6], $0x5FFFF  }
0xac: {  	[dreg:$0x1] =	wrdreg $0xFFFFFFFF  }
0xad: {  	[dreg:$0x0] =	wrdreg $0x60  }
0xae: {  	[dreg:$0x2] =	wrdreg s24  }
0xaf: {  	[dreg:$0x3] =	wrdreg $0x15D000  }
0xb0: {  	[dreg:$0x4] =	wrdreg $0xBD000  }
0xb1: {  	[dreg:$0x5] =	wrdreg $0x9  }
0xb2: {  	_ =	task.clear_ibuf [dreg:s6], $0x6FFFF;
	_ =	strace $0x90000049  }
0xb3: {  	s29 =	simm.s32 $0x9;
	_ =	strace $0x8000004B  }
0xb4: {  	_ =	swait.ge [sflag:s29], $0x1  }
0xb5: {  	[sflag:s29] =	ssyncadd.s32 $0xFFFFFFFF  }
0xb6: {  	_ =	strace $0x9000004B  }
0xb7: {  	_ =	sfence  }
0xb8: {  	s30 =	sld [smem:$0x0];
	_ =	sdelay $0x2  }
0xb9: {  	s31 =	sshll.u32 s1, $0xD;
	s1 =	sshrl.u32 s1, $0x2  }
0xba: {  	s3 =	sand.u32 $0x4000, s31;
	s1 =	sadd.s32 s1, s30  }
0xbb: {  	s0 =	sor.u32 s3, s0;
	s1 =	sshll.u32 s1, $0x11  }
0xbc: {  	s0 =	sor.u32 s1, s0  }
0xbd: {  	s0 =	sadd.s32 $0x8F2B, s0  }
0xbe: {  	[sflag:s0] =	ssyncadd.remote.s32 $0x1  }
0xbf: {  	_ =	sfence.sel $0xFFFF  }
0xc0: {  	[dreg:$0x0] =	wrdreg $0xFFFFFFFF;
	(pc) =	sbr.abs _section_cstart, $3  }
0xc1: {  	[dreg:$0x1] =	wrdreg $0xFFFFFFFF  }
0xc2: {  	_ =	task.clear_ibuf [dreg:s6], $0x2FFFF;
	_ =	strace $0x9FFFFFFF  }
0xc3: {  	(tm) =	ssettm $0x7FFFFFFF  }
tec
execute0_lowered:
.L_overlay_start_1:
0x0: {  	(tag) =	ssettag $0x1  }
0x1: {  	s0 =	rddreg [dreg:$0x0]  }
0x2: {  	s2 =	rddreg [dreg:$0x1]  }
0x3: {  	s3 =	rddreg [dreg:$0x2];
	s20 =	stileid.u32;
	s4 =	simm.s32 $0x0  }
0x4: {  	s5 =	srdreg.scid;
	s22 =	simm.s32 $0x3;
	s1 =	smul.u32 $0x4E20, s20  }
0x5: {  	s24 =	simm.s32 $0x9D00;
	s28 =	simm.s32 $0xAD00;
	s25 =	smul.u32 $0x1400, s20  }
0x6: {  	s29 =	simm.s32 $0x2;
	[smem:$0x7FF] =	sst s4;
	s8 =	smul.u32 $0xA000, s20  }
0x7: {  	s23 =	sand.u32 $0x1, s5;
	s9 =	smul.u32 $0x28000, s20;
	s31 =	sshll.u32 s20, $0x6  }
0x8: {  	_ =	strace $0x8000004A;
	s6 =	smul.u32 $0x14000, s23;
	s7 =	ssub.s32 $0x2, s23  }
0x9: {  	p0 =	seq.s32 s23, $0x0;
	s20 =	sor.u32 $0x1C03, s31;
	s1 =	sshrl.u32 s1, $0x3  }
0xa: {  	s26 =	sshrl.u32 s7, $0x1;
	s21 =	sadd.s32 s8, s2;
	s19 =	sshrl.u32 s8, $0x3  }
0xb: {  	s30 =	sshrl.u32 s9, $0x2;
	s1 =	sadd.s32 s1, s0;
	s5 =	sadd.s32 s25, s6  }
0xc: {  	s18 =	ssub.s32 s7, s26;
	s7 =	sadd.s32 s30, s3;
	s21 =	sshrl.u32 s21, $0x3  }
0xd: {  	s25 =	simm.s32 $0x40;
	s26 =	simm.s32 $0x1;
	s17 =	sadd.s32 s5, s0  }
0xe: {  	s5 =	sadd.s32 $0x2C00, s1;
	s6 =	sadd.s32 $0xC840, s1;
	s8 =	sadd.s32 $0x1000, s7  }
0xf: {  	s9 =	sadd.s32 $0x2000, s7;
	s10 =	sadd.s32 $0x3000, s7;
	s11 =	sadd.s32 $0x4000, s7  }
.Ltmp0:
0x10: {  	v0 =	vlaneseq.u32;
	s12 =	sadd.s32 $0x5000, s7;
	s13 =	sadd.s32 $0x6000, s7;
	(pc) =	sbr.rel .LBB2_1-.Ltmp0, $4  }
0x11: {  	v12 =	vimm.f32 $0.0e+00;
	v1 =	vor.u32 $0x10, v0;
	v2 =	vor.u32 $0x20, v0;
	s14 =	sadd.s32 $0x7000, s7;
	s15 =	sadd.s32 $0x8000, s7;
	s1 =	simm.s32 $0x2A600  }
0x12: {  	v3 =	vor.u32 $0x30, v0;
	v4 =	vor.u32 $0x40, v0;
	v5 =	vor.u32 $0x50, v0;
	s16 =	sadd.s32 $0x9000, s7;
	s18 =	smax.u32 s18, $0x1;
	s1 =	simm.s32 @!p0 $0x16600  }
0x13: {  	v6 =	vor.u32 $0x2710, v0;
	v7 =	vor.u32 $0x2720, v0;
	v8 =	vor.u32 $0x2730, v0;
	s17 =	sadd.s32 $0x3E600, s17;
	p0 =	sne.s32 s23, $0x0;
	s0 =	sadd.s32 s1, s0  }
0x14: {  	v9 =	vor.u32 $0x2740, v0;
	v10 =	vor.u32 $0x2750, v0;
	v11 =	vor.u32 $0x2760, v0;
	s1 =	simm.s32 $0x0;
	s19 =	sadd.s32 s0, s19;
	s0 =	simm.s32 $0x9CC0  }
.LBB2_9:
0x15: {  	[sflag:s22] =	ssyncadd.s32 $0xFFFFF000  }
.LBB2_10:
0x16: {  	_ =	swait.ge [sflag:s26], $0x1000  }
0x17: {  	[sflag:s26] =	ssyncset.done $0x0  }
0x18: {  	s23 =	simm.s32 $0x4E40;
	[sflag:s26] =	ssyncadd.s32 $0xFFFFF000  }
0x19: {  	[tilespmem:s28], [sflag:$0x2] =	stream.indirect.gather [spmem:s2], $0x40, s23, s25, $0xb8;
	[tilespmem:$0x1FD00] =	vst v63  }
0x1a: {  	s30 =	simm.s32 $0x9C80  }
0x1b: {  	[spmem:s3] =	stream.indirect.scatter.add.f32 [tilespmem:s24], [sflag:$0x3], $0x40, s30, s25, $0xb8;
	[tilespmem:$0x1FD00] =	vst v63  }
0x1c: {  	_ =	swait.ge [sflag:s22], $0x1000  }
0x1d: {  	[sflag:s22] =	ssyncset.done $0x0  }
0x1e: {  	[sflag:s22] =	ssyncadd.s32 $0xFFFFF000  }
0x1f: {  	_ =	swait.ge [sflag:s29], $0x1000  }
0x20: {  	[sflag:s29] =	ssyncset.done $0x0  }
0x21: {  	[sflag:s29] =	ssyncadd.s32 $0xFFFFF000  }
0x22: {  	[spmem:s3] =	stream.indirect.scatter.add.f32 [tilespmem:s28], [sflag:$0x3], $0x40, s0, s25, $0xb8;
	[tilespmem:$0x1FD00] =	vst v63  }
0x23: {  	_ =	swait.ge [sflag:s22], $0x1000  }
0x24: {  	s1 =	sadd.s32 $0x1, s1;
	[sflag:s22] =	ssyncset.done $0x0  }
0x25: {  	p1 =	sne.s32 s1, s18;
	[sflag:s22] =	ssyncadd.s32 $0xFFFFF000  }
.Ltmp1:
0x26: {  	s31 =	sshrl.u32 s7, $0x3;
	[bflag:$0x0] =	sbarrier.arrive $0xFFFF;
	(pc) =	sbr.rel @!p1 .LBB2_11-.Ltmp1, $4  }
0x27: {  	[hbm:s17], [sflag:s20] =	dma.local [spmem:s31], $0x1400  }
0x28: {  	_ =	swait.ge [sflag:s22], $0x1400  }
0x29: {  	[sflag:s22] =	ssyncset.done $0x0  }
0x2a: {  	[sflag:s22] =	ssyncadd.s32 $0xFFFFEC00  }
.LBB2_1:
0x2b: {  	[spmem:s21], [sflag:s20] =	dma.local [hbm:s19], $0x1400  }
0x2c: {  	_ =	swait.ge [sflag:s22], $0x1400  }
0x2d: {  	[sflag:s22] =	ssyncset.done $0x0  }
0x2e: {  	[sflag:s22] =	ssyncadd.s32 $0xFFFFEC00  }
0x2f: {  	[tilespmem:s4], [sflag:$0x3] =	stream.linear.gather [hbm4b:s5+s4], $0x4E20, $0x38;
	[tilespmem:$0x1FD00] =	vst v63  }
0x30: {  	_ =	swait.ge [sflag:s22], $0x4E20  }
0x31: {  	[sflag:s22] =	ssyncset.done $0x0  }
0x32: {  	s23 =	simm.s32 $0x4E80;
	[sflag:s22] =	ssyncadd.s32 $0xFFFFB1E0  }
0x33: {  	[tilespmem:s23], [sflag:$0x3] =	stream.linear.gather [hbm4b:s6+s4], $0x4E20, $0x38;
	[tilespmem:$0x1FD00] =	vst v63  }
0x34: {  	_ =	swait.ge [sflag:s22], $0x4E20  }
0x35: {  	[sflag:s22] =	ssyncset.done $0x0  }
0x36: {  	[sflag:s22] =	ssyncadd.s32 $0xFFFFB1E0  }
0x37: {  	[tilespmem:$0x4E20] =	vst v0  }
0x38: {  	[tilespmem:$0x4E30] =	vst v1  }
0x39: {  	[tilespmem:$0x4E40] =	vst v2  }
0x3a: {  	[tilespmem:$0x4E50] =	vst v3  }
0x3b: {  	[tilespmem:$0x4E60] =	vst v4  }
0x3c: {  	[tilespmem:$0x4E70] =	vst v5  }
0x3d: {  	[tilespmem:$0x9CA0] =	vst v6  }
0x3e: {  	[tilespmem:$0x9CB0] =	vst v7  }
0x3f: {  	[tilespmem:$0x9CC0] =	vst v8  }
0x40: {  	[tilespmem:$0x9CD0] =	vst v9  }
0x41: {  	[tilespmem:$0x9CE0] =	vst v10  }
0x42: {  	s30 =	simm.s32 $0x100;
	s23 =	simm.s32 $0x0;
	[tilespmem:$0x9CF0] =	vst v11  }
.LBB2_2:
0x43: {  	p1 =	sne.s32 s30, $0x3F00;
	[tilespmem:s23+$0x9D30] =	vst v12;
	s31 =	smov.u32 s30;
	s30 =	sadd.s32 $0x100, s30  }
.Ltmp2:
0x44: {  	[tilespmem:s23+$0x9D20] =	vst v12;
	(pc) =	sbr.rel @p1 .LBB2_2-.Ltmp2, $3  }
0x45: {  	[tilespmem:s23+$0x9D00] =	vst v12  }
0x46: {  	[tilespmem:s23+$0x9D10] =	vst v12;
	_ =	sdelay $0x1  }
0x47: {  	s23 =	sshra.s32 s31, $0x2  }
0x48: {  	[tilespmem:s23+$0x9D30] =	vst v12  }
0x49: {  	[tilespmem:s23+$0x9D20] =	vst v12  }
0x4a: {  	[tilespmem:s23+$0x9D00] =	vst v12  }
0x4b: {  	[tilespmem:s23+$0x9D10] =	vst v12  }
0x4c: {  	[spmem:s7] =	stream.linear.scatter [tilespmem:s24], [sflag:$0x3], $0x1000, $0x38;
	[tilespmem:$0x1FD00] =	vst v63  }
0x4d: {  	_ =	swait.ge [sflag:s22], $0x1000  }
0x4e: {  	[sflag:s22] =	ssyncset.done $0x0  }
0x4f: {  	[sflag:s22] =	ssyncadd.s32 $0xFFFFF000  }
0x50: {  	[spmem:s8] =	stream.linear.scatter [tilespmem:s24], [sflag:$0x3], $0x1000, $0x38;
	[tilespmem:$0x1FD00] =	vst v63  }
0x51: {  	_ =	swait.ge [sflag:s22], $0x1000  }
0x52: {  	[sflag:s22] =	ssyncset.done $0x0  }
0x53: {  	[sflag:s22] =	ssyncadd.s32 $0xFFFFF000  }
0x54: {  	[spmem:s9] =	stream.linear.scatter [tilespmem:s24], [sflag:$0x3], $0x1000, $0x38;
	[tilespmem:$0x1FD00] =	vst v63  }
0x55: {  	_ =	swait.ge [sflag:s22], $0x1000  }
0x56: {  	[sflag:s22] =	ssyncset.done $0x0  }
0x57: {  	[sflag:s22] =	ssyncadd.s32 $0xFFFFF000  }
0x58: {  	[spmem:s10] =	stream.linear.scatter [tilespmem:s24], [sflag:$0x3], $0x1000, $0x38;
	[tilespmem:$0x1FD00] =	vst v63  }
0x59: {  	_ =	swait.ge [sflag:s22], $0x1000  }
0x5a: {  	[sflag:s22] =	ssyncset.done $0x0  }
0x5b: {  	[sflag:s22] =	ssyncadd.s32 $0xFFFFF000  }
0x5c: {  	[spmem:s11] =	stream.linear.scatter [tilespmem:s24], [sflag:$0x3], $0x1000, $0x38;
	[tilespmem:$0x1FD00] =	vst v63  }
0x5d: {  	_ =	swait.ge [sflag:s22], $0x1000  }
0x5e: {  	[sflag:s22] =	ssyncset.done $0x0  }
0x5f: {  	[sflag:s22] =	ssyncadd.s32 $0xFFFFF000  }
0x60: {  	[spmem:s12] =	stream.linear.scatter [tilespmem:s24], [sflag:$0x3], $0x1000, $0x38;
	[tilespmem:$0x1FD00] =	vst v63  }
0x61: {  	_ =	swait.ge [sflag:s22], $0x1000  }
0x62: {  	[sflag:s22] =	ssyncset.done $0x0  }
0x63: {  	[sflag:s22] =	ssyncadd.s32 $0xFFFFF000  }
0x64: {  	[spmem:s13] =	stream.linear.scatter [tilespmem:s24], [sflag:$0x3], $0x1000, $0x38;
	[tilespmem:$0x1FD00] =	vst v63  }
0x65: {  	_ =	swait.ge [sflag:s22], $0x1000  }
0x66: {  	[sflag:s22] =	ssyncset.done $0x0  }
0x67: {  	[sflag:s22] =	ssyncadd.s32 $0xFFFFF000  }
0x68: {  	[spmem:s14] =	stream.linear.scatter [tilespmem:s24], [sflag:$0x3], $0x1000, $0x38;
	[tilespmem:$0x1FD00] =	vst v63  }
0x69: {  	_ =	swait.ge [sflag:s22], $0x1000  }
0x6a: {  	[sflag:s22] =	ssyncset.done $0x0  }
0x6b: {  	[sflag:s22] =	ssyncadd.s32 $0xFFFFF000  }
0x6c: {  	[spmem:s15] =	stream.linear.scatter [tilespmem:s24], [sflag:$0x3], $0x1000, $0x38;
	[tilespmem:$0x1FD00] =	vst v63  }
0x6d: {  	_ =	swait.ge [sflag:s22], $0x1000  }
0x6e: {  	[sflag:s22] =	ssyncset.done $0x0  }
0x6f: {  	[sflag:s22] =	ssyncadd.s32 $0xFFFFF000  }
0x70: {  	[spmem:s16] =	stream.linear.scatter [tilespmem:s24], [sflag:$0x3], $0x1000, $0x38;
	[tilespmem:$0x1FD00] =	vst v63  }
.Ltmp3:
0x71: {  	_ =	swait.ge [sflag:s22], $0x1000;
	(pc) =	sbr.rel @p0 .LBB2_7-.Ltmp3, $4  }
0x72: {  	[sflag:s22] =	ssyncset.done $0x0  }
0x73: {  	[sflag:s22] =	ssyncadd.s32 $0xFFFFF000  }
0x74: {  	s31 =	simm.s32 $0x0;
	[bflag:$0x0] =	sbarrier.arrive $0xFFFF  }
0x75: {  	[tilespmem:s24], [sflag:$0x1] =	stream.indirect.gather [spmem:s2], $0x40, s31, s25, $0xb8;
	[tilespmem:$0x1FD00] =	vst v63  }
0x76: {  	_ =	swait.ge [sflag:s26], $0x1000  }
0x77: {  	[sflag:s26] =	ssyncset.done $0x0  }
0x78: {  	s23 =	simm.s32 $0x40;
	[sflag:s26] =	ssyncadd.s32 $0xFFFFF000  }
0x79: {  	[tilespmem:s28], [sflag:$0x2] =	stream.indirect.gather [spmem:s2], $0x40, s23, s25, $0xb8;
	[tilespmem:$0x1FD00] =	vst v63  }
0x7a: {  	s31 =	simm.s32 $0x4E80  }
0x7b: {  	[spmem:s3] =	stream.indirect.scatter.add.f32 [tilespmem:s24], [sflag:$0x3], $0x40, s31, s25, $0xb8;
	[tilespmem:$0x1FD00] =	vst v63  }
0x7c: {  	_ =	swait.ge [sflag:s22], $0x1000  }
0x7d: {  	[sflag:s22] =	ssyncset.done $0x0  }
0x7e: {  	[sflag:s22] =	ssyncadd.s32 $0xFFFFF000  }
0x7f: {  	_ =	swait.ge [sflag:s29], $0x1000  }
0x80: {  	[sflag:s29] =	ssyncset.done $0x0  }
0x81: {  	s30 =	simm.s32 $0x80;
	[sflag:s29] =	ssyncadd.s32 $0xFFFFF000  }
0x82: {  	[tilespmem:s24], [sflag:$0x1] =	stream.indirect.gather [spmem:s2], $0x40, s30, s25, $0xb8;
	[tilespmem:$0x1FD00] =	vst v63  }
0x83: {  	s31 =	simm.s32 $0x4EC0  }
0x84: {  	[spmem:s3] =	stream.indirect.scatter.add.f32 [tilespmem:s28], [sflag:$0x3], $0x40, s31, s25, $0xb8;
	[tilespmem:$0x1FD00] =	vst v63  }
0x85: {  	_ =	swait.ge [sflag:s22], $0x1000  }
0x86: {  	s23 =	simm.s32 $0x200;
	[sflag:s22] =	ssyncset.done $0x0  }
.LBB2_5:
0x87: {  	p1 =	seq.s32 s23, $0x13600  }
0x88: {  	[sflag:s22] =	ssyncadd.s32 $0xFFFFF000;
	s30 =	smov.u32 s23;
	s23 =	sadd.s32 $0x200, s23  }
0x89: {  	_ = 	snop  }
0x8a: {  	_ =	swait.ge [sflag:s26], $0x1000  }
0x8b: {  	s30 =	sshra.s32 s30, $0x2;
	[sflag:s26] =	ssyncset.done $0x0  }
0x8c: {  	s31 =	sadd.s32 $0x40, s30;
	[sflag:s26] =	ssyncadd.s32 $0xFFFFF000  }
0x8d: {  	[tilespmem:s28], [sflag:$0x2] =	stream.indirect.gather [spmem:s2], $0x40, s31, s25, $0xb8;
	[tilespmem:$0x1FD00] =	vst v63  }
0x8e: {  	s31 =	sadd.s32 $0x4E80, s30  }
0x8f: {  	[spmem:s3] =	stream.indirect.scatter.add.f32 [tilespmem:s24], [sflag:$0x3], $0x40, s31, s25, $0xb8;
	[tilespmem:$0x1FD00] =	vst v63  }
0x90: {  	_ =	swait.ge [sflag:s22], $0x1000  }
0x91: {  	[sflag:s22] =	ssyncset.done $0x0  }
0x92: {  	[sflag:s22] =	ssyncadd.s32 $0xFFFFF000  }
0x93: {  	_ =	swait.ge [sflag:s29], $0x1000  }
0x94: {  	[sflag:s29] =	ssyncset.done $0x0  }
0x95: {  	s31 =	sadd.s32 $0x80, s30;
	[sflag:s29] =	ssyncadd.s32 $0xFFFFF000  }
0x96: {  	[tilespmem:s24], [sflag:$0x1] =	stream.indirect.gather [spmem:s2], $0x40, s31, s25, $0xb8;
	[tilespmem:$0x1FD00] =	vst v63  }
.Ltmp4:
0x97: {  	_ = 	snop;
	(pc) =	sbr.rel @!p1 .LBB2_5-.Ltmp4, $4  }
0x98: {  	s30 =	sadd.s32 $0x4EC0, s30  }
0x99: {  	[spmem:s3] =	stream.indirect.scatter.add.f32 [tilespmem:s28], [sflag:$0x3], $0x40, s30, s25, $0xb8;
	[tilespmem:$0x1FD00] =	vst v63  }
0x9a: {  	_ =	swait.ge [sflag:s22], $0x1000  }
0x9b: {  	[sflag:s22] =	ssyncset.done $0x0  }
.Ltmp5:
0x9c: {  	(pc) =	sbr.rel .LBB2_10-.Ltmp5, $2  }
0x9d: {  	_ =	sdelay $0x2  }
0x9e: {  	[sflag:s22] =	ssyncadd.s32 $0xFFFFF000  }
.LBB2_7:
0x9f: {  	_ =	swait.ge [sflag:s26], $0x1000  }
0xa0: {  	[sflag:s26] =	ssyncset.done $0x0  }
0xa1: {  	s23 =	simm.s32 $0x40;
	[sflag:s26] =	ssyncadd.s32 $0xFFFFF000  }
0xa2: {  	[tilespmem:s28], [sflag:$0x2] =	stream.indirect.gather [spmem:s2], $0x40, s23, s25, $0xb8;
	[tilespmem:$0x1FD00] =	vst v63  }
0xa3: {  	s31 =	simm.s32 $0x4E80  }
0xa4: {  	[spmem:s3] =	stream.indirect.scatter.add.f32 [tilespmem:s24], [sflag:$0x3], $0x40, s31, s25, $0xb8;
	[tilespmem:$0x1FD00] =	vst v63  }
0xa5: {  	_ =	swait.ge [sflag:s22], $0x1000  }
0xa6: {  	[sflag:s22] =	ssyncset.done $0x0  }
0xa7: {  	[sflag:s22] =	ssyncadd.s32 $0xFFFFF000  }
0xa8: {  	_ =	swait.ge [sflag:s29], $0x1000  }
0xa9: {  	[sflag:s29] =	ssyncset.done $0x0  }
0xaa: {  	s30 =	simm.s32 $0x80;
	[sflag:s29] =	ssyncadd.s32 $0xFFFFF000  }
0xab: {  	[tilespmem:s24], [sflag:$0x1] =	stream.indirect.gather [spmem:s2], $0x40, s30, s25, $0xb8;
	[tilespmem:$0x1FD00] =	vst v63  }
0xac: {  	s31 =	simm.s32 $0x4EC0  }
0xad: {  	[spmem:s3] =	stream.indirect.scatter.add.f32 [tilespmem:s28], [sflag:$0x3], $0x40, s31, s25, $0xb8;
	[tilespmem:$0x1FD00] =	vst v63  }
0xae: {  	_ =	swait.ge [sflag:s22], $0x1000  }
0xaf: {  	s23 =	simm.s32 $0x200;
	[sflag:s22] =	ssyncset.done $0x0  }
.LBB2_8:
0xb0: {  	p1 =	sne.s32 s23, $0x13600  }
0xb1: {  	[sflag:s22] =	ssyncadd.s32 $0xFFFFF000;
	s30 =	smov.u32 s23;
	s23 =	sadd.s32 $0x200, s23  }
0xb2: {  	_ = 	snop  }
0xb3: {  	_ =	swait.ge [sflag:s26], $0x1000  }
0xb4: {  	s30 =	sshra.s32 s30, $0x2;
	[sflag:s26] =	ssyncset.done $0x0  }
0xb5: {  	s31 =	sadd.s32 $0x40, s30;
	[sflag:s26] =	ssyncadd.s32 $0xFFFFF000  }
0xb6: {  	[tilespmem:s28], [sflag:$0x2] =	stream.indirect.gather [spmem:s2], $0x40, s31, s25, $0xb8;
	[tilespmem:$0x1FD00] =	vst v63  }
0xb7: {  	s31 =	sadd.s32 $0x4E80, s30  }
0xb8: {  	[spmem:s3] =	stream.indirect.scatter.add.f32 [tilespmem:s24], [sflag:$0x3], $0x40, s31, s25, $0xb8;
	[tilespmem:$0x1FD00] =	vst v63  }
0xb9: {  	_ =	swait.ge [sflag:s22], $0x1000  }
0xba: {  	[sflag:s22] =	ssyncset.done $0x0  }
0xbb: {  	[sflag:s22] =	ssyncadd.s32 $0xFFFFF000  }
0xbc: {  	_ =	swait.ge [sflag:s29], $0x1000  }
0xbd: {  	[sflag:s29] =	ssyncset.done $0x0  }
0xbe: {  	s31 =	sadd.s32 $0x80, s30;
	[sflag:s29] =	ssyncadd.s32 $0xFFFFF000  }
0xbf: {  	[tilespmem:s24], [sflag:$0x1] =	stream.indirect.gather [spmem:s2], $0x40, s31, s25, $0xb8;
	[tilespmem:$0x1FD00] =	vst v63  }
.Ltmp6:
0xc0: {  	_ = 	snop;
	(pc) =	sbr.rel @p1 .LBB2_8-.Ltmp6, $4  }
0xc1: {  	s30 =	sadd.s32 $0x4EC0, s30  }
0xc2: {  	[spmem:s3] =	stream.indirect.scatter.add.f32 [tilespmem:s28], [sflag:$0x3], $0x40, s30, s25, $0xb8;
	[tilespmem:$0x1FD00] =	vst v63  }
0xc3: {  	_ =	swait.ge [sflag:s22], $0x1000  }
0xc4: {  	[sflag:s22] =	ssyncset.done $0x0  }
.Ltmp7:
0xc5: {  	_ = 	snop;
	(pc) =	sbr.rel .LBB2_9-.Ltmp7, $1  }
0xc6: {  	_ =	sdelay $0x3  }
.LBB2_11:
0xc7: {  	_ =	sfence.sel $0x180000  }
0xc8: {  	[bflag:$0x0] =	sbarrier.arrive $0xFFFF  }
0xc9: {  	_ =	strace $0x9000004A  }
0xca: {  	s0 =	stileid.u32;
	[bflag:$0x2] =	sbarrier.arrive $0xFFFF  }
0xcb: {  	p0 =	sne.s32 s0, $0x0;
	s0 =	rddreg [dreg:$0x3]  }
0xcc: {  	s0 =	sadd.s32 @!p0 $0x100000, s0  }
0xcd: {  	[sflag:s0] =	ssyncadd.tile.s32 @!p0 $0x1;
	_ =	shalt  }
.Lfunc_end2:
_tile_overlayer_lowered:
.L_overlay_start_2:
0xce: {  	(tag) =	ssettag $0x2  }
0xcf: {  	s0 =	rddreg [dreg:$0x0];
	s2 =	stileid.u32  }
0xd0: {  	s1 =	rddreg [dreg:$0x1];
	p0 =	sne.s32 s2, $0x0  }
0xd1: {  	s3 =	rddreg [dreg:$0x2];
	[bflag:$0x3] =	sbarrier.arrive $0xFFFF;
	s2 =	simm.s32 @!p0 $0x1C03  }
0xd2: {  	[timem:s3], [sflag:s2] =	dma.local @!p0 [hbm:s0], s1  }
0xd3: {  	s0 =	simm.s32 @!p0 $0x3  }
0xd4: {  	_ =	swait.ge @!p0 [sflag:s0], s1  }
0xd5: {  	s1 =	ssub.s32 @!p0 $0x0, s1;
	[sflag:s0] =	ssyncset.done @!p0 $0x0  }
0xd6: {  	[sflag:s0] =	ssyncadd.s32 @!p0 s1  }
0xd7: {  	[bflag:$0x3] =	sbarrier.arrive $0xFFFF  }
0xd8: {  	_ =	shalt  }

// kernel: kernel.16.cloned.1.call-start
scs
__scs_entry_jumppad:
0x0: {  	(pc) =	sbr.rel $0x88, $3  }
0x1: {  	(tag) =	ssettag $0x0;
	lr =	simm.s32 $0x1  }
0x2: {  	[smem:$0x3F96] =	sst lr;
	_ =	strace $0xD0000000  }
0x3: {  	_ = 	snop  }
0x4: {  	_ = 	snop  }
0x5: {  	_ = 	snop  }
0x6: {  	_ = 	snop  }
0x7: {  	_ = 	snop  }
__scs_overlays_trampoline_lowered:
0x8: {  	[smem:$0x3FA5] =	sst s0  }
0x9: {  	[smem:$0x3FA6] =	sst s1  }
0xa: {  	[smem:$0x3FA7] =	sst s2  }
0xb: {  	[smem:$0x3FA8] =	sst s3  }
0xc: {  	[smem:$0x3FA9] =	sst s4  }
0xd: {  	[smem:$0x3FAA] =	sst s5  }
0xe: {  	[smem:$0x3FAB] =	sst s6  }
0xf: {  	[smem:$0x3FAC] =	sst s7  }
0x10: {  	[smem:$0x3FAD] =	sst s8  }
0x11: {  	[smem:$0x3FAE] =	sst s9;
	s0 =	simm.s32 @!p0 $0x0  }
0x12: {  	s1 =	sld [smem:$0x3F94];
	s0 =	simm.s32 @p0 $0x1  }
0x13: {  	[smem:$0x3FAF] =	sst s0;
	s0 =	simm.s32 @!p1 $0x0  }
0x14: {  	s2 =	sld [smem:$0x3F93];
	s0 =	simm.s32 @p1 $0x1  }
0x15: {  	[smem:$0x3FB0] =	sst s0;
	s0 =	simm.s32 @!p2 $0x0  }
0x16: {  	s3 =	sld [smem:$0x3FDB];
	s0 =	simm.s32 @p2 $0x1  }
0x17: {  	s4 =	simm.s32 $0x1BF5;
	[smem:$0x3FB2] =	sst s0  }
0x18: {  	s0 =	sld [smem:$0x3F95];
	_ =	swait.ge [sflag:s4], $0x0  }
0x19: {  	s7 =	sld [smem:$0x3F96]  }
0x1a: {  	s8 =	sadd.s32 $0xFFFFE003, lr  }
0x1b: {  	s9 =	sadd.s32 $0xFFFFFEF7, lr;
	s5 =	simm.s32 $0xFFFFFFFF;
	p2 =	slt.u32 s8, $0xFFFFF086  }
0x1c: {  	p1 =	slt.u32 s9, $0xF7A;
	s5 =	simm.s32 @!p2 $0x0  }
0x1d: {  	s5 =	simm.s32 @p1 $0x1;
	p0 =	seq.s32 s7, s2  }
0x1e: {  	s7 =	smul.u32 @!p0 $0xF7A, s2;
	p2 =	seq.s32 @!p0 s5, $0x0  }
0x1f: {  	s9 =	smul.u32 $0xF7A, s1;
	s8 =	simm.s32 @!p0 $0x1BF5;
	p2 =	por !p2, p0  }
0x20: {  	[sflag:s8] =	ssyncset.s32 @!p0 $0xFFFFF086;
	s6 =	sadd.s32 @!p0 s3, s7;
	s7 =	simm.s32 @!p0 $0x108  }
0x21: {  	s3 =	sadd.s32 s3, s9;
	s6 =	sadd.s32 @!p0 $0x88, s6;
	s7 =	simm.s32 @p2 $0x1082  }
0x22: {  	[simem:s7], [sflag:s8] =	dma.local @!p0 [hbm:s6], $0xF7A  }
0x23: {  	s9 =	sor.u32 $0xD0000000, s2;
	s6 =	simm.s32 $0x108;
	_ =	swait.ge @!p0 [sflag:s8], $0x0  }
0x24: {  	s3 =	sadd.s32 $0x88, s3;
	s6 =	simm.s32 @!p1 $0x1082;
	[sflag:s4] =	ssyncset.s32 $0xFFFFF086  }
0x25: {  	[simem:s6], [sflag:s4] =	dma.local [hbm:s3], $0xF7A  }
0x26: {  	[smem:$0x3F96] =	sst s1;
	(tag) =	ssettag s2;
	_ =	strace s9  }
0x27: {  	s1 =	sld [smem:$0x3FA6]  }
0x28: {  	s2 =	sld [smem:$0x3FA7]  }
0x29: {  	s4 =	sld [smem:$0x3FA9]  }
0x2a: {  	p0 =	seq.s32 s5, $0x0;
	s5 =	sld [smem:$0x3FAA]  }
0x2b: {  	s6 =	sld [smem:$0x3FAB]  }
0x2c: {  	s7 =	sld [smem:$0x3FAC]  }
0x2d: {  	s3 =	simm.s32 $0x108;
	s8 =	sld [smem:$0x3FAD]  }
0x2e: {  	s3 =	simm.s32 @!p0 $0x1082;
	s9 =	sld [smem:$0x3FAE]  }
0x2f: {  	lr =	sadd.s32 s0, s3;
	s0 =	sld [smem:$0x3FA5]  }
0x30: {  	s3 =	sld [smem:$0x3FA8]  }
0x31: {  	[smem:$0x3FB1] =	sst s10  }
0x32: {  	s10 =	sld [smem:$0x3FAF];
	_ =	sdelay $0x3  }
0x33: {  	p0 =	seq.s32 s10, $0x1;
	s10 =	sld [smem:$0x3FB1];
	_ =	sdelay $0x3  }
0x34: {  	[smem:$0x3FB1] =	sst s10  }
0x35: {  	s10 =	sld [smem:$0x3FB0];
	_ =	sdelay $0x3  }
0x36: {  	p1 =	seq.s32 s10, $0x1;
	s10 =	sld [smem:$0x3FB1];
	_ =	sdelay $0x3  }
0x37: {  	[smem:$0x3FB1] =	sst s10  }
0x38: {  	s10 =	sld [smem:$0x3FB2]  }
0x39: {  	_ = 	snop;
	(pc) =	sbr.ind lr, $3  }
0x3a: {  	_ = 	snop  }
0x3b: {  	_ = 	snop  }
0x3c: {  	p2 =	seq.s32 s10, $0x1;
	s10 =	sld [smem:$0x3FB1]  }
0x3d: {  	_ =	shalt  }
0x3e: {  	_ =	shalt  }
0x3f: {  	_ =	shalt  }
0x40: {  	_ =	shalt  }
0x41: {  	_ =	shalt  }
0x42: {  	_ =	shalt  }
0x43: {  	_ =	shalt  }
0x44: {  	_ =	shalt  }
0x45: {  	_ =	shalt  }
0x46: {  	_ =	shalt  }
0x47: {  	_ =	shalt  }
0x48: {  	_ =	shalt  }
0x49: {  	_ =	shalt  }
0x4a: {  	_ =	shalt  }
0x4b: {  	_ =	shalt  }
0x4c: {  	_ =	shalt  }
0x4d: {  	_ =	shalt  }
0x4e: {  	_ =	shalt  }
0x4f: {  	_ =	shalt  }
0x50: {  	_ =	shalt  }
0x51: {  	_ =	shalt  }
0x52: {  	_ =	shalt  }
0x53: {  	_ =	shalt  }
0x54: {  	_ =	shalt  }
0x55: {  	_ =	shalt  }
0x56: {  	_ =	shalt  }
0x57: {  	_ =	shalt  }
0x58: {  	_ =	shalt  }
0x59: {  	_ =	shalt  }
0x5a: {  	_ =	shalt  }
0x5b: {  	_ =	shalt  }
0x5c: {  	_ =	shalt  }
0x5d: {  	_ =	shalt  }
0x5e: {  	_ =	shalt  }
0x5f: {  	_ =	shalt  }
0x60: {  	_ =	shalt  }
0x61: {  	_ =	shalt  }
0x62: {  	_ =	shalt  }
0x63: {  	_ =	shalt  }
0x64: {  	_ =	shalt  }
0x65: {  	_ =	shalt  }
0x66: {  	_ =	shalt  }
0x67: {  	_ =	shalt  }
0x68: {  	_ =	shalt  }
0x69: {  	_ =	shalt  }
0x6a: {  	_ =	shalt  }
0x6b: {  	_ =	shalt  }
0x6c: {  	_ =	shalt  }
0x6d: {  	_ =	shalt  }
0x6e: {  	_ =	shalt  }
0x6f: {  	_ =	shalt  }
0x70: {  	_ =	shalt  }
0x71: {  	_ =	shalt  }
0x72: {  	_ =	shalt  }
0x73: {  	_ =	shalt  }
0x74: {  	_ =	shalt  }
0x75: {  	_ =	shalt  }
0x76: {  	_ =	shalt  }
0x77: {  	_ =	shalt  }
0x78: {  	_ =	shalt  }
0x79: {  	_ =	shalt  }
0x7a: {  	_ =	shalt  }
0x7b: {  	_ =	shalt  }
0x7c: {  	_ =	shalt  }
0x7d: {  	_ =	shalt  }
0x7e: {  	_ =	shalt  }
0x7f: {  	_ =	shalt  }
0x80: {  	_ =	shalt  }
0x81: {  	_ =	shalt  }
0x82: {  	_ =	shalt  }
0x83: {  	_ =	shalt  }
0x84: {  	_ =	shalt  }
0x85: {  	_ =	shalt  }
0x86: {  	_ =	shalt  }
0x87: {  	_ =	shalt  }
.Lfunc_end0:
.L_simem_size_0:
called_computation.2_lowered:
.L_overlay_start_0:
0x88: {  	s2 =	sld [smem:$0x3FD9]  }
0x89: {  	s3 =	sld [smem:$0x3FFE];
	_ =	sdelay $0x1  }
0x8a: {  	s1 =	srdreg.scid  }
0x8b: {  	s0 =	sand.u32 $0x1, s1  }
0x8c: {  	s16 =	sshll.u32 s0, $0xA;
	s2 =	sadd.s32 s3, s2  }
0x8d: {  	s2 =	sadd.s32 s2, s16  }
0x8e: {  	[smem:$0x3FBD] =	sst s2  }
0x8f: {  	_ = 	snop  }
0x90: {  	(tm) =	ssettm $0x1  }
0x91: {  	s17 =	sld [smem:$0x3FFB];
	_ =	sdelay $0x3  }
0x92: {  	_ =	strace s17  }
0x93: {  	s2 =	sld [smem:$0x3FFC];
	_ =	sdelay $0x3  }
0x94: {  	_ =	strace s2  }
0x95: {  	s2 =	sld [smem:$0x3FFD];
	_ =	sdelay $0x3  }
0x96: {  	_ =	strace s2  }
0x97: {  	_ =	strace $0x8FFFFFFF  }
0x98: {  	s18 =	sld [smem:$0x3FDB];
	_ =	sdelay $0x1  }
0x99: {  	s19 =	simm.s32 $_scs_section_size  }
0x9a: {  	s4 =	simm.s32 $_size__tile_overlayer_lowered;
	s5 =	simm.s32 $_tile_overlayer_lowered  }
0x9b: {  	s22 =	simm.s32 $0x1BFF;
	s21 =	sshll.u32 s5, $0x1;
	s2 =	sadd.s32 s19, s18  }
0x9c: {  	s6 =	simm.s32 $0x0;
	s20 =	sshll.u32 s4, $0x1;
	s4 =	sadd.s32 s21, s2  }
0x9d: {  	[timem:s6], [sflag:s22] =	dma.local [hbm:s4], s20  }
0x9e: {  	_ =	swait.ge [sflag:s22], s20  }
0x9f: {  	s3 =	ssub.s32 $0x0, s20;
	[sflag:s22] =	ssyncset.done $0x0  }
0xa0: {  	[sflag:s22] =	ssyncadd.s32 s3;
	_ =	sdelay $0x1  }
0xa1: {  	s23 =	simm.s32 $0x1B8B  }
0xa2: {  	_ =	swait.ge [sflag:s23], $0x1  }
0xa3: {  	[sflag:s23] =	ssyncset.done $0x0  }
0xa4: {  	s25 =	simm.s32 $0x1B8E;
	s24 =	sld [smem:$0x3FFE];
	[sflag:s23] =	ssyncadd.s32 $0xFFFFFFFF  }
0xa5: {  	s26 =	simm.s32 $execute0_lowered;
	[smem:$0x3FD2] =	sst s25  }
0xa6: {  	s4 =	sshll.u32 s26, $0x1;
	_ =	strace $0x8000004C;
	[dreg:$0x1] =	wrdreg $0xFFFFFFFF  }
0xa7: {  	s28 =	simm.s32 $_size_execute0_lowered;
	s2 =	sadd.s32 s2, s4;
	[dreg:$0x0] =	wrdreg $0x0  }
0xa8: {  	s4 =	sshll.u32 s28, $0x1;
	[dreg:$0x2] =	wrdreg s2  }
0xa9: {  	[dreg:$0x3] =	wrdreg s4  }
0xaa: {  	[dreg:$0x4] =	wrdreg $0xC0  }
0xab: {  	_ =	task [dreg:s6], $0x5FFFF  }
0xac: {  	[dreg:$0x1] =	wrdreg $0xFFFFFFFF  }
0xad: {  	[dreg:$0x0] =	wrdreg $0x60  }
0xae: {  	[dreg:$0x2] =	wrdreg s24  }
0xaf: {  	[dreg:$0x3] =	wrdreg $0x10F000  }
0xb0: {  	[dreg:$0x4] =	wrdreg $0x6F000  }
0xb1: {  	[dreg:$0x5] =	wrdreg $0x9  }
0xb2: {  	_ =	task.clear_ibuf [dreg:s6], $0x6FFFF;
	_ =	strace $0x9000004C  }
0xb3: {  	s29 =	simm.s32 $0x9;
	_ =	strace $0x8000004E  }
0xb4: {  	_ =	swait.ge [sflag:s29], $0x1  }
0xb5: {  	[sflag:s29] =	ssyncadd.s32 $0xFFFFFFFF  }
0xb6: {  	_ =	strace $0x9000004E  }
0xb7: {  	_ =	sfence  }
0xb8: {  	s30 =	sld [smem:$0x0];
	_ =	sdelay $0x2  }
0xb9: {  	s31 =	sshll.u32 s1, $0xD;
	s1 =	sshrl.u32 s1, $0x2  }
0xba: {  	s3 =	sand.u32 $0x4000, s31;
	s1 =	sadd.s32 s1, s30  }
0xbb: {  	s0 =	sor.u32 s3, s0;
	s1 =	sshll.u32 s1, $0x11  }
0xbc: {  	s0 =	sor.u32 s1, s0  }
0xbd: {  	s0 =	sadd.s32 $0x8F2B, s0  }
0xbe: {  	[sflag:s0] =	ssyncadd.remote.s32 $0x1  }
0xbf: {  	_ =	sfence.sel $0xFFFF  }
0xc0: {  	[dreg:$0x0] =	wrdreg $0xFFFFFFFF;
	(pc) =	sbr.abs _section_cstart, $3  }
0xc1: {  	[dreg:$0x1] =	wrdreg $0xFFFFFFFF  }
0xc2: {  	_ =	task.clear_ibuf [dreg:s6], $0x2FFFF;
	_ =	strace $0x9FFFFFFF  }
0xc3: {  	(tm) =	ssettm $0x7FFFFFFF  }
tec
execute0_lowered:
.L_overlay_start_1:
0x0: {  	(tag) =	ssettag $0x1  }
0x1: {  	s11 =	stileid.u32  }
0x2: {  	s0 =	srdreg.scid;
	s1 =	rddreg [dreg:$0x0]  }
0x3: {  	s2 =	rddreg [dreg:$0x1];
	s22 =	simm.s32 $0x3;
	s9 =	smul.u32 $0xA000, s11  }
0x4: {  	s28 =	simm.s32 $0x5F00;
	s29 =	simm.s32 $0x2;
	s6 =	smul.u32 $0x1400, s11  }
0x5: {  	s0 =	sand.u32 $0x1, s0;
	s3 =	sshll.u32 s11, $0x1;
	s26 =	smul.u32 $0x28000, s11  }
0x6: {  	s30 =	sshll.u32 s11, $0x6;
	s4 =	sor.u32 s0, s3;
	s8 =	smul.u32 $0x14000, s0  }
0x7: {  	s3 =	rddreg [dreg:$0x2];
	s0 =	ssub.s32 $0x2, s0;
	s5 =	smul.u32 $0x2710, s4  }
0x8: {  	s4 =	simm.s32 $0x0;
	s7 =	sshrl.u32 s9, $0x3;
	s25 =	sshrl.u32 s0, $0x1  }
0x9: {  	s21 =	sadd.s32 s9, s2;
	s31 =	sshrl.u32 s26, $0x2;
	s9 =	sadd.s32 s9, s3  }
0xa: {  	s26 =	simm.s32 $0x1;
	[smem:$0x7FF] =	sst s4;
	s7 =	sadd.s32 s7, s1  }
0xb: {  	s24 =	sadd.s32 s6, s8;
	s0 =	ssub.s32 s0, s25;
	s6 =	sor.u32 $0x1C03, s30  }
0xc: {  	s18 =	sadd.s32 s31, s3;
	s21 =	sshrl.u32 s21, $0x3;
	s25 =	simm.s32 $0x40  }
0xd: {  	_ =	strace $0x8000004D;
	s5 =	sshrl.u32 s5, $0x3;
	s11 =	sadd.s32 $0x2000, s18  }
0xe: {  	v0 =	vlaneseq.u32;
	s12 =	sadd.s32 $0x3000, s18;
	s13 =	sadd.s32 $0x4000, s18;
	s14 =	sadd.s32 $0x5000, s18  }
0xf: {  	v14 =	vimm.f32 $0.0e+00;
	v1 =	vor.u32 $0x10, v0;
	s15 =	sadd.s32 $0x6000, s18;
	s16 =	sadd.s32 $0x7000, s18;
	s17 =	sadd.s32 $0x8000, s18  }
0x10: {  	v2 =	vor.u32 $0x20, v0;
	v3 =	vor.u32 $0x30, v0;
	v4 =	vor.u32 $0x40, v0;
	s20 =	smax.u32 s0, $0x1;
	s0 =	simm.s32 $0x0;
	s10 =	sadd.s32 s5, s1  }
0x11: {  	v5 =	vor.u32 $0x50, v0;
	v6 =	vor.u32 $0x60, v0;
	v7 =	vor.u32 $0x2710, v0;
	s1 =	sadd.s32 s24, s1;
	s5 =	sadd.s32 $0x16600, s7;
	s24 =	simm.s32 $0x4F00  }
0x12: {  	v8 =	vor.u32 $0x2720, v0;
	v9 =	vor.u32 $0x2730, v0;
	v10 =	vor.u32 $0x2740, v0;
	s7 =	sadd.s32 $0x2C00, s10;
	s8 =	sadd.s32 $0xC840, s10;
	s10 =	sadd.s32 $0x1000, s18  }
0x13: {  	v11 =	vor.u32 $0x2750, v0;
	v12 =	vor.u32 $0x2760, v0;
	v13 =	vor.u32 $0x2770, v0;
	s18 =	sadd.s32 $0x9000, s18;
	s19 =	sadd.s32 $0x2A600, s1;
	s1 =	simm.s32 $0x4EC0  }
.LBB2_1:
0x14: {  	[spmem:s21], [sflag:s6] =	dma.local [hbm:s5], $0x1400  }
0x15: {  	_ =	swait.ge [sflag:s22], $0x1400  }
0x16: {  	[sflag:s22] =	ssyncset.done $0x0  }
0x17: {  	[sflag:s22] =	ssyncadd.s32 $0xFFFFEC00  }
0x18: {  	[tilespmem:s4], [sflag:$0x3] =	stream.linear.gather [hbm4b:s7+s4], $0x2710, $0x38;
	[tilespmem:$0x1AF00] =	vst v63  }
0x19: {  	_ =	swait.ge [sflag:s22], $0x2710  }
0x1a: {  	[sflag:s22] =	ssyncset.done $0x0  }
0x1b: {  	s23 =	simm.s32 $0x2780;
	[sflag:s22] =	ssyncadd.s32 $0xFFFFD8F0  }
0x1c: {  	[tilespmem:s23], [sflag:$0x3] =	stream.linear.gather [hbm4b:s8+s4], $0x2710, $0x38;
	[tilespmem:$0x1AF00] =	vst v63  }
0x1d: {  	_ =	swait.ge [sflag:s22], $0x2710  }
0x1e: {  	[sflag:s22] =	ssyncset.done $0x0  }
0x1f: {  	[sflag:s22] =	ssyncadd.s32 $0xFFFFD8F0  }
0x20: {  	[tilespmem:$0x2710] =	vst v0  }
0x21: {  	[tilespmem:$0x2720] =	vst v1  }
0x22: {  	[tilespmem:$0x2730] =	vst v2  }
0x23: {  	[tilespmem:$0x2740] =	vst v3  }
0x24: {  	[tilespmem:$0x2750] =	vst v4  }
0x25: {  	[tilespmem:$0x2760] =	vst v5  }
0x26: {  	[tilespmem:$0x2770] =	vst v6  }
0x27: {  	[tilespmem:$0x4E90] =	vst v7  }
0x28: {  	[tilespmem:$0x4EA0] =	vst v8  }
0x29: {  	[tilespmem:$0x4EB0] =	vst v9  }
0x2a: {  	[tilespmem:$0x4EC0] =	vst v10  }
0x2b: {  	[tilespmem:$0x4ED0] =	vst v11  }
0x2c: {  	[tilespmem:$0x4EE0] =	vst v12  }
0x2d: {  	s30 =	simm.s32 $0x100;
	s23 =	simm.s32 $0x0;
	[tilespmem:$0x4EF0] =	vst v13  }
.LBB2_2:
0x2e: {  	p0 =	sne.s32 s30, $0x3F00;
	[tilespmem:s23+$0x4F30] =	vst v14;
	s31 =	smov.u32 s30;
	s30 =	sadd.s32 $0x100, s30  }
.Ltmp0:
0x2f: {  	[tilespmem:s23+$0x4F20] =	vst v14;
	(pc) =	sbr.rel @p0 .LBB2_2-.Ltmp0, $3  }
0x30: {  	[tilespmem:s23+$0x4F00] =	vst v14  }
0x31: {  	[tilespmem:s23+$0x4F10] =	vst v14;
	_ =	sdelay $0x1  }
0x32: {  	s23 =	sshra.s32 s31, $0x2  }
0x33: {  	[tilespmem:s23+$0x4F30] =	vst v14  }
0x34: {  	[tilespmem:s23+$0x4F20] =	vst v14  }
0x35: {  	[tilespmem:s23+$0x4F00] =	vst v14  }
0x36: {  	[tilespmem:s23+$0x4F10] =	vst v14  }
0x37: {  	[spmem:s9] =	stream.linear.scatter [tilespmem:s24], [sflag:$0x3], $0x1000, $0x38;
	[tilespmem:$0x1AF00] =	vst v63  }
0x38: {  	_ =	swait.ge [sflag:s22], $0x1000  }
0x39: {  	[sflag:s22] =	ssyncset.done $0x0  }
0x3a: {  	[sflag:s22] =	ssyncadd.s32 $0xFFFFF000  }
0x3b: {  	[spmem:s10] =	stream.linear.scatter [tilespmem:s24], [sflag:$0x3], $0x1000, $0x38;
	[tilespmem:$0x1AF00] =	vst v63  }
0x3c: {  	_ =	swait.ge [sflag:s22], $0x1000  }
0x3d: {  	[sflag:s22] =	ssyncset.done $0x0  }
0x3e: {  	[sflag:s22] =	ssyncadd.s32 $0xFFFFF000  }
0x3f: {  	[spmem:s11] =	stream.linear.scatter [tilespmem:s24], [sflag:$0x3], $0x1000, $0x38;
	[tilespmem:$0x1AF00] =	vst v63  }
0x40: {  	_ =	swait.ge [sflag:s22], $0x1000  }
0x41: {  	[sflag:s22] =	ssyncset.done $0x0  }
0x42: {  	[sflag:s22] =	ssyncadd.s32 $0xFFFFF000  }
0x43: {  	[spmem:s12] =	stream.linear.scatter [tilespmem:s24], [sflag:$0x3], $0x1000, $0x38;
	[tilespmem:$0x1AF00] =	vst v63  }
0x44: {  	_ =	swait.ge [sflag:s22], $0x1000  }
0x45: {  	[sflag:s22] =	ssyncset.done $0x0  }
0x46: {  	[sflag:s22] =	ssyncadd.s32 $0xFFFFF000  }
0x47: {  	[spmem:s13] =	stream.linear.scatter [tilespmem:s24], [sflag:$0x3], $0x1000, $0x38;
	[tilespmem:$0x1AF00] =	vst v63  }
0x48: {  	_ =	swait.ge [sflag:s22], $0x1000  }
0x49: {  	[sflag:s22] =	ssyncset.done $0x0  }
0x4a: {  	[sflag:s22] =	ssyncadd.s32 $0xFFFFF000  }
0x4b: {  	[spmem:s14] =	stream.linear.scatter [tilespmem:s24], [sflag:$0x3], $0x1000, $0x38;
	[tilespmem:$0x1AF00] =	vst v63  }
0x4c: {  	_ =	swait.ge [sflag:s22], $0x1000  }
0x4d: {  	[sflag:s22] =	ssyncset.done $0x0  }
0x4e: {  	[sflag:s22] =	ssyncadd.s32 $0xFFFFF000  }
0x4f: {  	[spmem:s15] =	stream.linear.scatter [tilespmem:s24], [sflag:$0x3], $0x1000, $0x38;
	[tilespmem:$0x1AF00] =	vst v63  }
0x50: {  	_ =	swait.ge [sflag:s22], $0x1000  }
0x51: {  	[sflag:s22] =	ssyncset.done $0x0  }
0x52: {  	[sflag:s22] =	ssyncadd.s32 $0xFFFFF000  }
0x53: {  	[spmem:s16] =	stream.linear.scatter [tilespmem:s24], [sflag:$0x3], $0x1000, $0x38;
	[tilespmem:$0x1AF00] =	vst v63  }
0x54: {  	_ =	swait.ge [sflag:s22], $0x1000  }
0x55: {  	[sflag:s22] =	ssyncset.done $0x0  }
0x56: {  	[sflag:s22] =	ssyncadd.s32 $0xFFFFF000  }
0x57: {  	[spmem:s17] =	stream.linear.scatter [tilespmem:s24], [sflag:$0x3], $0x1000, $0x38;
	[tilespmem:$0x1AF00] =	vst v63  }
0x58: {  	_ =	swait.ge [sflag:s22], $0x1000  }
0x59: {  	[sflag:s22] =	ssyncset.done $0x0  }
0x5a: {  	[sflag:s22] =	ssyncadd.s32 $0xFFFFF000  }
0x5b: {  	[spmem:s18] =	stream.linear.scatter [tilespmem:s24], [sflag:$0x3], $0x1000, $0x38;
	[tilespmem:$0x1AF00] =	vst v63  }
0x5c: {  	_ =	swait.ge [sflag:s22], $0x1000  }
0x5d: {  	[sflag:s22] =	ssyncset.done $0x0  }
0x5e: {  	[sflag:s22] =	ssyncadd.s32 $0xFFFFF000  }
0x5f: {  	s31 =	simm.s32 $0x0;
	[bflag:$0x0] =	sbarrier.arrive $0xFFFF  }
0x60: {  	[tilespmem:s24], [sflag:$0x1] =	stream.indirect.gather [spmem:s2], $0x40, s31, s25, $0xb8;
	[tilespmem:$0x1AF00] =	vst v63  }
0x61: {  	_ =	swait.ge [sflag:s26], $0x1000  }
0x62: {  	[sflag:s26] =	ssyncset.done $0x0  }
0x63: {  	s30 =	simm.s32 $0x40;
	[sflag:s26] =	ssyncadd.s32 $0xFFFFF000  }
0x64: {  	[tilespmem:s28], [sflag:$0x2] =	stream.indirect.gather [spmem:s2], $0x40, s30, s25, $0xb8;
	[tilespmem:$0x1AF00] =	vst v63  }
0x65: {  	s31 =	simm.s32 $0x2780  }
0x66: {  	[spmem:s3] =	stream.indirect.scatter.add.f32 [tilespmem:s24], [sflag:$0x3], $0x40, s31, s25, $0xb8;
	[tilespmem:$0x1AF00] =	vst v63  }
0x67: {  	_ =	swait.ge [sflag:s22], $0x1000  }
0x68: {  	[sflag:s22] =	ssyncset.done $0x0  }
0x69: {  	[sflag:s22] =	ssyncadd.s32 $0xFFFFF000  }
0x6a: {  	_ =	swait.ge [sflag:s29], $0x1000  }
0x6b: {  	[sflag:s29] =	ssyncset.done $0x0  }
0x6c: {  	s30 =	simm.s32 $0x80;
	[sflag:s29] =	ssyncadd.s32 $0xFFFFF000  }
0x6d: {  	[tilespmem:s24], [sflag:$0x1] =	stream.indirect.gather [spmem:s2], $0x40, s30, s25, $0xb8;
	[tilespmem:$0x1AF00] =	vst v63  }
0x6e: {  	s31 =	simm.s32 $0x27C0  }
0x6f: {  	[spmem:s3] =	stream.indirect.scatter.add.f32 [tilespmem:s28], [sflag:$0x3], $0x40, s31, s25, $0xb8;
	[tilespmem:$0x1AF00] =	vst v63  }
0x70: {  	_ =	swait.ge [sflag:s22], $0x1000  }
0x71: {  	s23 =	simm.s32 $0x200;
	[sflag:s22] =	ssyncset.done $0x0  }
.LBB2_4:
0x72: {  	p0 =	sne.s32 s23, $0x9A00  }
0x73: {  	[sflag:s22] =	ssyncadd.s32 $0xFFFFF000;
	s30 =	smov.u32 s23;
	s23 =	sadd.s32 $0x200, s23  }
0x74: {  	_ = 	snop  }
0x75: {  	_ =	swait.ge [sflag:s26], $0x1000  }
0x76: {  	s30 =	sshra.s32 s30, $0x2;
	[sflag:s26] =	ssyncset.done $0x0  }
0x77: {  	s31 =	sadd.s32 $0x40, s30;
	[sflag:s26] =	ssyncadd.s32 $0xFFFFF000  }
0x78: {  	[tilespmem:s28], [sflag:$0x2] =	stream.indirect.gather [spmem:s2], $0x40, s31, s25, $0xb8;
	[tilespmem:$0x1AF00] =	vst v63  }
0x79: {  	s31 =	sadd.s32 $0x2780, s30  }
0x7a: {  	[spmem:s3] =	stream.indirect.scatter.add.f32 [tilespmem:s24], [sflag:$0x3], $0x40, s31, s25, $0xb8;
	[tilespmem:$0x1AF00] =	vst v63  }
0x7b: {  	_ =	swait.ge [sflag:s22], $0x1000  }
0x7c: {  	[sflag:s22] =	ssyncset.done $0x0  }
0x7d: {  	[sflag:s22] =	ssyncadd.s32 $0xFFFFF000  }
0x7e: {  	_ =	swait.ge [sflag:s29], $0x1000  }
0x7f: {  	[sflag:s29] =	ssyncset.done $0x0  }
0x80: {  	s31 =	sadd.s32 $0x80, s30;
	[sflag:s29] =	ssyncadd.s32 $0xFFFFF000  }
0x81: {  	[tilespmem:s24], [sflag:$0x1] =	stream.indirect.gather [spmem:s2], $0x40, s31, s25, $0xb8;
	[tilespmem:$0x1AF00] =	vst v63  }
.Ltmp1:
0x82: {  	_ = 	snop;
	(pc) =	sbr.rel @p0 .LBB2_4-.Ltmp1, $4  }
0x83: {  	s30 =	sadd.s32 $0x27C0, s30  }
0x84: {  	[spmem:s3] =	stream.indirect.scatter.add.f32 [tilespmem:s28], [sflag:$0x3], $0x40, s30, s25, $0xb8;
	[tilespmem:$0x1AF00] =	vst v63  }
0x85: {  	_ =	swait.ge [sflag:s22], $0x1000  }
0x86: {  	[sflag:s22] =	ssyncset.done $0x0  }
0x87: {  	[sflag:s22] =	ssyncadd.s32 $0xFFFFF000  }
0x88: {  	_ =	swait.ge [sflag:s26], $0x1000  }
0x89: {  	[sflag:s26] =	ssyncset.done $0x0  }
0x8a: {  	s23 =	simm.s32 $0x2740;
	[sflag:s26] =	ssyncadd.s32 $0xFFFFF000  }
0x8b: {  	[tilespmem:s28], [sflag:$0x2] =	stream.indirect.gather [spmem:s2], $0x40, s23, s25, $0xb8;
	[tilespmem:$0x1AF00] =	vst v63  }
0x8c: {  	s30 =	simm.s32 $0x4E80  }
0x8d: {  	[spmem:s3] =	stream.indirect.scatter.add.f32 [tilespmem:s24], [sflag:$0x3], $0x40, s30, s25, $0xb8;
	[tilespmem:$0x1AF00] =	vst v63  }
0x8e: {  	_ =	swait.ge [sflag:s22], $0x1000  }
0x8f: {  	[sflag:s22] =	ssyncset.done $0x0  }
0x90: {  	[sflag:s22] =	ssyncadd.s32 $0xFFFFF000  }
0x91: {  	_ =	swait.ge [sflag:s29], $0x1000  }
0x92: {  	[sflag:s29] =	ssyncset.done $0x0  }
0x93: {  	[sflag:s29] =	ssyncadd.s32 $0xFFFFF000  }
0x94: {  	[spmem:s3] =	stream.indirect.scatter.add.f32 [tilespmem:s28], [sflag:$0x3], $0x40, s1, s25, $0xb8;
	[tilespmem:$0x1AF00] =	vst v63  }
0x95: {  	_ =	swait.ge [sflag:s22], $0x1000  }
0x96: {  	s0 =	sadd.s32 $0x1, s0;
	[sflag:s22] =	ssyncset.done $0x0  }
0x97: {  	p0 =	sne.s32 s0, s20;
	[sflag:s22] =	ssyncadd.s32 $0xFFFFF000  }
.Ltmp2:
0x98: {  	s31 =	sshrl.u32 s9, $0x3;
	[bflag:$0x0] =	sbarrier.arrive $0xFFFF;
	(pc) =	sbr.rel @p0 .LBB2_1-.Ltmp2, $4  }
0x99: {  	[hbm:s19], [sflag:s6] =	dma.local [spmem:s31], $0x1400  }
0x9a: {  	_ =	swait.ge [sflag:s22], $0x1400  }
0x9b: {  	[sflag:s22] =	ssyncset.done $0x0  }
0x9c: {  	[sflag:s22] =	ssyncadd.s32 $0xFFFFEC00  }
0x9d: {  	_ =	sfence.sel $0x180000  }
0x9e: {  	[bflag:$0x0] =	sbarrier.arrive $0xFFFF  }
0x9f: {  	_ =	strace $0x9000004D  }
0xa0: {  	s0 =	stileid.u32;
	[bflag:$0x2] =	sbarrier.arrive $0xFFFF  }
0xa1: {  	p0 =	sne.s32 s0, $0x0;
	s0 =	rddreg [dreg:$0x3]  }
0xa2: {  	s0 =	sadd.s32 @!p0 $0x100000, s0  }
0xa3: {  	[sflag:s0] =	ssyncadd.tile.s32 @!p0 $0x1;
	_ =	shalt  }
.Lfunc_end2:
_tile_overlayer_lowered:
.L_overlay_start_2:
0xa4: {  	(tag) =	ssettag $0x2  }
0xa5: {  	s0 =	rddreg [dreg:$0x0];
	s2 =	stileid.u32  }
0xa6: {  	s1 =	rddreg [dreg:$0x1];
	p0 =	sne.s32 s2, $0x0  }
0xa7: {  	s3 =	rddreg [dreg:$0x2];
	[bflag:$0x3] =	sbarrier.arrive $0xFFFF;
	s2 =	simm.s32 @!p0 $0x1C03  }
0xa8: {  	[timem:s3], [sflag:s2] =	dma.local @!p0 [hbm:s0], s1  }
0xa9: {  	s0 =	simm.s32 @!p0 $0x3  }
0xaa: {  	_ =	swait.ge @!p0 [sflag:s0], s1  }
0xab: {  	s1 =	ssub.s32 @!p0 $0x0, s1;
	[sflag:s0] =	ssyncset.done @!p0 $0x0  }
0xac: {  	[sflag:s0] =	ssyncadd.s32 @!p0 s1  }
0xad: {  	[bflag:$0x3] =	sbarrier.arrive $0xFFFF  }
0xae: {  	_ =	shalt  }

// kernel: kernel.19.cloned.1.call-start
scs
__scs_entry_jumppad:
0x0: {  	(pc) =	sbr.rel $0x88, $3  }
0x1: {  	(tag) =	ssettag $0x0;
	lr =	simm.s32 $0x1  }
0x2: {  	[smem:$0x3F96] =	sst lr;
	_ =	strace $0xD0000000  }
0x3: {  	_ = 	snop  }
0x4: {  	_ = 	snop  }
0x5: {  	_ = 	snop  }
0x6: {  	_ = 	snop  }
0x7: {  	_ = 	snop  }
__scs_overlays_trampoline_lowered:
0x8: {  	[smem:$0x3FA5] =	sst s0  }
0x9: {  	[smem:$0x3FA6] =	sst s1  }
0xa: {  	[smem:$0x3FA7] =	sst s2  }
0xb: {  	[smem:$0x3FA8] =	sst s3  }
0xc: {  	[smem:$0x3FA9] =	sst s4  }
0xd: {  	[smem:$0x3FAA] =	sst s5  }
0xe: {  	[smem:$0x3FAB] =	sst s6  }
0xf: {  	[smem:$0x3FAC] =	sst s7  }
0x10: {  	[smem:$0x3FAD] =	sst s8  }
0x11: {  	[smem:$0x3FAE] =	sst s9;
	s0 =	simm.s32 @!p0 $0x0  }
0x12: {  	s1 =	sld [smem:$0x3F94];
	s0 =	simm.s32 @p0 $0x1  }
0x13: {  	[smem:$0x3FAF] =	sst s0;
	s0 =	simm.s32 @!p1 $0x0  }
0x14: {  	s2 =	sld [smem:$0x3F93];
	s0 =	simm.s32 @p1 $0x1  }
0x15: {  	[smem:$0x3FB0] =	sst s0;
	s0 =	simm.s32 @!p2 $0x0  }
0x16: {  	s3 =	sld [smem:$0x3FDB];
	s0 =	simm.s32 @p2 $0x1  }
0x17: {  	s4 =	simm.s32 $0x1BF5;
	[smem:$0x3FB2] =	sst s0  }
0x18: {  	s0 =	sld [smem:$0x3F95];
	_ =	swait.ge [sflag:s4], $0x0  }
0x19: {  	s7 =	sld [smem:$0x3F96]  }
0x1a: {  	s8 =	sadd.s32 $0xFFFFE003, lr  }
0x1b: {  	s9 =	sadd.s32 $0xFFFFFEF7, lr;
	s5 =	simm.s32 $0xFFFFFFFF;
	p2 =	slt.u32 s8, $0xFFFFF086  }
0x1c: {  	p1 =	slt.u32 s9, $0xF7A;
	s5 =	simm.s32 @!p2 $0x0  }
0x1d: {  	s5 =	simm.s32 @p1 $0x1;
	p0 =	seq.s32 s7, s2  }
0x1e: {  	s7 =	smul.u32 @!p0 $0xF7A, s2;
	p2 =	seq.s32 @!p0 s5, $0x0  }
0x1f: {  	s9 =	smul.u32 $0xF7A, s1;
	s8 =	simm.s32 @!p0 $0x1BF5;
	p2 =	por !p2, p0  }
0x20: {  	[sflag:s8] =	ssyncset.s32 @!p0 $0xFFFFF086;
	s6 =	sadd.s32 @!p0 s3, s7;
	s7 =	simm.s32 @!p0 $0x108  }
0x21: {  	s3 =	sadd.s32 s3, s9;
	s6 =	sadd.s32 @!p0 $0x88, s6;
	s7 =	simm.s32 @p2 $0x1082  }
0x22: {  	[simem:s7], [sflag:s8] =	dma.local @!p0 [hbm:s6], $0xF7A  }
0x23: {  	s9 =	sor.u32 $0xD0000000, s2;
	s6 =	simm.s32 $0x108;
	_ =	swait.ge @!p0 [sflag:s8], $0x0  }
0x24: {  	s3 =	sadd.s32 $0x88, s3;
	s6 =	simm.s32 @!p1 $0x1082;
	[sflag:s4] =	ssyncset.s32 $0xFFFFF086  }
0x25: {  	[simem:s6], [sflag:s4] =	dma.local [hbm:s3], $0xF7A  }
0x26: {  	[smem:$0x3F96] =	sst s1;
	(tag) =	ssettag s2;
	_ =	strace s9  }
0x27: {  	s1 =	sld [smem:$0x3FA6]  }
0x28: {  	s2 =	sld [smem:$0x3FA7]  }
0x29: {  	s4 =	sld [smem:$0x3FA9]  }
0x2a: {  	p0 =	seq.s32 s5, $0x0;
	s5 =	sld [smem:$0x3FAA]  }
0x2b: {  	s6 =	sld [smem:$0x3FAB]  }
0x2c: {  	s7 =	sld [smem:$0x3FAC]  }
0x2d: {  	s3 =	simm.s32 $0x108;
	s8 =	sld [smem:$0x3FAD]  }
0x2e: {  	s3 =	simm.s32 @!p0 $0x1082;
	s9 =	sld [smem:$0x3FAE]  }
0x2f: {  	lr =	sadd.s32 s0, s3;
	s0 =	sld [smem:$0x3FA5]  }
0x30: {  	s3 =	sld [smem:$0x3FA8]  }
0x31: {  	[smem:$0x3FB1] =	sst s10  }
0x32: {  	s10 =	sld [smem:$0x3FAF];
	_ =	sdelay $0x3  }
0x33: {  	p0 =	seq.s32 s10, $0x1;
	s10 =	sld [smem:$0x3FB1];
	_ =	sdelay $0x3  }
0x34: {  	[smem:$0x3FB1] =	sst s10  }
0x35: {  	s10 =	sld [smem:$0x3FB0];
	_ =	sdelay $0x3  }
0x36: {  	p1 =	seq.s32 s10, $0x1;
	s10 =	sld [smem:$0x3FB1];
	_ =	sdelay $0x3  }
0x37: {  	[smem:$0x3FB1] =	sst s10  }
0x38: {  	s10 =	sld [smem:$0x3FB2]  }
0x39: {  	_ = 	snop;
	(pc) =	sbr.ind lr, $3  }
0x3a: {  	_ = 	snop  }
0x3b: {  	_ = 	snop  }
0x3c: {  	p2 =	seq.s32 s10, $0x1;
	s10 =	sld [smem:$0x3FB1]  }
0x3d: {  	_ =	shalt  }
0x3e: {  	_ =	shalt  }
0x3f: {  	_ =	shalt  }
0x40: {  	_ =	shalt  }
0x41: {  	_ =	shalt  }
0x42: {  	_ =	shalt  }
0x43: {  	_ =	shalt  }
0x44: {  	_ =	shalt  }
0x45: {  	_ =	shalt  }
0x46: {  	_ =	shalt  }
0x47: {  	_ =	shalt  }
0x48: {  	_ =	shalt  }
0x49: {  	_ =	shalt  }
0x4a: {  	_ =	shalt  }
0x4b: {  	_ =	shalt  }
0x4c: {  	_ =	shalt  }
0x4d: {  	_ =	shalt  }
0x4e: {  	_ =	shalt  }
0x4f: {  	_ =	shalt  }
0x50: {  	_ =	shalt  }
0x51: {  	_ =	shalt  }
0x52: {  	_ =	shalt  }
0x53: {  	_ =	shalt  }
0x54: {  	_ =	shalt  }
0x55: {  	_ =	shalt  }
0x56: {  	_ =	shalt  }
0x57: {  	_ =	shalt  }
0x58: {  	_ =	shalt  }
0x59: {  	_ =	shalt  }
0x5a: {  	_ =	shalt  }
0x5b: {  	_ =	shalt  }
0x5c: {  	_ =	shalt  }
0x5d: {  	_ =	shalt  }
0x5e: {  	_ =	shalt  }
0x5f: {  	_ =	shalt  }
0x60: {  	_ =	shalt  }
0x61: {  	_ =	shalt  }
0x62: {  	_ =	shalt  }
0x63: {  	_ =	shalt  }
0x64: {  	_ =	shalt  }
0x65: {  	_ =	shalt  }
0x66: {  	_ =	shalt  }
0x67: {  	_ =	shalt  }
0x68: {  	_ =	shalt  }
0x69: {  	_ =	shalt  }
0x6a: {  	_ =	shalt  }
0x6b: {  	_ =	shalt  }
0x6c: {  	_ =	shalt  }
0x6d: {  	_ =	shalt  }
0x6e: {  	_ =	shalt  }
0x6f: {  	_ =	shalt  }
0x70: {  	_ =	shalt  }
0x71: {  	_ =	shalt  }
0x72: {  	_ =	shalt  }
0x73: {  	_ =	shalt  }
0x74: {  	_ =	shalt  }
0x75: {  	_ =	shalt  }
0x76: {  	_ =	shalt  }
0x77: {  	_ =	shalt  }
0x78: {  	_ =	shalt  }
0x79: {  	_ =	shalt  }
0x7a: {  	_ =	shalt  }
0x7b: {  	_ =	shalt  }
0x7c: {  	_ =	shalt  }
0x7d: {  	_ =	shalt  }
0x7e: {  	_ =	shalt  }
0x7f: {  	_ =	shalt  }
0x80: {  	_ =	shalt  }
0x81: {  	_ =	shalt  }
0x82: {  	_ =	shalt  }
0x83: {  	_ =	shalt  }
0x84: {  	_ =	shalt  }
0x85: {  	_ =	shalt  }
0x86: {  	_ =	shalt  }
0x87: {  	_ =	shalt  }
.Lfunc_end0:
.L_simem_size_0:
called_computation.3_lowered:
.L_overlay_start_0:
0x88: {  	s2 =	sld [smem:$0x3FD9]  }
0x89: {  	s3 =	sld [smem:$0x3FFE];
	_ =	sdelay $0x1  }
0x8a: {  	s1 =	srdreg.scid  }
0x8b: {  	s0 =	sand.u32 $0x1, s1  }
0x8c: {  	s16 =	sshll.u32 s0, $0xA;
	s2 =	sadd.s32 s3, s2  }
0x8d: {  	s2 =	sadd.s32 s2, s16  }
0x8e: {  	[smem:$0x3FBD] =	sst s2  }
0x8f: {  	_ = 	snop  }
0x90: {  	(tm) =	ssettm $0x1  }
0x91: {  	s17 =	sld [smem:$0x3FFB];
	_ =	sdelay $0x3  }
0x92: {  	_ =	strace s17  }
0x93: {  	s2 =	sld [smem:$0x3FFC];
	_ =	sdelay $0x3  }
0x94: {  	_ =	strace s2  }
0x95: {  	s2 =	sld [smem:$0x3FFD];
	_ =	sdelay $0x3  }
0x96: {  	_ =	strace s2  }
0x97: {  	_ =	strace $0x8FFFFFFF  }
0x98: {  	s18 =	sld [smem:$0x3FDB];
	_ =	sdelay $0x1  }
0x99: {  	s19 =	simm.s32 $_scs_section_size  }
0x9a: {  	s4 =	simm.s32 $_size__tile_overlayer_lowered;
	s5 =	simm.s32 $_tile_overlayer_lowered  }
0x9b: {  	s22 =	simm.s32 $0x1BFF;
	s21 =	sshll.u32 s5, $0x1;
	s2 =	sadd.s32 s19, s18  }
0x9c: {  	s6 =	simm.s32 $0x0;
	s20 =	sshll.u32 s4, $0x1;
	s4 =	sadd.s32 s21, s2  }
0x9d: {  	[timem:s6], [sflag:s22] =	dma.local [hbm:s4], s20  }
0x9e: {  	_ =	swait.ge [sflag:s22], s20  }
0x9f: {  	s3 =	ssub.s32 $0x0, s20;
	[sflag:s22] =	ssyncset.done $0x0  }
0xa0: {  	[sflag:s22] =	ssyncadd.s32 s3;
	_ =	sdelay $0x1  }
0xa1: {  	s23 =	simm.s32 $0x1B8B  }
0xa2: {  	_ =	swait.ge [sflag:s23], $0x1  }
0xa3: {  	[sflag:s23] =	ssyncset.done $0x0  }
0xa4: {  	s25 =	simm.s32 $0x1B8E;
	s24 =	sld [smem:$0x3FFE];
	[sflag:s23] =	ssyncadd.s32 $0xFFFFFFFF  }
0xa5: {  	s26 =	simm.s32 $execute0_lowered;
	[smem:$0x3FD2] =	sst s25  }
0xa6: {  	s4 =	sshll.u32 s26, $0x1;
	_ =	strace $0x8000004F;
	[dreg:$0x1] =	wrdreg $0xFFFFFFFF  }
0xa7: {  	s28 =	simm.s32 $_size_execute0_lowered;
	s2 =	sadd.s32 s2, s4;
	[dreg:$0x0] =	wrdreg $0x0  }
0xa8: {  	s4 =	sshll.u32 s28, $0x1;
	[dreg:$0x2] =	wrdreg s2  }
0xa9: {  	[dreg:$0x3] =	wrdreg s4  }
0xaa: {  	[dreg:$0x4] =	wrdreg $0xC0  }
0xab: {  	_ =	task [dreg:s6], $0x5FFFF  }
0xac: {  	[dreg:$0x1] =	wrdreg $0xFFFFFFFF  }
0xad: {  	[dreg:$0x0] =	wrdreg $0x60  }
0xae: {  	[dreg:$0x2] =	wrdreg s24  }
0xaf: {  	[dreg:$0x3] =	wrdreg $0xAF000  }
0xb0: {  	[dreg:$0x4] =	wrdreg $0x5F000  }
0xb1: {  	[dreg:$0x5] =	wrdreg $0x9  }
0xb2: {  	_ =	task.clear_ibuf [dreg:s6], $0x6FFFF;
	_ =	strace $0x9000004F  }
0xb3: {  	s29 =	simm.s32 $0x9;
	_ =	strace $0x80000051  }
0xb4: {  	_ =	swait.ge [sflag:s29], $0x1  }
0xb5: {  	[sflag:s29] =	ssyncadd.s32 $0xFFFFFFFF  }
0xb6: {  	_ =	strace $0x90000051  }
0xb7: {  	_ =	sfence  }
0xb8: {  	s30 =	sld [smem:$0x0];
	_ =	sdelay $0x2  }
0xb9: {  	s31 =	sshll.u32 s1, $0xD;
	s1 =	sshrl.u32 s1, $0x2  }
0xba: {  	s3 =	sand.u32 $0x4000, s31;
	s1 =	sadd.s32 s1, s30  }
0xbb: {  	s0 =	sor.u32 s3, s0;
	s1 =	sshll.u32 s1, $0x11  }
0xbc: {  	s0 =	sor.u32 s1, s0  }
0xbd: {  	s0 =	sadd.s32 $0x8F2B, s0  }
0xbe: {  	[sflag:s0] =	ssyncadd.remote.s32 $0x1  }
0xbf: {  	_ =	sfence.sel $0xFFFF  }
0xc0: {  	[dreg:$0x0] =	wrdreg $0xFFFFFFFF;
	(pc) =	sbr.abs _section_cstart, $3  }
0xc1: {  	[dreg:$0x1] =	wrdreg $0xFFFFFFFF  }
0xc2: {  	_ =	task.clear_ibuf [dreg:s6], $0x2FFFF;
	_ =	strace $0x9FFFFFFF  }
0xc3: {  	(tm) =	ssettm $0x7FFFFFFF  }
tec
execute0_lowered:
.L_overlay_start_1:
0x0: {  	(tag) =	ssettag $0x1  }
0x1: {  	s11 =	stileid.u32  }
0x2: {  	s0 =	srdreg.scid;
	s1 =	rddreg [dreg:$0x0]  }
0x3: {  	s2 =	rddreg [dreg:$0x1];
	s22 =	simm.s32 $0x3;
	s9 =	smul.u32 $0x5000, s11  }
0x4: {  	s28 =	simm.s32 $0x5700;
	s29 =	simm.s32 $0x2;
	s6 =	smul.u32 $0xA00, s11  }
0x5: {  	s0 =	sand.u32 $0x1, s0;
	s3 =	sshll.u32 s11, $0x1;
	s26 =	smul.u32 $0x14000, s11  }
0x6: {  	s30 =	sshll.u32 s11, $0x6;
	s4 =	sor.u32 s0, s3;
	s8 =	smul.u32 $0xA000, s0  }
0x7: {  	s3 =	rddreg [dreg:$0x2];
	s0 =	ssub.s32 $0x2, s0;
	s5 =	smul.u32 $0x2710, s4  }
0x8: {  	s4 =	simm.s32 $0x0;
	s7 =	sshrl.u32 s9, $0x3;
	s25 =	sshrl.u32 s0, $0x1  }
0x9: {  	s21 =	sadd.s32 s9, s2;
	s31 =	sshrl.u32 s26, $0x2;
	s9 =	sadd.s32 s9, s3  }
0xa: {  	s26 =	simm.s32 $0x1;
	[smem:$0x7FF] =	sst s4;
	s7 =	sadd.s32 s7, s1  }
0xb: {  	s24 =	sadd.s32 s6, s8;
	s0 =	ssub.s32 s0, s25;
	s6 =	sor.u32 $0x1C03, s30  }
0xc: {  	s18 =	sadd.s32 s31, s3;
	s21 =	sshrl.u32 s21, $0x3;
	s25 =	simm.s32 $0x40  }
0xd: {  	_ =	strace $0x80000050;
	s5 =	sshrl.u32 s5, $0x3;
	s11 =	sadd.s32 $0x1000, s18  }
0xe: {  	v0 =	vlaneseq.u32;
	s12 =	sadd.s32 $0x1800, s18;
	s13 =	sadd.s32 $0x2000, s18;
	s14 =	sadd.s32 $0x2800, s18  }
0xf: {  	v14 =	vimm.f32 $0.0e+00;
	v1 =	vor.u32 $0x10, v0;
	s15 =	sadd.s32 $0x3000, s18;
	s16 =	sadd.s32 $0x3800, s18;
	s17 =	sadd.s32 $0x4000, s18  }
0x10: {  	v2 =	vor.u32 $0x20, v0;
	v3 =	vor.u32 $0x30, v0;
	v4 =	vor.u32 $0x40, v0;
	s20 =	smax.u32 s0, $0x1;
	s0 =	simm.s32 $0x0;
	s10 =	sadd.s32 s5, s1  }
0x11: {  	v5 =	vor.u32 $0x50, v0;
	v6 =	vor.u32 $0x60, v0;
	v7 =	vor.u32 $0x2710, v0;
	s1 =	sadd.s32 s24, s1;
	s5 =	sadd.s32 $0x16600, s7;
	s24 =	simm.s32 $0x4F00  }
0x12: {  	v8 =	vor.u32 $0x2720, v0;
	v9 =	vor.u32 $0x2730, v0;
	v10 =	vor.u32 $0x2740, v0;
	s7 =	sadd.s32 $0x2C00, s10;
	s8 =	sadd.s32 $0xC840, s10;
	s10 =	sadd.s32 $0x800, s18  }
0x13: {  	v11 =	vor.u32 $0x2750, v0;
	v12 =	vor.u32 $0x2760, v0;
	v13 =	vor.u32 $0x2770, v0;
	s18 =	sadd.s32 $0x4800, s18;
	s19 =	sadd.s32 $0x20600, s1;
	s1 =	simm.s32 $0x4EC0  }
.LBB2_1:
0x14: {  	[spmem:s21], [sflag:s6] =	dma.local [hbm:s5], $0xA00  }
0x15: {  	_ =	swait.ge [sflag:s22], $0xA00  }
0x16: {  	[sflag:s22] =	ssyncset.done $0x0  }
0x17: {  	[sflag:s22] =	ssyncadd.s32 $0xFFFFF600  }
0x18: {  	[tilespmem:s4], [sflag:$0x3] =	stream.linear.gather [hbm4b:s7+s4], $0x2710, $0x38;
	[tilespmem:$0xFF00] =	vst v63  }
0x19: {  	_ =	swait.ge [sflag:s22], $0x2710  }
0x1a: {  	[sflag:s22] =	ssyncset.done $0x0  }
0x1b: {  	s23 =	simm.s32 $0x2780;
	[sflag:s22] =	ssyncadd.s32 $0xFFFFD8F0  }
0x1c: {  	[tilespmem:s23], [sflag:$0x3] =	stream.linear.gather [hbm4b:s8+s4], $0x2710, $0x38;
	[tilespmem:$0xFF00] =	vst v63  }
0x1d: {  	_ =	swait.ge [sflag:s22], $0x2710  }
0x1e: {  	[sflag:s22] =	ssyncset.done $0x0  }
0x1f: {  	[sflag:s22] =	ssyncadd.s32 $0xFFFFD8F0  }
0x20: {  	[tilespmem:$0x2710] =	vst v0  }
0x21: {  	[tilespmem:$0x2720] =	vst v1  }
0x22: {  	[tilespmem:$0x2730] =	vst v2  }
0x23: {  	[tilespmem:$0x2740] =	vst v3  }
0x24: {  	[tilespmem:$0x2750] =	vst v4  }
0x25: {  	[tilespmem:$0x2760] =	vst v5  }
0x26: {  	[tilespmem:$0x2770] =	vst v6  }
0x27: {  	[tilespmem:$0x4E90] =	vst v7  }
0x28: {  	[tilespmem:$0x4EA0] =	vst v8  }
0x29: {  	[tilespmem:$0x4EB0] =	vst v9  }
0x2a: {  	[tilespmem:$0x4EC0] =	vst v10  }
0x2b: {  	[tilespmem:$0x4ED0] =	vst v11  }
0x2c: {  	[tilespmem:$0x4EE0] =	vst v12  }
0x2d: {  	s30 =	simm.s32 $0x0;
	s23 =	simm.s32 $0x80;
	[tilespmem:$0x4EF0] =	vst v13  }
.LBB2_2:
0x2e: {  	p0 =	sne.s32 s23, $0x1F80;
	[tilespmem:s30+$0x4F00] =	vst v14;
	s31 =	smov.u32 s23;
	s23 =	sadd.s32 $0x80, s23  }
.Ltmp0:
0x2f: {  	[tilespmem:s30+$0x4F10] =	vst v14;
	(pc) =	sbr.rel @p0 .LBB2_2-.Ltmp0, $2  }
0x30: {  	_ =	sdelay $0x2  }
0x31: {  	s30 =	sshra.s32 s31, $0x2  }
0x32: {  	[tilespmem:s30+$0x4F00] =	vst v14  }
0x33: {  	[tilespmem:s30+$0x4F10] =	vst v14  }
0x34: {  	[spmem:s9] =	stream.linear.scatter [tilespmem:s24], [sflag:$0x3], $0x800, $0x38;
	[tilespmem:$0xFF00] =	vst v63  }
0x35: {  	_ =	swait.ge [sflag:s22], $0x800  }
0x36: {  	[sflag:s22] =	ssyncset.done $0x0  }
0x37: {  	[sflag:s22] =	ssyncadd.s32 $0xFFFFF800  }
0x38: {  	[spmem:s10] =	stream.linear.scatter [tilespmem:s24], [sflag:$0x3], $0x800, $0x38;
	[tilespmem:$0xFF00] =	vst v63  }
0x39: {  	_ =	swait.ge [sflag:s22], $0x800  }
0x3a: {  	[sflag:s22] =	ssyncset.done $0x0  }
0x3b: {  	[sflag:s22] =	ssyncadd.s32 $0xFFFFF800  }
0x3c: {  	[spmem:s11] =	stream.linear.scatter [tilespmem:s24], [sflag:$0x3], $0x800, $0x38;
	[tilespmem:$0xFF00] =	vst v63  }
0x3d: {  	_ =	swait.ge [sflag:s22], $0x800  }
0x3e: {  	[sflag:s22] =	ssyncset.done $0x0  }
0x3f: {  	[sflag:s22] =	ssyncadd.s32 $0xFFFFF800  }
0x40: {  	[spmem:s12] =	stream.linear.scatter [tilespmem:s24], [sflag:$0x3], $0x800, $0x38;
	[tilespmem:$0xFF00] =	vst v63  }
0x41: {  	_ =	swait.ge [sflag:s22], $0x800  }
0x42: {  	[sflag:s22] =	ssyncset.done $0x0  }
0x43: {  	[sflag:s22] =	ssyncadd.s32 $0xFFFFF800  }
0x44: {  	[spmem:s13] =	stream.linear.scatter [tilespmem:s24], [sflag:$0x3], $0x800, $0x38;
	[tilespmem:$0xFF00] =	vst v63  }
0x45: {  	_ =	swait.ge [sflag:s22], $0x800  }
0x46: {  	[sflag:s22] =	ssyncset.done $0x0  }
0x47: {  	[sflag:s22] =	ssyncadd.s32 $0xFFFFF800  }
0x48: {  	[spmem:s14] =	stream.linear.scatter [tilespmem:s24], [sflag:$0x3], $0x800, $0x38;
	[tilespmem:$0xFF00] =	vst v63  }
0x49: {  	_ =	swait.ge [sflag:s22], $0x800  }
0x4a: {  	[sflag:s22] =	ssyncset.done $0x0  }
0x4b: {  	[sflag:s22] =	ssyncadd.s32 $0xFFFFF800  }
0x4c: {  	[spmem:s15] =	stream.linear.scatter [tilespmem:s24], [sflag:$0x3], $0x800, $0x38;
	[tilespmem:$0xFF00] =	vst v63  }
0x4d: {  	_ =	swait.ge [sflag:s22], $0x800  }
0x4e: {  	[sflag:s22] =	ssyncset.done $0x0  }
0x4f: {  	[sflag:s22] =	ssyncadd.s32 $0xFFFFF800  }
0x50: {  	[spmem:s16] =	stream.linear.scatter [tilespmem:s24], [sflag:$0x3], $0x800, $0x38;
	[tilespmem:$0xFF00] =	vst v63  }
0x51: {  	_ =	swait.ge [sflag:s22], $0x800  }
0x52: {  	[sflag:s22] =	ssyncset.done $0x0  }
0x53: {  	[sflag:s22] =	ssyncadd.s32 $0xFFFFF800  }
0x54: {  	[spmem:s17] =	stream.linear.scatter [tilespmem:s24], [sflag:$0x3], $0x800, $0x38;
	[tilespmem:$0xFF00] =	vst v63  }
0x55: {  	_ =	swait.ge [sflag:s22], $0x800  }
0x56: {  	[sflag:s22] =	ssyncset.done $0x0  }
0x57: {  	[sflag:s22] =	ssyncadd.s32 $0xFFFFF800  }
0x58: {  	[spmem:s18] =	stream.linear.scatter [tilespmem:s24], [sflag:$0x3], $0x800, $0x38;
	[tilespmem:$0xFF00] =	vst v63  }
0x59: {  	_ =	swait.ge [sflag:s22], $0x800  }
0x5a: {  	[sflag:s22] =	ssyncset.done $0x0  }
0x5b: {  	[sflag:s22] =	ssyncadd.s32 $0xFFFFF800  }
0x5c: {  	s23 =	simm.s32 $0x0;
	[bflag:$0x0] =	sbarrier.arrive $0xFFFF  }
0x5d: {  	[tilespmem:s24], [sflag:$0x1] =	stream.indirect.gather [spmem:s2], $0x20, s23, s25, $0xb8;
	[tilespmem:$0xFF00] =	vst v63  }
0x5e: {  	_ =	swait.ge [sflag:s26], $0x800  }
0x5f: {  	[sflag:s26] =	ssyncset.done $0x0  }
0x60: {  	s30 =	simm.s32 $0x40;
	[sflag:s26] =	ssyncadd.s32 $0xFFFFF800  }
0x61: {  	[tilespmem:s28], [sflag:$0x2] =	stream.indirect.gather [spmem:s2], $0x20, s30, s25, $0xb8;
	[tilespmem:$0xFF00] =	vst v63  }
0x62: {  	s31 =	simm.s32 $0x2780  }
0x63: {  	[spmem:s3] =	stream.indirect.scatter.add.f32 [tilespmem:s24], [sflag:$0x3], $0x20, s31, s25, $0xb8;
	[tilespmem:$0xFF00] =	vst v63  }
0x64: {  	_ =	swait.ge [sflag:s22], $0x800  }
0x65: {  	[sflag:s22] =	ssyncset.done $0x0  }
0x66: {  	[sflag:s22] =	ssyncadd.s32 $0xFFFFF800  }
0x67: {  	_ =	swait.ge [sflag:s29], $0x800  }
0x68: {  	[sflag:s29] =	ssyncset.done $0x0  }
0x69: {  	s30 =	simm.s32 $0x80;
	[sflag:s29] =	ssyncadd.s32 $0xFFFFF800  }
0x6a: {  	[tilespmem:s24], [sflag:$0x1] =	stream.indirect.gather [spmem:s2], $0x20, s30, s25, $0xb8;
	[tilespmem:$0xFF00] =	vst v63  }
0x6b: {  	s31 =	simm.s32 $0x27C0  }
0x6c: {  	[spmem:s3] =	stream.indirect.scatter.add.f32 [tilespmem:s28], [sflag:$0x3], $0x20, s31, s25, $0xb8;
	[tilespmem:$0xFF00] =	vst v63  }
0x6d: {  	_ =	swait.ge [sflag:s22], $0x800  }
0x6e: {  	s23 =	simm.s32 $0x200;
	[sflag:s22] =	ssyncset.done $0x0  }
.LBB2_4:
0x6f: {  	p0 =	sne.s32 s23, $0x9A00  }
0x70: {  	[sflag:s22] =	ssyncadd.s32 $0xFFFFF800;
	s30 =	smov.u32 s23;
	s23 =	sadd.s32 $0x200, s23  }
0x71: {  	_ = 	snop  }
0x72: {  	_ =	swait.ge [sflag:s26], $0x800  }
0x73: {  	s30 =	sshra.s32 s30, $0x2;
	[sflag:s26] =	ssyncset.done $0x0  }
0x74: {  	s31 =	sadd.s32 $0x40, s30;
	[sflag:s26] =	ssyncadd.s32 $0xFFFFF800  }
0x75: {  	[tilespmem:s28], [sflag:$0x2] =	stream.indirect.gather [spmem:s2], $0x20, s31, s25, $0xb8;
	[tilespmem:$0xFF00] =	vst v63  }
0x76: {  	s31 =	sadd.s32 $0x2780, s30  }
0x77: {  	[spmem:s3] =	stream.indirect.scatter.add.f32 [tilespmem:s24], [sflag:$0x3], $0x20, s31, s25, $0xb8;
	[tilespmem:$0xFF00] =	vst v63  }
0x78: {  	_ =	swait.ge [sflag:s22], $0x800  }
0x79: {  	[sflag:s22] =	ssyncset.done $0x0  }
0x7a: {  	[sflag:s22] =	ssyncadd.s32 $0xFFFFF800  }
0x7b: {  	_ =	swait.ge [sflag:s29], $0x800  }
0x7c: {  	[sflag:s29] =	ssyncset.done $0x0  }
0x7d: {  	s31 =	sadd.s32 $0x80, s30;
	[sflag:s29] =	ssyncadd.s32 $0xFFFFF800  }
0x7e: {  	[tilespmem:s24], [sflag:$0x1] =	stream.indirect.gather [spmem:s2], $0x20, s31, s25, $0xb8;
	[tilespmem:$0xFF00] =	vst v63  }
.Ltmp1:
0x7f: {  	_ = 	snop;
	(pc) =	sbr.rel @p0 .LBB2_4-.Ltmp1, $4  }
0x80: {  	s30 =	sadd.s32 $0x27C0, s30  }
0x81: {  	[spmem:s3] =	stream.indirect.scatter.add.f32 [tilespmem:s28], [sflag:$0x3], $0x20, s30, s25, $0xb8;
	[tilespmem:$0xFF00] =	vst v63  }
0x82: {  	_ =	swait.ge [sflag:s22], $0x800  }
0x83: {  	[sflag:s22] =	ssyncset.done $0x0  }
0x84: {  	[sflag:s22] =	ssyncadd.s32 $0xFFFFF800  }
0x85: {  	_ =	swait.ge [sflag:s26], $0x800  }
0x86: {  	[sflag:s26] =	ssyncset.done $0x0  }
0x87: {  	s23 =	simm.s32 $0x2740;
	[sflag:s26] =	ssyncadd.s32 $0xFFFFF800  }
0x88: {  	[tilespmem:s28], [sflag:$0x2] =	stream.indirect.gather [spmem:s2], $0x20, s23, s25, $0xb8;
	[tilespmem:$0xFF00] =	vst v63  }
0x89: {  	s30 =	simm.s32 $0x4E80  }
0x8a: {  	[spmem:s3] =	stream.indirect.scatter.add.f32 [tilespmem:s24], [sflag:$0x3], $0x20, s30, s25, $0xb8;
	[tilespmem:$0xFF00] =	vst v63  }
0x8b: {  	_ =	swait.ge [sflag:s22], $0x800  }
0x8c: {  	[sflag:s22] =	ssyncset.done $0x0  }
0x8d: {  	[sflag:s22] =	ssyncadd.s32 $0xFFFFF800  }
0x8e: {  	_ =	swait.ge [sflag:s29], $0x800  }
0x8f: {  	[sflag:s29] =	ssyncset.done $0x0  }
0x90: {  	[sflag:s29] =	ssyncadd.s32 $0xFFFFF800  }
0x91: {  	[spmem:s3] =	stream.indirect.scatter.add.f32 [tilespmem:s28], [sflag:$0x3], $0x20, s1, s25, $0xb8;
	[tilespmem:$0xFF00] =	vst v63  }
0x92: {  	_ =	swait.ge [sflag:s22], $0x800  }
0x93: {  	s0 =	sadd.s32 $0x1, s0;
	[sflag:s22] =	ssyncset.done $0x0  }
0x94: {  	p0 =	sne.s32 s0, s20;
	[sflag:s22] =	ssyncadd.s32 $0xFFFFF800  }
.Ltmp2:
0x95: {  	s31 =	sshrl.u32 s9, $0x3;
	[bflag:$0x0] =	sbarrier.arrive $0xFFFF;
	(pc) =	sbr.rel @p0 .LBB2_1-.Ltmp2, $4  }
0x96: {  	[hbm:s19], [sflag:s6] =	dma.local [spmem:s31], $0xA00  }
0x97: {  	_ =	swait.ge [sflag:s22], $0xA00  }
0x98: {  	[sflag:s22] =	ssyncset.done $0x0  }
0x99: {  	[sflag:s22] =	ssyncadd.s32 $0xFFFFF600  }
0x9a: {  	_ =	sfence.sel $0x180000  }
0x9b: {  	[bflag:$0x0] =	sbarrier.arrive $0xFFFF  }
0x9c: {  	_ =	strace $0x90000050  }
0x9d: {  	s0 =	stileid.u32;
	[bflag:$0x2] =	sbarrier.arrive $0xFFFF  }
0x9e: {  	p0 =	sne.s32 s0, $0x0;
	s0 =	rddreg [dreg:$0x3]  }
0x9f: {  	s0 =	sadd.s32 @!p0 $0x100000, s0  }
0xa0: {  	[sflag:s0] =	ssyncadd.tile.s32 @!p0 $0x1;
	_ =	shalt  }
.Lfunc_end2:
_tile_overlayer_lowered:
.L_overlay_start_2:
0xa1: {  	(tag) =	ssettag $0x2  }
0xa2: {  	s0 =	rddreg [dreg:$0x0];
	s2 =	stileid.u32  }
0xa3: {  	s1 =	rddreg [dreg:$0x1];
	p0 =	sne.s32 s2, $0x0  }
0xa4: {  	s3 =	rddreg [dreg:$0x2];
	[bflag:$0x3] =	sbarrier.arrive $0xFFFF;
	s2 =	simm.s32 @!p0 $0x1C03  }
0xa5: {  	[timem:s3], [sflag:s2] =	dma.local @!p0 [hbm:s0], s1  }
0xa6: {  	s0 =	simm.s32 @!p0 $0x3  }
0xa7: {  	_ =	swait.ge @!p0 [sflag:s0], s1  }
0xa8: {  	s1 =	ssub.s32 @!p0 $0x0, s1;
	[sflag:s0] =	ssyncset.done @!p0 $0x0  }
0xa9: {  	[sflag:s0] =	ssyncadd.s32 @!p0 s1  }
0xaa: {  	[bflag:$0x3] =	sbarrier.arrive $0xFFFF  }
0xab: {  	_ =	shalt  }

</sc_bundles>
